<compile_context>
chip_gen: v7x
topology: tpu7x:2x2x1
jax: 0.10.2.dev20260603
libtpu: 0.0.44.dev20260713+nightly
codegen_flags: <defaults>
</compile_context>

<pallas_src>
import functools
import math

import jax
import jax.numpy as jnp
from jax import lax
from jax.experimental import pallas as pl
from jax.experimental.pallas import tpu as pltpu
from jax.experimental.pallas import tpu_sc as plsc

_NC, _NS = 2, 16
_CH = 80
_CW = 16


def _blk(n, prefs):
    for b in prefs:
        if n % b == 0:
            return b
    return n


def _swish(x):
    return x * jax.nn.sigmoid(x)


def _ln(x, g, b, eps=1e-5):
    m = jnp.mean(x, axis=-1, keepdims=True)
    d = x - m
    var = jnp.mean(d * d, axis=-1, keepdims=True)
    return d * lax.rsqrt(var + eps) * g + b



def _node_proj(v, wa, wb):
    N, F = v.shape
    H = wa.shape[1]
    BN = _blk(N, [1000, 400, 200, 80, 40, 16, 8])
    out = jax.ShapeDtypeStruct((N, H), jnp.float32)

    def body(v_ref, wa_ref, wb_ref, a_ref, b_ref):
        vb = v_ref[...]
        a_ref[...] = jnp.dot(vb, wa_ref[...], preferred_element_type=jnp.float32)
        b_ref[...] = jnp.dot(vb, wb_ref[...], preferred_element_type=jnp.float32)

    return pl.pallas_call(
        body,
        grid=(N // BN,),
        in_specs=[
            pl.BlockSpec((BN, F), lambda i: (i, 0)),
            pl.BlockSpec((F, H), lambda i: (0, 0)),
            pl.BlockSpec((F, H), lambda i: (0, 0)),
        ],
        out_specs=[
            pl.BlockSpec((BN, H), lambda i: (i, 0)),
            pl.BlockSpec((BN, H), lambda i: (i, 0)),
        ],
        out_shape=[out, out],
    )(v, wa, wb)


def _edge_mlp(G, e, we, b1, w2, b2, gam, bet):
    E, H = G.shape
    BE = _blk(E, [2000, 1000, 400, 160, 80, 40, 16, 8])

    def body(g_ref, e_ref, we_ref, b1_ref, w2_ref, b2_ref,
             gm_ref, bt_ref, o_ref):
        eb = e_ref[...]
        x = g_ref[...] + b1_ref[...]
        x = x + eb[:, 0:1] * we_ref[0:1, :] + eb[:, 1:2] * we_ref[1:2, :]
        x = _swish(x)
        y = jnp.dot(x.astype(jnp.bfloat16),
                    w2_ref[...].astype(jnp.bfloat16),
                    preferred_element_type=jnp.float32) + b2_ref[...]
        y = _swish(y)
        o_ref[...] = _ln(y, gm_ref[...], bt_ref[...])

    return pl.pallas_call(
        body,
        grid=(E // BE,),
        in_specs=[
            pl.BlockSpec((BE, H), lambda i: (i, 0)),
            pl.BlockSpec((BE, 2), lambda i: (i, 0)),
            pl.BlockSpec((2, H), lambda i: (0, 0)),
            pl.BlockSpec((1, H), lambda i: (0, 0)),
            pl.BlockSpec((H, H), lambda i: (0, 0)),
            pl.BlockSpec((1, H), lambda i: (0, 0)),
            pl.BlockSpec((1, H), lambda i: (0, 0)),
            pl.BlockSpec((1, H), lambda i: (0, 0)),
        ],
        out_specs=pl.BlockSpec((BE, H), lambda i: (i, 0)),
        out_shape=jax.ShapeDtypeStruct((E, H), jnp.float32),
    )(G, e, we, b1.reshape(1, H), w2, b2.reshape(1, H),
      gam.reshape(1, H), bet.reshape(1, H))


def _node_mlp(ssum_p, cnt_p, v, variables, w1a, w1v, w1var, b1, w2, b2, gam, bet):
    N, F = v.shape
    H = w2.shape[0]
    NV = variables.shape[1]
    BN = _blk(N, [1000, 400, 200, 80, 40, 16, 8])

    def body(s_ref, c_ref, v_ref, var_ref, w1a_ref, w1v_ref, w1var_ref,
             b1_ref, w2_ref, b2_ref, gm_ref, bt_ref, o_ref):
        s = s_ref[0] + s_ref[1]
        cnt = c_ref[0, :, 0:1] + c_ref[1, :, 0:1]
        aggr = s / jnp.maximum(cnt, 1.0)
        x = jnp.dot(aggr, w1a_ref[...], preferred_element_type=jnp.float32)
        x = x + jnp.dot(v_ref[...], w1v_ref[...], preferred_element_type=jnp.float32)
        varb = var_ref[...]
        for k in range(NV):
            x = x + varb[:, k:k + 1] * w1var_ref[k:k + 1, :]
        x = _swish(x + b1_ref[...])
        y = _swish(jnp.dot(x, w2_ref[...], preferred_element_type=jnp.float32)
                   + b2_ref[...])
        o_ref[...] = _ln(y, gm_ref[...], bt_ref[...])

    return pl.pallas_call(
        body,
        grid=(N // BN,),
        in_specs=[
            pl.BlockSpec((_NC, BN, H), lambda i: (0, i, 0)),
            pl.BlockSpec((_NC, BN, H), lambda i: (0, i, 0)),
            pl.BlockSpec((BN, F), lambda i: (i, 0)),
            pl.BlockSpec((BN, NV), lambda i: (i, 0)),
            pl.BlockSpec((H, H), lambda i: (0, 0)),
            pl.BlockSpec((F, H), lambda i: (0, 0)),
            pl.BlockSpec((NV, H), lambda i: (0, 0)),
            pl.BlockSpec((1, H), lambda i: (0, 0)),
            pl.BlockSpec((H, H), lambda i: (0, 0)),
            pl.BlockSpec((1, H), lambda i: (0, 0)),
            pl.BlockSpec((1, H), lambda i: (0, 0)),
            pl.BlockSpec((1, H), lambda i: (0, 0)),
        ],
        out_specs=pl.BlockSpec((BN, H), lambda i: (i, 0)),
        out_shape=jax.ShapeDtypeStruct((N, H), jnp.float32),
    )(ssum_p, cnt_p, v, variables, w1a, w1v, w1var, b1.reshape(1, H), w2,
      b2.reshape(1, H), gam.reshape(1, H), bet.reshape(1, H))



def _edge_gather(A, B, row3d, col3d):
    N, H = A.shape
    NW, NCH, CH = row3d.shape
    assert NW == _NC * _NS
    E = NW * NCH * CH
    EPW = NCH * CH
    NSL = 2
    mesh = plsc.VectorSubcoreMesh(core_axis_name="c", subcore_axis_name="s",
                                  num_cores=_NC, num_subcores=_NS)

    @functools.partial(
        pl.kernel,
        out_type=jax.ShapeDtypeStruct((E, H), jnp.float32),
        mesh=mesh,
        scratch_types=[
            pltpu.VMEM((NCH, CH), jnp.int32),
            pltpu.VMEM((NCH, CH), jnp.int32),
            pltpu.VMEM((NSL, CH, H), jnp.float32),
            pltpu.VMEM((NSL, CH, H), jnp.float32),
            pltpu.VMEM((NSL, CH, H), jnp.float32),
        ] + [pltpu.SemaphoreType.DMA] * (2 * NSL),
    )
    def gather_k(a_hbm, b_hbm, row_hbm, col_hbm, g_hbm,
                 idxr, idxc, buf1, buf2, bufo, *sems_all):
        sems = list(sems_all[:NSL])
        wsems = list(sems_all[NSL:])
        wid = lax.axis_index("s") * _NC + lax.axis_index("c")
        base = wid * EPW
        pltpu.sync_copy(row_hbm.at[wid], idxr)
        pltpu.sync_copy(col_hbm.at[wid], idxc)

        def start(c, b):
            pltpu.async_copy(a_hbm.at[idxr.at[c]], buf1.at[b], sems[b])
            pltpu.async_copy(b_hbm.at[idxc.at[c]], buf2.at[b], sems[b])

        def drain(c, b):
            pltpu.make_async_copy(a_hbm.at[idxr.at[c]], buf1.at[b],
                                  sems[b]).wait()
            pltpu.make_async_copy(b_hbm.at[idxc.at[c]], buf2.at[b],
                                  sems[b]).wait()

        def wdrain(c, b):
            pltpu.make_async_copy(bufo.at[b],
                                  g_hbm.at[pl.ds(base + c * CH, CH)],
                                  wsems[b]).wait()

        def process(c, b):
            @pl.when(c >= NSL)
            def _():
                wdrain(c - NSL, b)

            def addrow(i, carry2):
                for j in range(H // 16):
                    sl = pl.ds(j * 16, 16)
                    bufo[b, i, sl] = buf1[b, i, sl] + buf2[b, i, sl]
                return carry2

            lax.fori_loop(0, CH, addrow, 0)
            pltpu.async_copy(bufo.at[b], g_hbm.at[pl.ds(base + c * CH, CH)],
                             wsems[b])

        for b in range(min(NSL, NCH)):
            start(b, b)

        def body(g, carry):
            c0 = NSL * g
            for b in range(NSL):
                c = c0 + b

                @pl.when(c < NCH)
                def _(c=c, b=b):
                    drain(c, b)
                    process(c, b)

                    @pl.when(c + NSL < NCH)
                    def _():
                        start(c + NSL, b)

            return carry

        lax.fori_loop(0, -(-NCH // NSL), body, 0)
        for c in range(max(0, NCH - NSL), NCH):
            wdrain(c, c % NSL)

    return gather_k(A, B, row3d, col3d)


def _scatter_sum(e_out, col3d, N):
    E, H = e_out.shape
    NW, NCH, CH = col3d.shape
    assert NW == _NC * _NS and CH == _CH and N % _CH == 0
    EPW = NCH * CH
    NRC = N // _CH
    KMAX = -(-NRC // _NS)
    mesh = plsc.VectorSubcoreMesh(core_axis_name="c", subcore_axis_name="s",
                                  num_cores=_NC, num_subcores=_NS)

    @functools.partial(
        pl.kernel,
        out_type=jax.ShapeDtypeStruct((_NC, N, H), jnp.float32),
        mesh=mesh,
        scratch_types=[
            pltpu.VMEM((NCH, _CH), jnp.int32),
            pltpu.VMEM((2, _CH, H), jnp.float32),
            pltpu.VMEM_SHARED((N, H), jnp.float32),
            pltpu.SemaphoreType.DMA,
            pltpu.SemaphoreType.DMA,
        ],
    )
    def scatter_k(eout_hbm, col_hbm, ssum_hbm, idx2d, ebuf, acc_sh,
                  semA, semB):
        cid = lax.axis_index("c")
        sid = lax.axis_index("s")
        wid = sid * _NC + cid
        base = wid * EPW
        sems = [semA, semB]

        def fill(val):
            def body(i, carry):
                for j in range(H // 16):
                    ebuf[0, i, pl.ds(j * 16, 16)] = jnp.full((16,), val,
                                                             jnp.float32)
                return carry
            lax.fori_loop(0, _CH, body, 0)

        def zero_acc():
            def zchunk(k, carry):
                c = sid + k * _NS

                @pl.when(c < NRC)
                def _():
                    pltpu.sync_copy(ebuf.at[0], acc_sh.at[pl.ds(c * _CH, _CH)])
                return carry
            lax.fori_loop(0, KMAX, zchunk, 0)

        def copy_out(dst):
            def ochunk(k, carry):
                c = sid + k * _NS

                @pl.when(c < NRC)
                def _():
                    pltpu.sync_copy(acc_sh.at[pl.ds(c * _CH, _CH)],
                                    dst.at[cid, pl.ds(c * _CH, _CH)])
                return carry
            lax.fori_loop(0, KMAX, ochunk, 0)

        fill(0.0)
        zero_acc()
        pltpu.sync_copy(col_hbm.at[wid], idx2d)
        plsc.subcore_barrier()

        def start(c, b):
            pltpu.async_copy(eout_hbm.at[pl.ds(base + c * _CH, _CH)],
                             ebuf.at[b], sems[b])

        def drain(c, b):
            pltpu.make_async_copy(eout_hbm.at[pl.ds(base + c * _CH, _CH)],
                                  ebuf.at[b], sems[b]).wait()

        def scat(c, b):
            pltpu.sync_copy(ebuf.at[b], acc_sh.at[idx2d.at[c]], add=True)

        start(0, 0)
        if NCH > 1:
            start(1, 1)

        def body(g, carry):
            c0 = 2 * g
            drain(c0, 0)
            scat(c0, 0)

            @pl.when(c0 + 2 < NCH)
            def _():
                start(c0 + 2, 0)

            @pl.when(c0 + 1 < NCH)
            def _():
                drain(c0 + 1, 1)
                scat(c0 + 1, 1)

            @pl.when(c0 + 3 < NCH)
            def _():
                start(c0 + 3, 1)

            return carry

        lax.fori_loop(0, -(-NCH // 2), body, 0)
        plsc.subcore_barrier()
        copy_out(ssum_hbm)

    return scatter_k(e_out, col3d)


def _count_scatter(col3d, N, H):
    NW, NCH, CH = col3d.shape
    assert NW == _NC * _NS and CH == _CH and N % _CH == 0
    NRC = N // _CH
    KMAX = -(-NRC // _NS)
    mesh = plsc.VectorSubcoreMesh(core_axis_name="c", subcore_axis_name="s",
                                  num_cores=_NC, num_subcores=_NS)

    @functools.partial(
        pl.kernel,
        out_type=jax.ShapeDtypeStruct((_NC, N, H), jnp.float32),
        mesh=mesh,
        scratch_types=[
            pltpu.VMEM((NCH, _CH), jnp.int32),
            pltpu.VMEM((_CH, H), jnp.float32),
            pltpu.VMEM_SHARED((N, H), jnp.float32),
        ],
    )
    def count_k(col_hbm, cnt_hbm, idx2d, onesbuf, acc_sh):
        cid = lax.axis_index("c")
        sid = lax.axis_index("s")
        wid = sid * _NC + cid

        def fill(val):
            def body(i, carry):
                for j in range(H // 16):
                    onesbuf[i, pl.ds(j * 16, 16)] = jnp.full((16,), val,
                                                             jnp.float32)
                return carry
            lax.fori_loop(0, _CH, body, 0)

        fill(0.0)

        def zchunk(k, carry):
            c = sid + k * _NS

            @pl.when(c < NRC)
            def _():
                pltpu.sync_copy(onesbuf, acc_sh.at[pl.ds(c * _CH, _CH)])
            return carry
        lax.fori_loop(0, KMAX, zchunk, 0)
        pltpu.sync_copy(col_hbm.at[wid], idx2d)
        fill(1.0)
        plsc.subcore_barrier()

        def chunk(c, carry):
            pltpu.sync_copy(onesbuf, acc_sh.at[idx2d.at[c]], add=True)
            return carry

        lax.fori_loop(0, NCH, chunk, 0)
        plsc.subcore_barrier()

        def ochunk(k, carry):
            c = sid + k * _NS

            @pl.when(c < NRC)
            def _():
                pltpu.sync_copy(acc_sh.at[pl.ds(c * _CH, _CH)],
                                cnt_hbm.at[cid, pl.ds(c * _CH, _CH)])
            return carry
        lax.fori_loop(0, KMAX, ochunk, 0)

    return count_k(col3d)



def kernel(v, e, variables, edge_index, W1e, b1e, W2e, b2e, g_e, be_e,
           W1n, b1n, W2n, b2n, g_n, be_n):
    N, F = v.shape
    E_ = e.shape[0]
    H = W2e.shape[0]
    NW = _NC * _NS
    CHG = 80
    NCHG = E_ // (NW * CHG)
    row3dg = edge_index[0].reshape(NW, NCHG, CHG)
    col3dg = edge_index[1].reshape(NW, NCHG, CHG)
    NCH = E_ // (NW * _CH)
    col3d = edge_index[1].reshape(NW, NCH, _CH)
    wa = W1e[2:2 + F]
    wb = W1e[2 + F:2 + 2 * F]
    we = W1e[:2]
    w1a = W1n[:H]
    w1v = W1n[H:H + F]
    w1var = W1n[H + F:]

    A, B = _node_proj(v, wa, wb)
    G = _edge_gather(A, B, row3dg, col3dg)
    e_out = _edge_mlp(G, e, we, b1e, W2e, b2e, g_e, be_e)
    cnt_p = _count_scatter(col3d, N, H)
    ssum_p = _scatter_sum(e_out, col3d, N)
    v_out = _node_mlp(ssum_p, cnt_p, v, variables, w1a, w1v, w1var,
                      b1n, W2n, b2n, g_n, be_n)
    return (v_out, e_out)

# --- scband reference (transcript-rebuilt; emitter-appended) ---
"""Pipeline reference for scband-gnblock-21517786153397 (READ-ONLY COPY).

The authoritative reference and input builder live on the scoring server;
editing this copy changes nothing except your own understanding.
"""

import jax, jax.numpy as jnp
import numpy as np

N, E, F, H, NV = 10000, 320000, 128, 128, 4

def _swish(x):
    return x * jax.nn.sigmoid(x)

def _ln(x, g, b, eps=1e-5):
    m = jnp.mean(x, axis=-1, keepdims=True)
    v = jnp.var(x, axis=-1, keepdims=True)
    return (x - m) / jnp.sqrt(v + eps) * g + b

def _linear_init(k, fan_in, fan_out):
    k1, k2 = jax.random.split(k)
    lim = 1.0 / np.sqrt(fan_in)
    W = jax.random.uniform(k1, (fan_in, fan_out), jnp.float32, -lim, lim)
    b = jax.random.uniform(k2, (fan_out,), jnp.float32, -lim, lim)
    return W, b

def setup_inputs(seed: int = 0) -> dict:
    key = jax.random.key(seed)
    ks = jax.random.split(key, 10)
    inp = {}
    inp['v'] = jax.random.normal(ks[0], (N, F), jnp.float32)
    inp['e'] = jax.random.normal(ks[1], (E, 2), jnp.float32)
    inp['variables'] = jax.random.normal(ks[2], (N, NV), jnp.float32)
    inp['edge_index'] = jax.random.randint(ks[3], (2, E), 0, N, jnp.int32)
    # edge_mlp params: Linear(2F+2 -> H), Linear(H -> H), LayerNorm(H)
    inp['W1e'], inp['b1e'] = _linear_init(ks[4], 2 * F + 2, H)
    inp['W2e'], inp['b2e'] = _linear_init(ks[5], H, H)
    inp['g_e'] = jnp.ones((H,), jnp.float32)
    inp['be_e'] = jnp.zeros((H,), jnp.float32)
    # node_mlp params: Linear(F+H+NV -> H), Linear(H -> out=H), LayerNorm(H)
    inp['W1n'], inp['b1n'] = _linear_init(ks[6], F + H + NV, H)
    inp['W2n'], inp['b2n'] = _linear_init(ks[7], H, H)
    inp['g_n'] = jnp.ones((H,), jnp.float32)
    inp['be_n'] = jnp.zeros((H,), jnp.float32)
    return inp

def reference(v, e, variables, edge_index, W1e, b1e, W2e, b2e, g_e, be_e, W1n, b1n, W2n, b2n, g_n, be_n):
    row = edge_index[0]
    col = edge_index[1]
    # edge update
    eh = jnp.concatenate([e, jnp.take(v, row, axis=0), jnp.take(v, col, axis=0)], axis=-1)
    eh = _swish(eh @ W1e + b1e)
    eh = _swish(eh @ W2e + b2e)
    e_out = _ln(eh, g_e, be_e)
    # scatter-mean aggregation over dst nodes (col)
    ssum = jax.ops.segment_sum(e_out, col, num_segments=v.shape[0])
    cnt = jax.ops.segment_sum(jnp.ones((e_out.shape[0], 1), jnp.float32), col, num_segments=v.shape[0])
    aggr = ssum / jnp.clip(cnt, 1.0, None)
    # node update
    nh = jnp.concatenate([aggr, v, variables], axis=-1)
    nh = _swish(nh @ W1n + b1n)
    nh = _swish(nh @ W2n + b2n)
    v_out = _ln(nh, g_n, be_n)
    return (v_out, e_out)

if __name__ == "__main__":
    import jax
    _d = setup_inputs()
    print(jax.jit(kernel)(*tuple(_d.values())))

</pallas_src>

<mosaic_0001>
#map = affine_map<(d0, d1) -> (0, 0)>
#map1 = affine_map<(d0, d1) -> (0, 0, 0)>
module attributes {stable_mosaic.version = 14 : i64} {
  func.func @gather_k(%arg0: i32, %arg1: i32, %arg2: memref<10000x128xf32, #tpu.memory_space<hbm>>, %arg3: memref<10000x128xf32, #tpu.memory_space<hbm>>, %arg4: memref<32x125x80xi32, #tpu.memory_space<hbm>>, %arg5: memref<32x125x80xi32, #tpu.memory_space<hbm>>, %arg6: memref<320000x128xf32, #tpu.memory_space<hbm>>, %arg7: memref<125x80xi32, #tpu.memory_space<vmem>>, %arg8: memref<125x80xi32, #tpu.memory_space<vmem>>, %arg9: memref<2x80x128xf32, #tpu.memory_space<vmem>>, %arg10: memref<2x80x128xf32, #tpu.memory_space<vmem>>, %arg11: memref<2x80x128xf32, #tpu.memory_space<vmem>>, %arg12: memref<!tpu.dma_semaphore, #tpu.memory_space<semaphore_mem>>, %arg13: memref<!tpu.dma_semaphore, #tpu.memory_space<semaphore_mem>>, %arg14: memref<!tpu.dma_semaphore, #tpu.memory_space<semaphore_mem>>, %arg15: memref<!tpu.dma_semaphore, #tpu.memory_space<semaphore_mem>>) attributes {dimension_semantics = [#tpu.dimension_semantics<core_parallel>, #tpu.dimension_semantics<subcore_parallel>], iteration_bounds = array<i64: 2, 16>, scalar_prefetch = 0 : i64, scratch_operands = 9 : i64, tpu.core_type = #tpu.core_type<sc_vector_subcore>, window_params = [{transform_indices = #map}, {transform_indices = #map}, {transform_indices = #map1}, {transform_indices = #map1}, {transform_indices = #map}]} {
    %mul3A = arith.constant 2 : i32
    %mul3A_0 = arith.muli %arg1, %mul3A : i32
    %add3A = arith.addi %mul3A_0, %arg0 : i32
    %mul3A_1 = arith.constant 10000 : i32
    %mul3A_2 = arith.muli %add3A, %mul3A_1 : i32
    "tpu.region"() ({
      %run_scoped3A = tpu.sem_alloc : memref<!tpu.dma_semaphore, #tpu.memory_space<semaphore_mem>>
      %dma_start3A_84 = arith.constant 0 : i32
      %dma_start3A_85 = arith.constant 0 : i32
      %dma_start3A_86 = tpu.memref_slice %arg4[%add3A, %dma_start3A_84, %dma_start3A_85] : memref<32x125x80xi32, #tpu.memory_space<hbm>> -> memref<1x125x80xi32, #tpu.memory_space<hbm>>
      %dma_start3A_87 = tpu.memref_squeeze %dma_start3A_86 : memref<1x125x80xi32, #tpu.memory_space<hbm>> -> memref<125x80xi32, #tpu.memory_space<hbm>>
      %dma_start3A_88 = arith.constant 0 : i32
      %dma_start3A_89 = arith.constant 0 : i32
      %dma_start3A_90 = tpu.memref_slice %arg4[%add3A, %dma_start3A_88, %dma_start3A_89] : memref<32x125x80xi32, #tpu.memory_space<hbm>> -> memref<1x125x80xi32, #tpu.memory_space<hbm>>
      %dma_start3A_91 = tpu.memref_squeeze %dma_start3A_90 : memref<1x125x80xi32, #tpu.memory_space<hbm>> -> memref<125x80xi32, #tpu.memory_space<hbm>>
      tpu.enqueue_dma source(%dma_start3A_91 : memref<125x80xi32, #tpu.memory_space<hbm>>) target(%arg7 : memref<125x80xi32, #tpu.memory_space<vmem>>) target_semaphore(%run_scoped3A : memref<!tpu.dma_semaphore, #tpu.memory_space<semaphore_mem>>)
      %dma_wait3A_92 = arith.constant 0 : i32
      %dma_wait3A_93 = arith.constant 0 : i32
      %dma_wait3A_94 = tpu.memref_slice %arg4[%add3A, %dma_wait3A_92, %dma_wait3A_93] : memref<32x125x80xi32, #tpu.memory_space<hbm>> -> memref<1x125x80xi32, #tpu.memory_space<hbm>>
      %dma_wait3A_95 = tpu.memref_squeeze %dma_wait3A_94 : memref<1x125x80xi32, #tpu.memory_space<hbm>> -> memref<125x80xi32, #tpu.memory_space<hbm>>
      %dma_wait3A_96 = arith.constant 0 : i32
      %dma_wait3A_97 = arith.constant 0 : i32
      %dma_wait3A_98 = tpu.memref_slice %arg4[%add3A, %dma_wait3A_96, %dma_wait3A_97] : memref<32x125x80xi32, #tpu.memory_space<hbm>> -> memref<1x125x80xi32, #tpu.memory_space<hbm>>
      %dma_wait3A_99 = tpu.memref_squeeze %dma_wait3A_98 : memref<1x125x80xi32, #tpu.memory_space<hbm>> -> memref<125x80xi32, #tpu.memory_space<hbm>>
      tpu.wait_dma2 semaphore(%run_scoped3A : memref<!tpu.dma_semaphore, #tpu.memory_space<semaphore_mem>>) src(%dma_wait3A_99 : memref<125x80xi32, #tpu.memory_space<hbm>>) dst(%arg7 : memref<125x80xi32, #tpu.memory_space<vmem>>)
      tpu.yield
    }) : () -> ()
    "tpu.region"() ({
      %run_scoped3A = tpu.sem_alloc : memref<!tpu.dma_semaphore, #tpu.memory_space<semaphore_mem>>
      %dma_start3A_84 = arith.constant 0 : i32
      %dma_start3A_85 = arith.constant 0 : i32
      %dma_start3A_86 = tpu.memref_slice %arg5[%add3A, %dma_start3A_84, %dma_start3A_85] : memref<32x125x80xi32, #tpu.memory_space<hbm>> -> memref<1x125x80xi32, #tpu.memory_space<hbm>>
      %dma_start3A_87 = tpu.memref_squeeze %dma_start3A_86 : memref<1x125x80xi32, #tpu.memory_space<hbm>> -> memref<125x80xi32, #tpu.memory_space<hbm>>
      %dma_start3A_88 = arith.constant 0 : i32
      %dma_start3A_89 = arith.constant 0 : i32
      %dma_start3A_90 = tpu.memref_slice %arg5[%add3A, %dma_start3A_88, %dma_start3A_89] : memref<32x125x80xi32, #tpu.memory_space<hbm>> -> memref<1x125x80xi32, #tpu.memory_space<hbm>>
      %dma_start3A_91 = tpu.memref_squeeze %dma_start3A_90 : memref<1x125x80xi32, #tpu.memory_space<hbm>> -> memref<125x80xi32, #tpu.memory_space<hbm>>
      tpu.enqueue_dma source(%dma_start3A_91 : memref<125x80xi32, #tpu.memory_space<hbm>>) target(%arg8 : memref<125x80xi32, #tpu.memory_space<vmem>>) target_semaphore(%run_scoped3A : memref<!tpu.dma_semaphore, #tpu.memory_space<semaphore_mem>>)
      %dma_wait3A_92 = arith.constant 0 : i32
      %dma_wait3A_93 = arith.constant 0 : i32
      %dma_wait3A_94 = tpu.memref_slice %arg5[%add3A, %dma_wait3A_92, %dma_wait3A_93] : memref<32x125x80xi32, #tpu.memory_space<hbm>> -> memref<1x125x80xi32, #tpu.memory_space<hbm>>
      %dma_wait3A_95 = tpu.memref_squeeze %dma_wait3A_94 : memref<1x125x80xi32, #tpu.memory_space<hbm>> -> memref<125x80xi32, #tpu.memory_space<hbm>>
      %dma_wait3A_96 = arith.constant 0 : i32
      %dma_wait3A_97 = arith.constant 0 : i32
      %dma_wait3A_98 = tpu.memref_slice %arg5[%add3A, %dma_wait3A_96, %dma_wait3A_97] : memref<32x125x80xi32, #tpu.memory_space<hbm>> -> memref<1x125x80xi32, #tpu.memory_space<hbm>>
      %dma_wait3A_99 = tpu.memref_squeeze %dma_wait3A_98 : memref<1x125x80xi32, #tpu.memory_space<hbm>> -> memref<125x80xi32, #tpu.memory_space<hbm>>
      tpu.wait_dma2 semaphore(%run_scoped3A : memref<!tpu.dma_semaphore, #tpu.memory_space<semaphore_mem>>) src(%dma_wait3A_99 : memref<125x80xi32, #tpu.memory_space<hbm>>) dst(%arg8 : memref<125x80xi32, #tpu.memory_space<vmem>>)
      tpu.yield
    }) : () -> ()
    %dma_start3A = arith.constant 0 : i32
    %dma_start3A_3 = arith.constant 0 : i32
    %dma_start3A_4 = arith.constant 0 : i32
    %dma_start3A_5 = arith.constant 0 : i32
    %dma_start3A_6 = tpu.memref_slice %arg9[%dma_start3A_3, %dma_start3A_4, %dma_start3A_5] : memref<2x80x128xf32, #tpu.memory_space<vmem>> -> memref<1x80x128xf32, #tpu.memory_space<vmem>>
    %dma_start3A_7 = tpu.memref_squeeze %dma_start3A_6 : memref<1x80x128xf32, #tpu.memory_space<vmem>> -> memref<80x128xf32, #tpu.memory_space<vmem>>
    %dma_start3A_8 = arith.constant 0 : i32
    %dma_start3A_9 = tpu.memref_slice %arg7[%dma_start3A, %dma_start3A_8] : memref<125x80xi32, #tpu.memory_space<vmem>> -> memref<1x80xi32, #tpu.memory_space<vmem>>
    %dma_start3A_10 = tpu.memref_squeeze %dma_start3A_9 : memref<1x80xi32, #tpu.memory_space<vmem>> -> memref<80xi32, #tpu.memory_space<vmem>>
    %dma_start3A_11 = arith.constant 0 : i32
    %dma_start3A_12 = arith.constant 0 : i32
    %dma_start3A_13 = tpu.memref_slice %arg2[%dma_start3A_11, %dma_start3A_12] : memref<10000x128xf32, #tpu.memory_space<hbm>> -> memref<10000x128xf32, #tpu.memory_space<hbm>>
    tpu.enqueue_indirect_dma source(%dma_start3A_13 : memref<10000x128xf32, #tpu.memory_space<hbm>>) target(%dma_start3A_7 : memref<80x128xf32, #tpu.memory_space<vmem>>) offsets(%dma_start3A_10 : memref<80xi32, #tpu.memory_space<vmem>>) semaphore(%arg12 : memref<!tpu.dma_semaphore, #tpu.memory_space<semaphore_mem>>)
    %dma_start3A_14 = arith.constant 0 : i32
    %dma_start3A_15 = arith.constant 0 : i32
    %dma_start3A_16 = arith.constant 0 : i32
    %dma_start3A_17 = arith.constant 0 : i32
    %dma_start3A_18 = tpu.memref_slice %arg10[%dma_start3A_15, %dma_start3A_16, %dma_start3A_17] : memref<2x80x128xf32, #tpu.memory_space<vmem>> -> memref<1x80x128xf32, #tpu.memory_space<vmem>>
    %dma_start3A_19 = tpu.memref_squeeze %dma_start3A_18 : memref<1x80x128xf32, #tpu.memory_space<vmem>> -> memref<80x128xf32, #tpu.memory_space<vmem>>
    %dma_start3A_20 = arith.constant 0 : i32
    %dma_start3A_21 = tpu.memref_slice %arg8[%dma_start3A_14, %dma_start3A_20] : memref<125x80xi32, #tpu.memory_space<vmem>> -> memref<1x80xi32, #tpu.memory_space<vmem>>
    %dma_start3A_22 = tpu.memref_squeeze %dma_start3A_21 : memref<1x80xi32, #tpu.memory_space<vmem>> -> memref<80xi32, #tpu.memory_space<vmem>>
    %dma_start3A_23 = arith.constant 0 : i32
    %dma_start3A_24 = arith.constant 0 : i32
    %dma_start3A_25 = tpu.memref_slice %arg3[%dma_start3A_23, %dma_start3A_24] : memref<10000x128xf32, #tpu.memory_space<hbm>> -> memref<10000x128xf32, #tpu.memory_space<hbm>>
    tpu.enqueue_indirect_dma source(%dma_start3A_25 : memref<10000x128xf32, #tpu.memory_space<hbm>>) target(%dma_start3A_19 : memref<80x128xf32, #tpu.memory_space<vmem>>) offsets(%dma_start3A_22 : memref<80xi32, #tpu.memory_space<vmem>>) semaphore(%arg12 : memref<!tpu.dma_semaphore, #tpu.memory_space<semaphore_mem>>)
    %dma_start3A_26 = arith.constant 1 : i32
    %dma_start3A_27 = arith.constant 1 : i32
    %dma_start3A_28 = arith.constant 0 : i32
    %dma_start3A_29 = arith.constant 0 : i32
    %dma_start3A_30 = tpu.memref_slice %arg9[%dma_start3A_27, %dma_start3A_28, %dma_start3A_29] : memref<2x80x128xf32, #tpu.memory_space<vmem>> -> memref<1x80x128xf32, #tpu.memory_space<vmem>>
    %dma_start3A_31 = tpu.memref_squeeze %dma_start3A_30 : memref<1x80x128xf32, #tpu.memory_space<vmem>> -> memref<80x128xf32, #tpu.memory_space<vmem>>
    %dma_start3A_32 = arith.constant 0 : i32
    %dma_start3A_33 = tpu.memref_slice %arg7[%dma_start3A_26, %dma_start3A_32] : memref<125x80xi32, #tpu.memory_space<vmem>> -> memref<1x80xi32, #tpu.memory_space<vmem>>
    %dma_start3A_34 = tpu.memref_squeeze %dma_start3A_33 : memref<1x80xi32, #tpu.memory_space<vmem>> -> memref<80xi32, #tpu.memory_space<vmem>>
    %dma_start3A_35 = arith.constant 0 : i32
    %dma_start3A_36 = arith.constant 0 : i32
    %dma_start3A_37 = tpu.memref_slice %arg2[%dma_start3A_35, %dma_start3A_36] : memref<10000x128xf32, #tpu.memory_space<hbm>> -> memref<10000x128xf32, #tpu.memory_space<hbm>>
    tpu.enqueue_indirect_dma source(%dma_start3A_37 : memref<10000x128xf32, #tpu.memory_space<hbm>>) target(%dma_start3A_31 : memref<80x128xf32, #tpu.memory_space<vmem>>) offsets(%dma_start3A_34 : memref<80xi32, #tpu.memory_space<vmem>>) semaphore(%arg13 : memref<!tpu.dma_semaphore, #tpu.memory_space<semaphore_mem>>)
    %dma_start3A_38 = arith.constant 1 : i32
    %dma_start3A_39 = arith.constant 1 : i32
    %dma_start3A_40 = arith.constant 0 : i32
    %dma_start3A_41 = arith.constant 0 : i32
    %dma_start3A_42 = tpu.memref_slice %arg10[%dma_start3A_39, %dma_start3A_40, %dma_start3A_41] : memref<2x80x128xf32, #tpu.memory_space<vmem>> -> memref<1x80x128xf32, #tpu.memory_space<vmem>>
    %dma_start3A_43 = tpu.memref_squeeze %dma_start3A_42 : memref<1x80x128xf32, #tpu.memory_space<vmem>> -> memref<80x128xf32, #tpu.memory_space<vmem>>
    %dma_start3A_44 = arith.constant 0 : i32
    %dma_start3A_45 = tpu.memref_slice %arg8[%dma_start3A_38, %dma_start3A_44] : memref<125x80xi32, #tpu.memory_space<vmem>> -> memref<1x80xi32, #tpu.memory_space<vmem>>
    %dma_start3A_46 = tpu.memref_squeeze %dma_start3A_45 : memref<1x80xi32, #tpu.memory_space<vmem>> -> memref<80xi32, #tpu.memory_space<vmem>>
    %dma_start3A_47 = arith.constant 0 : i32
    %dma_start3A_48 = arith.constant 0 : i32
    %dma_start3A_49 = tpu.memref_slice %arg3[%dma_start3A_47, %dma_start3A_48] : memref<10000x128xf32, #tpu.memory_space<hbm>> -> memref<10000x128xf32, #tpu.memory_space<hbm>>
    tpu.enqueue_indirect_dma source(%dma_start3A_49 : memref<10000x128xf32, #tpu.memory_space<hbm>>) target(%dma_start3A_43 : memref<80x128xf32, #tpu.memory_space<vmem>>) offsets(%dma_start3A_46 : memref<80xi32, #tpu.memory_space<vmem>>) semaphore(%arg13 : memref<!tpu.dma_semaphore, #tpu.memory_space<semaphore_mem>>)
    %scan3A = arith.constant 0 : i32
    %scan3A_50 = arith.constant 0 : i32
    %scan3A_51 = arith.constant 63 : i32
    %scan3A_52 = arith.addi %scan3A_50, %scan3A_51 : i32
    %scan3A_53 = arith.constant 1 : i32
    scf.for %scan3A_84 = %scan3A_50 to %scan3A_52 step %scan3A_53  : i32 {
      %mul3A_85 = arith.constant 2 : i32
      %mul3A_86 = arith.muli %mul3A_85, %scan3A_84 : i32
      %add3A_87 = arith.constant 0 : i32
      %add3A_88 = arith.addi %mul3A_86, %add3A_87 : i32
      %lt3A = arith.constant 125 : i32
      %lt3A_89 = arith.cmpi slt, %add3A_88, %lt3A : i32
      %convert_element_type3A = arith.extui %lt3A_89 : i1 to i32
      %cond3A = arith.constant 0 : i32
      %cond3A_90 = arith.cmpi ne, %convert_element_type3A, %cond3A : i32
      scf.if %cond3A_90 {
        %dma_wait3A_98 = arith.constant 0 : i32
        %dma_wait3A_99 = arith.constant 0 : i32
        %dma_wait3A_100 = arith.constant 0 : i32
        %dma_wait3A_101 = tpu.memref_slice %arg9[%dma_wait3A_98, %dma_wait3A_99, %dma_wait3A_100] : memref<2x80x128xf32, #tpu.memory_space<vmem>> -> memref<1x80x128xf32, #tpu.memory_space<vmem>>
        %dma_wait3A_102 = tpu.memref_squeeze %dma_wait3A_101 : memref<1x80x128xf32, #tpu.memory_space<vmem>> -> memref<80x128xf32, #tpu.memory_space<vmem>>
        %dma_wait3A_103 = arith.constant 0 : i32
        %dma_wait3A_104 = tpu.memref_slice %arg7[%add3A_88, %dma_wait3A_103] : memref<125x80xi32, #tpu.memory_space<vmem>> -> memref<1x80xi32, #tpu.memory_space<vmem>>
        %dma_wait3A_105 = tpu.memref_squeeze %dma_wait3A_104 : memref<1x80xi32, #tpu.memory_space<vmem>> -> memref<80xi32, #tpu.memory_space<vmem>>
        %dma_wait3A_106 = arith.constant 0 : i32
        %dma_wait3A_107 = arith.constant 0 : i32
        %dma_wait3A_108 = tpu.memref_slice %arg2[%dma_wait3A_106, %dma_wait3A_107] : memref<10000x128xf32, #tpu.memory_space<hbm>> -> memref<10000x128xf32, #tpu.memory_space<hbm>>
        tpu.wait_indirect_dma semaphore(%arg12 : memref<!tpu.dma_semaphore, #tpu.memory_space<semaphore_mem>>) src(%dma_wait3A_108 : memref<10000x128xf32, #tpu.memory_space<hbm>>) dst(%dma_wait3A_102 : memref<80x128xf32, #tpu.memory_space<vmem>>)
        %dma_wait3A_109 = arith.constant 0 : i32
        %dma_wait3A_110 = arith.constant 0 : i32
        %dma_wait3A_111 = arith.constant 0 : i32
        %dma_wait3A_112 = tpu.memref_slice %arg10[%dma_wait3A_109, %dma_wait3A_110, %dma_wait3A_111] : memref<2x80x128xf32, #tpu.memory_space<vmem>> -> memref<1x80x128xf32, #tpu.memory_space<vmem>>
        %dma_wait3A_113 = tpu.memref_squeeze %dma_wait3A_112 : memref<1x80x128xf32, #tpu.memory_space<vmem>> -> memref<80x128xf32, #tpu.memory_space<vmem>>
        %dma_wait3A_114 = arith.constant 0 : i32
        %dma_wait3A_115 = tpu.memref_slice %arg8[%add3A_88, %dma_wait3A_114] : memref<125x80xi32, #tpu.memory_space<vmem>> -> memref<1x80xi32, #tpu.memory_space<vmem>>
        %dma_wait3A_116 = tpu.memref_squeeze %dma_wait3A_115 : memref<1x80xi32, #tpu.memory_space<vmem>> -> memref<80xi32, #tpu.memory_space<vmem>>
        %dma_wait3A_117 = arith.constant 0 : i32
        %dma_wait3A_118 = arith.constant 0 : i32
        %dma_wait3A_119 = tpu.memref_slice %arg3[%dma_wait3A_117, %dma_wait3A_118] : memref<10000x128xf32, #tpu.memory_space<hbm>> -> memref<10000x128xf32, #tpu.memory_space<hbm>>
        tpu.wait_indirect_dma semaphore(%arg12 : memref<!tpu.dma_semaphore, #tpu.memory_space<semaphore_mem>>) src(%dma_wait3A_119 : memref<10000x128xf32, #tpu.memory_space<hbm>>) dst(%dma_wait3A_113 : memref<80x128xf32, #tpu.memory_space<vmem>>)
        %ge3A = arith.constant 2 : i32
        %ge3A_120 = arith.cmpi sge, %add3A_88, %ge3A : i32
        %convert_element_type3A_121 = arith.extui %ge3A_120 : i1 to i32
        %cond3A_122 = arith.constant 0 : i32
        %cond3A_123 = arith.cmpi ne, %convert_element_type3A_121, %cond3A_122 : i32
        scf.if %cond3A_123 {
          %sub3A = arith.constant 2 : i32
          %sub3A_153 = arith.subi %add3A_88, %sub3A : i32
          %mul3A_154 = arith.constant 80 : i32
          %mul3A_155 = arith.muli %sub3A_153, %mul3A_154 : i32
          %add3A_156 = arith.addi %mul3A_2, %mul3A_155 : i32
          %dma_wait3A_157 = arith.constant 0 : i32
          %dma_wait3A_158 = arith.constant 0 : i32
          %dma_wait3A_159 = arith.constant 0 : i32
          %dma_wait3A_160 = tpu.memref_slice %arg11[%dma_wait3A_157, %dma_wait3A_158, %dma_wait3A_159] : memref<2x80x128xf32, #tpu.memory_space<vmem>> -> memref<1x80x128xf32, #tpu.memory_space<vmem>>
          %dma_wait3A_161 = tpu.memref_squeeze %dma_wait3A_160 : memref<1x80x128xf32, #tpu.memory_space<vmem>> -> memref<80x128xf32, #tpu.memory_space<vmem>>
          %dma_wait3A_162 = arith.constant 0 : i32
          %dma_wait3A_163 = tpu.memref_slice %arg6[%add3A_156, %dma_wait3A_162] : memref<320000x128xf32, #tpu.memory_space<hbm>> -> memref<80x128xf32, #tpu.memory_space<hbm>>
          %dma_wait3A_164 = arith.constant 0 : i32
          %dma_wait3A_165 = tpu.memref_slice %arg6[%add3A_156, %dma_wait3A_164] : memref<320000x128xf32, #tpu.memory_space<hbm>> -> memref<80x128xf32, #tpu.memory_space<hbm>>
          %dma_wait3A_166 = arith.constant 0 : i32
          %dma_wait3A_167 = arith.constant 0 : i32
          %dma_wait3A_168 = tpu.memref_slice %arg11[%dma_wait3A_157, %dma_wait3A_166, %dma_wait3A_167] : memref<2x80x128xf32, #tpu.memory_space<vmem>> -> memref<1x80x128xf32, #tpu.memory_space<vmem>>
          %dma_wait3A_169 = tpu.memref_squeeze %dma_wait3A_168 : memref<1x80x128xf32, #tpu.memory_space<vmem>> -> memref<80x128xf32, #tpu.memory_space<vmem>>
          tpu.wait_dma2 semaphore(%arg14 : memref<!tpu.dma_semaphore, #tpu.memory_space<semaphore_mem>>) src(%dma_wait3A_169 : memref<80x128xf32, #tpu.memory_space<vmem>>) dst(%dma_wait3A_165 : memref<80x128xf32, #tpu.memory_space<hbm>>)
        } else {
        }
        %scan3A_124 = arith.constant 0 : i32
        %scan3A_125 = arith.constant 0 : i32
        %scan3A_126 = arith.constant 80 : i32
        %scan3A_127 = arith.addi %scan3A_125, %scan3A_126 : i32
        %scan3A_128 = arith.constant 1 : i32
        scf.for %scan3A_153 = %scan3A_125 to %scan3A_127 step %scan3A_128  : i32 {
          %get3A = arith.constant 0 : i32
          %get3A_154 = arith.index_cast %get3A : i32 to index
          %get3A_155 = arith.index_cast %scan3A_153 : i32 to index
          %get3A_156 = arith.constant 0 : index
          %get3A_157 = tpu.vector_load %arg9[%get3A_154, %get3A_155, %get3A_156] {strides = array<i32>} : memref<2x80x128xf32, #tpu.memory_space<vmem>>, vector<1x1x16xf32>,
          %get3A_158 = vector.shape_cast %get3A_157 : vector<1x1x16xf32> to vector<16xf32>
          %get3A_159 = arith.constant 0 : i32
          %get3A_160 = arith.index_cast %get3A_159 : i32 to index
          %get3A_161 = arith.index_cast %scan3A_153 : i32 to index
          %get3A_162 = arith.constant 0 : index
          %get3A_163 = tpu.vector_load %arg10[%get3A_160, %get3A_161, %get3A_162] {strides = array<i32>} : memref<2x80x128xf32, #tpu.memory_space<vmem>>, vector<1x1x16xf32>,
          %get3A_164 = vector.shape_cast %get3A_163 : vector<1x1x16xf32> to vector<16xf32>
          %add3A_165 = arith.addf %get3A_158, %get3A_164 : vector<16xf32>
          %swap3A = arith.constant 0 : i32
          %swap3A_166 = arith.index_cast %swap3A : i32 to index
          %swap3A_167 = arith.index_cast %scan3A_153 : i32 to index
          %swap3A_168 = arith.constant 0 : index
          %swap3A_169 = tpu.vector_load %arg11[%swap3A_166, %swap3A_167, %swap3A_168] {strides = array<i32>} : memref<2x80x128xf32, #tpu.memory_space<vmem>>, vector<1x1x16xf32>,
          %swap3A_170 = vector.shape_cast %swap3A_169 : vector<1x1x16xf32> to vector<16xf32>
          %swap3A_171 = vector.shape_cast %add3A_165 : vector<16xf32> to vector<1x1x16xf32>
          tpu.vector_store %arg11[%swap3A_166, %swap3A_167, %swap3A_168], %swap3A_171 {strides = array<i32>} : memref<2x80x128xf32, #tpu.memory_space<vmem>>, vector<1x1x16xf32>,
          %get3A_172 = arith.constant 0 : i32
          %get3A_173 = arith.index_cast %get3A_172 : i32 to index
          %get3A_174 = arith.index_cast %scan3A_153 : i32 to index
          %get3A_175 = arith.constant 16 : index
          %get3A_176 = tpu.vector_load %arg9[%get3A_173, %get3A_174, %get3A_175] {strides = array<i32>} : memref<2x80x128xf32, #tpu.memory_space<vmem>>, vector<1x1x16xf32>,
          %get3A_177 = vector.shape_cast %get3A_176 : vector<1x1x16xf32> to vector<16xf32>
          %get3A_178 = arith.constant 0 : i32
          %get3A_179 = arith.index_cast %get3A_178 : i32 to index
          %get3A_180 = arith.index_cast %scan3A_153 : i32 to index
          %get3A_181 = arith.constant 16 : index
          %get3A_182 = tpu.vector_load %arg10[%get3A_179, %get3A_180, %get3A_181] {strides = array<i32>} : memref<2x80x128xf32, #tpu.memory_space<vmem>>, vector<1x1x16xf32>,
          %get3A_183 = vector.shape_cast %get3A_182 : vector<1x1x16xf32> to vector<16xf32>
          %add3A_184 = arith.addf %get3A_177, %get3A_183 : vector<16xf32>
          %swap3A_185 = arith.constant 0 : i32
          %swap3A_186 = arith.index_cast %swap3A_185 : i32 to index
          %swap3A_187 = arith.index_cast %scan3A_153 : i32 to index
          %swap3A_188 = arith.constant 16 : index
          %swap3A_189 = tpu.vector_load %arg11[%swap3A_186, %swap3A_187, %swap3A_188] {strides = array<i32>} : memref<2x80x128xf32, #tpu.memory_space<vmem>>, vector<1x1x16xf32>,
          %swap3A_190 = vector.shape_cast %swap3A_189 : vector<1x1x16xf32> to vector<16xf32>
          %swap3A_191 = vector.shape_cast %add3A_184 : vector<16xf32> to vector<1x1x16xf32>
          tpu.vector_store %arg11[%swap3A_186, %swap3A_187, %swap3A_188], %swap3A_191 {strides = array<i32>} : memref<2x80x128xf32, #tpu.memory_space<vmem>>, vector<1x1x16xf32>,
          %get3A_192 = arith.constant 0 : i32
          %get3A_193 = arith.index_cast %get3A_192 : i32 to index
          %get3A_194 = arith.index_cast %scan3A_153 : i32 to index
          %get3A_195 = arith.constant 32 : index
          %get3A_196 = tpu.vector_load %arg9[%get3A_193, %get3A_194, %get3A_195] {strides = array<i32>} : memref<2x80x128xf32, #tpu.memory_space<vmem>>, vector<1x1x16xf32>,
          %get3A_197 = vector.shape_cast %get3A_196 : vector<1x1x16xf32> to vector<16xf32>
          %get3A_198 = arith.constant 0 : i32
          %get3A_199 = arith.index_cast %get3A_198 : i32 to index
          %get3A_200 = arith.index_cast %scan3A_153 : i32 to index
          %get3A_201 = arith.constant 32 : index
          %get3A_202 = tpu.vector_load %arg10[%get3A_199, %get3A_200, %get3A_201] {strides = array<i32>} : memref<2x80x128xf32, #tpu.memory_space<vmem>>, vector<1x1x16xf32>,
          %get3A_203 = vector.shape_cast %get3A_202 : vector<1x1x16xf32> to vector<16xf32>
          %add3A_204 = arith.addf %get3A_197, %get3A_203 : vector<16xf32>
          %swap3A_205 = arith.constant 0 : i32
          %swap3A_206 = arith.index_cast %swap3A_205 : i32 to index
          %swap3A_207 = arith.index_cast %scan3A_153 : i32 to index
          %swap3A_208 = arith.constant 32 : index
          %swap3A_209 = tpu.vector_load %arg11[%swap3A_206, %swap3A_207, %swap3A_208] {strides = array<i32>} : memref<2x80x128xf32, #tpu.memory_space<vmem>>, vector<1x1x16xf32>,
          %swap3A_210 = vector.shape_cast %swap3A_209 : vector<1x1x16xf32> to vector<16xf32>
          %swap3A_211 = vector.shape_cast %add3A_204 : vector<16xf32> to vector<1x1x16xf32>
          tpu.vector_store %arg11[%swap3A_206, %swap3A_207, %swap3A_208], %swap3A_211 {strides = array<i32>} : memref<2x80x128xf32, #tpu.memory_space<vmem>>, vector<1x1x16xf32>,
          %get3A_212 = arith.constant 0 : i32
          %get3A_213 = arith.index_cast %get3A_212 : i32 to index
          %get3A_214 = arith.index_cast %scan3A_153 : i32 to index
          %get3A_215 = arith.constant 48 : index
          %get3A_216 = tpu.vector_load %arg9[%get3A_213, %get3A_214, %get3A_215] {strides = array<i32>} : memref<2x80x128xf32, #tpu.memory_space<vmem>>, vector<1x1x16xf32>,
          %get3A_217 = vector.shape_cast %get3A_216 : vector<1x1x16xf32> to vector<16xf32>
          %get3A_218 = arith.constant 0 : i32
          %get3A_219 = arith.index_cast %get3A_218 : i32 to index
          %get3A_220 = arith.index_cast %scan3A_153 : i32 to index
          %get3A_221 = arith.constant 48 : index
          %get3A_222 = tpu.vector_load %arg10[%get3A_219, %get3A_220, %get3A_221] {strides = array<i32>} : memref<2x80x128xf32, #tpu.memory_space<vmem>>, vector<1x1x16xf32>,
          %get3A_223 = vector.shape_cast %get3A_222 : vector<1x1x16xf32> to vector<16xf32>
          %add3A_224 = arith.addf %get3A_217, %get3A_223 : vector<16xf32>
          %swap3A_225 = arith.constant 0 : i32
          %swap3A_226 = arith.index_cast %swap3A_225 : i32 to index
          %swap3A_227 = arith.index_cast %scan3A_153 : i32 to index
          %swap3A_228 = arith.constant 48 : index
          %swap3A_229 = tpu.vector_load %arg11[%swap3A_226, %swap3A_227, %swap3A_228] {strides = array<i32>} : memref<2x80x128xf32, #tpu.memory_space<vmem>>, vector<1x1x16xf32>,
          %swap3A_230 = vector.shape_cast %swap3A_229 : vector<1x1x16xf32> to vector<16xf32>
          %swap3A_231 = vector.shape_cast %add3A_224 : vector<16xf32> to vector<1x1x16xf32>
          tpu.vector_store %arg11[%swap3A_226, %swap3A_227, %swap3A_228], %swap3A_231 {strides = array<i32>} : memref<2x80x128xf32, #tpu.memory_space<vmem>>, vector<1x1x16xf32>,
          %get3A_232 = arith.constant 0 : i32
          %get3A_233 = arith.index_cast %get3A_232 : i32 to index
          %get3A_234 = arith.index_cast %scan3A_153 : i32 to index
          %get3A_235 = arith.constant 64 : index
          %get3A_236 = tpu.vector_load %arg9[%get3A_233, %get3A_234, %get3A_235] {strides = array<i32>} : memref<2x80x128xf32, #tpu.memory_space<vmem>>, vector<1x1x16xf32>,
          %get3A_237 = vector.shape_cast %get3A_236 : vector<1x1x16xf32> to vector<16xf32>
          %get3A_238 = arith.constant 0 : i32
          %get3A_239 = arith.index_cast %get3A_238 : i32 to index
          %get3A_240 = arith.index_cast %scan3A_153 : i32 to index
          %get3A_241 = arith.constant 64 : index
          %get3A_242 = tpu.vector_load %arg10[%get3A_239, %get3A_240, %get3A_241] {strides = array<i32>} : memref<2x80x128xf32, #tpu.memory_space<vmem>>, vector<1x1x16xf32>,
          %get3A_243 = vector.shape_cast %get3A_242 : vector<1x1x16xf32> to vector<16xf32>
          %add3A_244 = arith.addf %get3A_237, %get3A_243 : vector<16xf32>
          %swap3A_245 = arith.constant 0 : i32
          %swap3A_246 = arith.index_cast %swap3A_245 : i32 to index
          %swap3A_247 = arith.index_cast %scan3A_153 : i32 to index
          %swap3A_248 = arith.constant 64 : index
          %swap3A_249 = tpu.vector_load %arg11[%swap3A_246, %swap3A_247, %swap3A_248] {strides = array<i32>} : memref<2x80x128xf32, #tpu.memory_space<vmem>>, vector<1x1x16xf32>,
          %swap3A_250 = vector.shape_cast %swap3A_249 : vector<1x1x16xf32> to vector<16xf32>
          %swap3A_251 = vector.shape_cast %add3A_244 : vector<16xf32> to vector<1x1x16xf32>
          tpu.vector_store %arg11[%swap3A_246, %swap3A_247, %swap3A_248], %swap3A_251 {strides = array<i32>} : memref<2x80x128xf32, #tpu.memory_space<vmem>>, vector<1x1x16xf32>,
          %get3A_252 = arith.constant 0 : i32
          %get3A_253 = arith.index_cast %get3A_252 : i32 to index
          %get3A_254 = arith.index_cast %scan3A_153 : i32 to index
          %get3A_255 = arith.constant 80 : index
          %get3A_256 = tpu.vector_load %arg9[%get3A_253, %get3A_254, %get3A_255] {strides = array<i32>} : memref<2x80x128xf32, #tpu.memory_space<vmem>>, vector<1x1x16xf32>,
          %get3A_257 = vector.shape_cast %get3A_256 : vector<1x1x16xf32> to vector<16xf32>
          %get3A_258 = arith.constant 0 : i32
          %get3A_259 = arith.index_cast %get3A_258 : i32 to index
          %get3A_260 = arith.index_cast %scan3A_153 : i32 to index
          %get3A_261 = arith.constant 80 : index
          %get3A_262 = tpu.vector_load %arg10[%get3A_259, %get3A_260, %get3A_261] {strides = array<i32>} : memref<2x80x128xf32, #tpu.memory_space<vmem>>, vector<1x1x16xf32>,
          %get3A_263 = vector.shape_cast %get3A_262 : vector<1x1x16xf32> to vector<16xf32>
          %add3A_264 = arith.addf %get3A_257, %get3A_263 : vector<16xf32>
          %swap3A_265 = arith.constant 0 : i32
          %swap3A_266 = arith.index_cast %swap3A_265 : i32 to index
          %swap3A_267 = arith.index_cast %scan3A_153 : i32 to index
          %swap3A_268 = arith.constant 80 : index
          %swap3A_269 = tpu.vector_load %arg11[%swap3A_266, %swap3A_267, %swap3A_268] {strides = array<i32>} : memref<2x80x128xf32, #tpu.memory_space<vmem>>, vector<1x1x16xf32>,
          %swap3A_270 = vector.shape_cast %swap3A_269 : vector<1x1x16xf32> to vector<16xf32>
          %swap3A_271 = vector.shape_cast %add3A_264 : vector<16xf32> to vector<1x1x16xf32>
          tpu.vector_store %arg11[%swap3A_266, %swap3A_267, %swap3A_268], %swap3A_271 {strides = array<i32>} : memref<2x80x128xf32, #tpu.memory_space<vmem>>, vector<1x1x16xf32>,
          %get3A_272 = arith.constant 0 : i32
          %get3A_273 = arith.index_cast %get3A_272 : i32 to index
          %get3A_274 = arith.index_cast %scan3A_153 : i32 to index
          %get3A_275 = arith.constant 96 : index
          %get3A_276 = tpu.vector_load %arg9[%get3A_273, %get3A_274, %get3A_275] {strides = array<i32>} : memref<2x80x128xf32, #tpu.memory_space<vmem>>, vector<1x1x16xf32>,
          %get3A_277 = vector.shape_cast %get3A_276 : vector<1x1x16xf32> to vector<16xf32>
          %get3A_278 = arith.constant 0 : i32
          %get3A_279 = arith.index_cast %get3A_278 : i32 to index
          %get3A_280 = arith.index_cast %scan3A_153 : i32 to index
          %get3A_281 = arith.constant 96 : index
          %get3A_282 = tpu.vector_load %arg10[%get3A_279, %get3A_280, %get3A_281] {strides = array<i32>} : memref<2x80x128xf32, #tpu.memory_space<vmem>>, vector<1x1x16xf32>,
          %get3A_283 = vector.shape_cast %get3A_282 : vector<1x1x16xf32> to vector<16xf32>
          %add3A_284 = arith.addf %get3A_277, %get3A_283 : vector<16xf32>
          %swap3A_285 = arith.constant 0 : i32
          %swap3A_286 = arith.index_cast %swap3A_285 : i32 to index
          %swap3A_287 = arith.index_cast %scan3A_153 : i32 to index
          %swap3A_288 = arith.constant 96 : index
          %swap3A_289 = tpu.vector_load %arg11[%swap3A_286, %swap3A_287, %swap3A_288] {strides = array<i32>} : memref<2x80x128xf32, #tpu.memory_space<vmem>>, vector<1x1x16xf32>,
          %swap3A_290 = vector.shape_cast %swap3A_289 : vector<1x1x16xf32> to vector<16xf32>
          %swap3A_291 = vector.shape_cast %add3A_284 : vector<16xf32> to vector<1x1x16xf32>
          tpu.vector_store %arg11[%swap3A_286, %swap3A_287, %swap3A_288], %swap3A_291 {strides = array<i32>} : memref<2x80x128xf32, #tpu.memory_space<vmem>>, vector<1x1x16xf32>,
          %get3A_292 = arith.constant 0 : i32
          %get3A_293 = arith.index_cast %get3A_292 : i32 to index
          %get3A_294 = arith.index_cast %scan3A_153 : i32 to index
          %get3A_295 = arith.constant 112 : index
          %get3A_296 = tpu.vector_load %arg9[%get3A_293, %get3A_294, %get3A_295] {strides = array<i32>} : memref<2x80x128xf32, #tpu.memory_space<vmem>>, vector<1x1x16xf32>,
          %get3A_297 = vector.shape_cast %get3A_296 : vector<1x1x16xf32> to vector<16xf32>
          %get3A_298 = arith.constant 0 : i32
          %get3A_299 = arith.index_cast %get3A_298 : i32 to index
          %get3A_300 = arith.index_cast %scan3A_153 : i32 to index
          %get3A_301 = arith.constant 112 : index
          %get3A_302 = tpu.vector_load %arg10[%get3A_299, %get3A_300, %get3A_301] {strides = array<i32>} : memref<2x80x128xf32, #tpu.memory_space<vmem>>, vector<1x1x16xf32>,
          %get3A_303 = vector.shape_cast %get3A_302 : vector<1x1x16xf32> to vector<16xf32>
          %add3A_304 = arith.addf %get3A_297, %get3A_303 : vector<16xf32>
          %swap3A_305 = arith.constant 0 : i32
          %swap3A_306 = arith.index_cast %swap3A_305 : i32 to index
          %swap3A_307 = arith.index_cast %scan3A_153 : i32 to index
          %swap3A_308 = arith.constant 112 : index
          %swap3A_309 = tpu.vector_load %arg11[%swap3A_306, %swap3A_307, %swap3A_308] {strides = array<i32>} : memref<2x80x128xf32, #tpu.memory_space<vmem>>, vector<1x1x16xf32>,
          %swap3A_310 = vector.shape_cast %swap3A_309 : vector<1x1x16xf32> to vector<16xf32>
          %swap3A_311 = vector.shape_cast %add3A_304 : vector<16xf32> to vector<1x1x16xf32>
          tpu.vector_store %arg11[%swap3A_306, %swap3A_307, %swap3A_308], %swap3A_311 {strides = array<i32>} : memref<2x80x128xf32, #tpu.memory_space<vmem>>, vector<1x1x16xf32>,
        }
        %scan3A_129 = arith.constant 80 : i32
        %mul3A_130 = arith.constant 80 : i32
        %mul3A_131 = arith.muli %add3A_88, %mul3A_130 : i32
        %add3A_132 = arith.addi %mul3A_2, %mul3A_131 : i32
        %dma_start3A_133 = arith.constant 0 : i32
        %dma_start3A_134 = arith.constant 0 : i32
        %dma_start3A_135 = arith.constant 0 : i32
        %dma_start3A_136 = tpu.memref_slice %arg11[%dma_start3A_133, %dma_start3A_134, %dma_start3A_135] : memref<2x80x128xf32, #tpu.memory_space<vmem>> -> memref<1x80x128xf32, #tpu.memory_space<vmem>>
        %dma_start3A_137 = tpu.memref_squeeze %dma_start3A_136 : memref<1x80x128xf32, #tpu.memory_space<vmem>> -> memref<80x128xf32, #tpu.memory_space<vmem>>
        %dma_start3A_138 = arith.constant 0 : i32
        %dma_start3A_139 = tpu.memref_slice %arg6[%add3A_132, %dma_start3A_138] : memref<320000x128xf32, #tpu.memory_space<hbm>> -> memref<80x128xf32, #tpu.memory_space<hbm>>
        %dma_start3A_140 = arith.constant 0 : i32
        %dma_start3A_141 = tpu.memref_slice %arg6[%add3A_132, %dma_start3A_140] : memref<320000x128xf32, #tpu.memory_space<hbm>> -> memref<80x128xf32, #tpu.memory_space<hbm>>
        %dma_start3A_142 = arith.constant 0 : i32
        %dma_start3A_143 = arith.constant 0 : i32
        %dma_start3A_144 = tpu.memref_slice %arg11[%dma_start3A_133, %dma_start3A_142, %dma_start3A_143] : memref<2x80x128xf32, #tpu.memory_space<vmem>> -> memref<1x80x128xf32, #tpu.memory_space<vmem>>
        %dma_start3A_145 = tpu.memref_squeeze %dma_start3A_144 : memref<1x80x128xf32, #tpu.memory_space<vmem>> -> memref<80x128xf32, #tpu.memory_space<vmem>>
        tpu.enqueue_dma source(%dma_start3A_145 : memref<80x128xf32, #tpu.memory_space<vmem>>) target(%dma_start3A_141 : memref<80x128xf32, #tpu.memory_space<hbm>>) target_semaphore(%arg14 : memref<!tpu.dma_semaphore, #tpu.memory_space<semaphore_mem>>)
        %add3A_146 = arith.constant 2 : i32
        %add3A_147 = arith.addi %add3A_88, %add3A_146 : i32
        %lt3A_148 = arith.constant 125 : i32
        %lt3A_149 = arith.cmpi slt, %add3A_147, %lt3A_148 : i32
        %convert_element_type3A_150 = arith.extui %lt3A_149 : i1 to i32
        %cond3A_151 = arith.constant 0 : i32
        %cond3A_152 = arith.cmpi ne, %convert_element_type3A_150, %cond3A_151 : i32
        scf.if %cond3A_152 {
          %add3A_153 = arith.constant 2 : i32
          %add3A_154 = arith.addi %add3A_88, %add3A_153 : i32
          %dma_start3A_155 = arith.constant 0 : i32
          %dma_start3A_156 = arith.constant 0 : i32
          %dma_start3A_157 = arith.constant 0 : i32
          %dma_start3A_158 = tpu.memref_slice %arg9[%dma_start3A_155, %dma_start3A_156, %dma_start3A_157] : memref<2x80x128xf32, #tpu.memory_space<vmem>> -> memref<1x80x128xf32, #tpu.memory_space<vmem>>
          %dma_start3A_159 = tpu.memref_squeeze %dma_start3A_158 : memref<1x80x128xf32, #tpu.memory_space<vmem>> -> memref<80x128xf32, #tpu.memory_space<vmem>>
          %dma_start3A_160 = arith.constant 0 : i32
          %dma_start3A_161 = tpu.memref_slice %arg7[%add3A_154, %dma_start3A_160] : memref<125x80xi32, #tpu.memory_space<vmem>> -> memref<1x80xi32, #tpu.memory_space<vmem>>
          %dma_start3A_162 = tpu.memref_squeeze %dma_start3A_161 : memref<1x80xi32, #tpu.memory_space<vmem>> -> memref<80xi32, #tpu.memory_space<vmem>>
          %dma_start3A_163 = arith.constant 0 : i32
          %dma_start3A_164 = arith.constant 0 : i32
          %dma_start3A_165 = tpu.memref_slice %arg2[%dma_start3A_163, %dma_start3A_164] : memref<10000x128xf32, #tpu.memory_space<hbm>> -> memref<10000x128xf32, #tpu.memory_space<hbm>>
          tpu.enqueue_indirect_dma source(%dma_start3A_165 : memref<10000x128xf32, #tpu.memory_space<hbm>>) target(%dma_start3A_159 : memref<80x128xf32, #tpu.memory_space<vmem>>) offsets(%dma_start3A_162 : memref<80xi32, #tpu.memory_space<vmem>>) semaphore(%arg12 : memref<!tpu.dma_semaphore, #tpu.memory_space<semaphore_mem>>)
          %dma_start3A_166 = arith.constant 0 : i32
          %dma_start3A_167 = arith.constant 0 : i32
          %dma_start3A_168 = arith.constant 0 : i32
          %dma_start3A_169 = tpu.memref_slice %arg10[%dma_start3A_166, %dma_start3A_167, %dma_start3A_168] : memref<2x80x128xf32, #tpu.memory_space<vmem>> -> memref<1x80x128xf32, #tpu.memory_space<vmem>>
          %dma_start3A_170 = tpu.memref_squeeze %dma_start3A_169 : memref<1x80x128xf32, #tpu.memory_space<vmem>> -> memref<80x128xf32, #tpu.memory_space<vmem>>
          %dma_start3A_171 = arith.constant 0 : i32
          %dma_start3A_172 = tpu.memref_slice %arg8[%add3A_154, %dma_start3A_171] : memref<125x80xi32, #tpu.memory_space<vmem>> -> memref<1x80xi32, #tpu.memory_space<vmem>>
          %dma_start3A_173 = tpu.memref_squeeze %dma_start3A_172 : memref<1x80xi32, #tpu.memory_space<vmem>> -> memref<80xi32, #tpu.memory_space<vmem>>
          %dma_start3A_174 = arith.constant 0 : i32
          %dma_start3A_175 = arith.constant 0 : i32
          %dma_start3A_176 = tpu.memref_slice %arg3[%dma_start3A_174, %dma_start3A_175] : memref<10000x128xf32, #tpu.memory_space<hbm>> -> memref<10000x128xf32, #tpu.memory_space<hbm>>
          tpu.enqueue_indirect_dma source(%dma_start3A_176 : memref<10000x128xf32, #tpu.memory_space<hbm>>) target(%dma_start3A_170 : memref<80x128xf32, #tpu.memory_space<vmem>>) offsets(%dma_start3A_173 : memref<80xi32, #tpu.memory_space<vmem>>) semaphore(%arg12 : memref<!tpu.dma_semaphore, #tpu.memory_space<semaphore_mem>>)
        } else {
        }
      } else {
      }
      %add3A_91 = arith.constant 1 : i32
      %add3A_92 = arith.addi %mul3A_86, %add3A_91 : i32
      %lt3A_93 = arith.constant 125 : i32
      %lt3A_94 = arith.cmpi slt, %add3A_92, %lt3A_93 : i32
      %convert_element_type3A_95 = arith.extui %lt3A_94 : i1 to i32
      %cond3A_96 = arith.constant 0 : i32
      %cond3A_97 = arith.cmpi ne, %convert_element_type3A_95, %cond3A_96 : i32
      scf.if %cond3A_97 {
        %dma_wait3A_98 = arith.constant 1 : i32
        %dma_wait3A_99 = arith.constant 0 : i32
        %dma_wait3A_100 = arith.constant 0 : i32
        %dma_wait3A_101 = tpu.memref_slice %arg9[%dma_wait3A_98, %dma_wait3A_99, %dma_wait3A_100] : memref<2x80x128xf32, #tpu.memory_space<vmem>> -> memref<1x80x128xf32, #tpu.memory_space<vmem>>
        %dma_wait3A_102 = tpu.memref_squeeze %dma_wait3A_101 : memref<1x80x128xf32, #tpu.memory_space<vmem>> -> memref<80x128xf32, #tpu.memory_space<vmem>>
        %dma_wait3A_103 = arith.constant 0 : i32
        %dma_wait3A_104 = tpu.memref_slice %arg7[%add3A_92, %dma_wait3A_103] : memref<125x80xi32, #tpu.memory_space<vmem>> -> memref<1x80xi32, #tpu.memory_space<vmem>>
        %dma_wait3A_105 = tpu.memref_squeeze %dma_wait3A_104 : memref<1x80xi32, #tpu.memory_space<vmem>> -> memref<80xi32, #tpu.memory_space<vmem>>
        %dma_wait3A_106 = arith.constant 0 : i32
        %dma_wait3A_107 = arith.constant 0 : i32
        %dma_wait3A_108 = tpu.memref_slice %arg2[%dma_wait3A_106, %dma_wait3A_107] : memref<10000x128xf32, #tpu.memory_space<hbm>> -> memref<10000x128xf32, #tpu.memory_space<hbm>>
        tpu.wait_indirect_dma semaphore(%arg13 : memref<!tpu.dma_semaphore, #tpu.memory_space<semaphore_mem>>) src(%dma_wait3A_108 : memref<10000x128xf32, #tpu.memory_space<hbm>>) dst(%dma_wait3A_102 : memref<80x128xf32, #tpu.memory_space<vmem>>)
        %dma_wait3A_109 = arith.constant 1 : i32
        %dma_wait3A_110 = arith.constant 0 : i32
        %dma_wait3A_111 = arith.constant 0 : i32
        %dma_wait3A_112 = tpu.memref_slice %arg10[%dma_wait3A_109, %dma_wait3A_110, %dma_wait3A_111] : memref<2x80x128xf32, #tpu.memory_space<vmem>> -> memref<1x80x128xf32, #tpu.memory_space<vmem>>
        %dma_wait3A_113 = tpu.memref_squeeze %dma_wait3A_112 : memref<1x80x128xf32, #tpu.memory_space<vmem>> -> memref<80x128xf32, #tpu.memory_space<vmem>>
        %dma_wait3A_114 = arith.constant 0 : i32
        %dma_wait3A_115 = tpu.memref_slice %arg8[%add3A_92, %dma_wait3A_114] : memref<125x80xi32, #tpu.memory_space<vmem>> -> memref<1x80xi32, #tpu.memory_space<vmem>>
        %dma_wait3A_116 = tpu.memref_squeeze %dma_wait3A_115 : memref<1x80xi32, #tpu.memory_space<vmem>> -> memref<80xi32, #tpu.memory_space<vmem>>
        %dma_wait3A_117 = arith.constant 0 : i32
        %dma_wait3A_118 = arith.constant 0 : i32
        %dma_wait3A_119 = tpu.memref_slice %arg3[%dma_wait3A_117, %dma_wait3A_118] : memref<10000x128xf32, #tpu.memory_space<hbm>> -> memref<10000x128xf32, #tpu.memory_space<hbm>>
        tpu.wait_indirect_dma semaphore(%arg13 : memref<!tpu.dma_semaphore, #tpu.memory_space<semaphore_mem>>) src(%dma_wait3A_119 : memref<10000x128xf32, #tpu.memory_space<hbm>>) dst(%dma_wait3A_113 : memref<80x128xf32, #tpu.memory_space<vmem>>)
        %ge3A = arith.constant 2 : i32
        %ge3A_120 = arith.cmpi sge, %add3A_92, %ge3A : i32
        %convert_element_type3A_121 = arith.extui %ge3A_120 : i1 to i32
        %cond3A_122 = arith.constant 0 : i32
        %cond3A_123 = arith.cmpi ne, %convert_element_type3A_121, %cond3A_122 : i32
        scf.if %cond3A_123 {
          %sub3A = arith.constant 2 : i32
          %sub3A_153 = arith.subi %add3A_92, %sub3A : i32
          %mul3A_154 = arith.constant 80 : i32
          %mul3A_155 = arith.muli %sub3A_153, %mul3A_154 : i32
          %add3A_156 = arith.addi %mul3A_2, %mul3A_155 : i32
          %dma_wait3A_157 = arith.constant 1 : i32
          %dma_wait3A_158 = arith.constant 0 : i32
          %dma_wait3A_159 = arith.constant 0 : i32
          %dma_wait3A_160 = tpu.memref_slice %arg11[%dma_wait3A_157, %dma_wait3A_158, %dma_wait3A_159] : memref<2x80x128xf32, #tpu.memory_space<vmem>> -> memref<1x80x128xf32, #tpu.memory_space<vmem>>
          %dma_wait3A_161 = tpu.memref_squeeze %dma_wait3A_160 : memref<1x80x128xf32, #tpu.memory_space<vmem>> -> memref<80x128xf32, #tpu.memory_space<vmem>>
          %dma_wait3A_162 = arith.constant 0 : i32
          %dma_wait3A_163 = tpu.memref_slice %arg6[%add3A_156, %dma_wait3A_162] : memref<320000x128xf32, #tpu.memory_space<hbm>> -> memref<80x128xf32, #tpu.memory_space<hbm>>
          %dma_wait3A_164 = arith.constant 0 : i32
          %dma_wait3A_165 = tpu.memref_slice %arg6[%add3A_156, %dma_wait3A_164] : memref<320000x128xf32, #tpu.memory_space<hbm>> -> memref<80x128xf32, #tpu.memory_space<hbm>>
          %dma_wait3A_166 = arith.constant 0 : i32
          %dma_wait3A_167 = arith.constant 0 : i32
          %dma_wait3A_168 = tpu.memref_slice %arg11[%dma_wait3A_157, %dma_wait3A_166, %dma_wait3A_167] : memref<2x80x128xf32, #tpu.memory_space<vmem>> -> memref<1x80x128xf32, #tpu.memory_space<vmem>>
          %dma_wait3A_169 = tpu.memref_squeeze %dma_wait3A_168 : memref<1x80x128xf32, #tpu.memory_space<vmem>> -> memref<80x128xf32, #tpu.memory_space<vmem>>
          tpu.wait_dma2 semaphore(%arg15 : memref<!tpu.dma_semaphore, #tpu.memory_space<semaphore_mem>>) src(%dma_wait3A_169 : memref<80x128xf32, #tpu.memory_space<vmem>>) dst(%dma_wait3A_165 : memref<80x128xf32, #tpu.memory_space<hbm>>)
        } else {
        }
        %scan3A_124 = arith.constant 0 : i32
        %scan3A_125 = arith.constant 0 : i32
        %scan3A_126 = arith.constant 80 : i32
        %scan3A_127 = arith.addi %scan3A_125, %scan3A_126 : i32
        %scan3A_128 = arith.constant 1 : i32
        scf.for %scan3A_153 = %scan3A_125 to %scan3A_127 step %scan3A_128  : i32 {
          %get3A = arith.constant 1 : i32
          %get3A_154 = arith.index_cast %get3A : i32 to index
          %get3A_155 = arith.index_cast %scan3A_153 : i32 to index
          %get3A_156 = arith.constant 0 : index
          %get3A_157 = tpu.vector_load %arg9[%get3A_154, %get3A_155, %get3A_156] {strides = array<i32>} : memref<2x80x128xf32, #tpu.memory_space<vmem>>, vector<1x1x16xf32>,
          %get3A_158 = vector.shape_cast %get3A_157 : vector<1x1x16xf32> to vector<16xf32>
          %get3A_159 = arith.constant 1 : i32
          %get3A_160 = arith.index_cast %get3A_159 : i32 to index
          %get3A_161 = arith.index_cast %scan3A_153 : i32 to index
          %get3A_162 = arith.constant 0 : index
          %get3A_163 = tpu.vector_load %arg10[%get3A_160, %get3A_161, %get3A_162] {strides = array<i32>} : memref<2x80x128xf32, #tpu.memory_space<vmem>>, vector<1x1x16xf32>,
          %get3A_164 = vector.shape_cast %get3A_163 : vector<1x1x16xf32> to vector<16xf32>
          %add3A_165 = arith.addf %get3A_158, %get3A_164 : vector<16xf32>
          %swap3A = arith.constant 1 : i32
          %swap3A_166 = arith.index_cast %swap3A : i32 to index
          %swap3A_167 = arith.index_cast %scan3A_153 : i32 to index
          %swap3A_168 = arith.constant 0 : index
          %swap3A_169 = tpu.vector_load %arg11[%swap3A_166, %swap3A_167, %swap3A_168] {strides = array<i32>} : memref<2x80x128xf32, #tpu.memory_space<vmem>>, vector<1x1x16xf32>,
          %swap3A_170 = vector.shape_cast %swap3A_169 : vector<1x1x16xf32> to vector<16xf32>
          %swap3A_171 = vector.shape_cast %add3A_165 : vector<16xf32> to vector<1x1x16xf32>
          tpu.vector_store %arg11[%swap3A_166, %swap3A_167, %swap3A_168], %swap3A_171 {strides = array<i32>} : memref<2x80x128xf32, #tpu.memory_space<vmem>>, vector<1x1x16xf32>,
          %get3A_172 = arith.constant 1 : i32
          %get3A_173 = arith.index_cast %get3A_172 : i32 to index
          %get3A_174 = arith.index_cast %scan3A_153 : i32 to index
          %get3A_175 = arith.constant 16 : index
          %get3A_176 = tpu.vector_load %arg9[%get3A_173, %get3A_174, %get3A_175] {strides = array<i32>} : memref<2x80x128xf32, #tpu.memory_space<vmem>>, vector<1x1x16xf32>,
          %get3A_177 = vector.shape_cast %get3A_176 : vector<1x1x16xf32> to vector<16xf32>
          %get3A_178 = arith.constant 1 : i32
          %get3A_179 = arith.index_cast %get3A_178 : i32 to index
          %get3A_180 = arith.index_cast %scan3A_153 : i32 to index
          %get3A_181 = arith.constant 16 : index
          %get3A_182 = tpu.vector_load %arg10[%get3A_179, %get3A_180, %get3A_181] {strides = array<i32>} : memref<2x80x128xf32, #tpu.memory_space<vmem>>, vector<1x1x16xf32>,
          %get3A_183 = vector.shape_cast %get3A_182 : vector<1x1x16xf32> to vector<16xf32>
          %add3A_184 = arith.addf %get3A_177, %get3A_183 : vector<16xf32>
          %swap3A_185 = arith.constant 1 : i32
          %swap3A_186 = arith.index_cast %swap3A_185 : i32 to index
          %swap3A_187 = arith.index_cast %scan3A_153 : i32 to index
          %swap3A_188 = arith.constant 16 : index
          %swap3A_189 = tpu.vector_load %arg11[%swap3A_186, %swap3A_187, %swap3A_188] {strides = array<i32>} : memref<2x80x128xf32, #tpu.memory_space<vmem>>, vector<1x1x16xf32>,
          %swap3A_190 = vector.shape_cast %swap3A_189 : vector<1x1x16xf32> to vector<16xf32>
          %swap3A_191 = vector.shape_cast %add3A_184 : vector<16xf32> to vector<1x1x16xf32>
          tpu.vector_store %arg11[%swap3A_186, %swap3A_187, %swap3A_188], %swap3A_191 {strides = array<i32>} : memref<2x80x128xf32, #tpu.memory_space<vmem>>, vector<1x1x16xf32>,
          %get3A_192 = arith.constant 1 : i32
          %get3A_193 = arith.index_cast %get3A_192 : i32 to index
          %get3A_194 = arith.index_cast %scan3A_153 : i32 to index
          %get3A_195 = arith.constant 32 : index
          %get3A_196 = tpu.vector_load %arg9[%get3A_193, %get3A_194, %get3A_195] {strides = array<i32>} : memref<2x80x128xf32, #tpu.memory_space<vmem>>, vector<1x1x16xf32>,
          %get3A_197 = vector.shape_cast %get3A_196 : vector<1x1x16xf32> to vector<16xf32>
          %get3A_198 = arith.constant 1 : i32
          %get3A_199 = arith.index_cast %get3A_198 : i32 to index
          %get3A_200 = arith.index_cast %scan3A_153 : i32 to index
          %get3A_201 = arith.constant 32 : index
          %get3A_202 = tpu.vector_load %arg10[%get3A_199, %get3A_200, %get3A_201] {strides = array<i32>} : memref<2x80x128xf32, #tpu.memory_space<vmem>>, vector<1x1x16xf32>,
          %get3A_203 = vector.shape_cast %get3A_202 : vector<1x1x16xf32> to vector<16xf32>
          %add3A_204 = arith.addf %get3A_197, %get3A_203 : vector<16xf32>
          %swap3A_205 = arith.constant 1 : i32
          %swap3A_206 = arith.index_cast %swap3A_205 : i32 to index
          %swap3A_207 = arith.index_cast %scan3A_153 : i32 to index
          %swap3A_208 = arith.constant 32 : index
          %swap3A_209 = tpu.vector_load %arg11[%swap3A_206, %swap3A_207, %swap3A_208] {strides = array<i32>} : memref<2x80x128xf32, #tpu.memory_space<vmem>>, vector<1x1x16xf32>,
          %swap3A_210 = vector.shape_cast %swap3A_209 : vector<1x1x16xf32> to vector<16xf32>
          %swap3A_211 = vector.shape_cast %add3A_204 : vector<16xf32> to vector<1x1x16xf32>
          tpu.vector_store %arg11[%swap3A_206, %swap3A_207, %swap3A_208], %swap3A_211 {strides = array<i32>} : memref<2x80x128xf32, #tpu.memory_space<vmem>>, vector<1x1x16xf32>,
          %get3A_212 = arith.constant 1 : i32
          %get3A_213 = arith.index_cast %get3A_212 : i32 to index
          %get3A_214 = arith.index_cast %scan3A_153 : i32 to index
          %get3A_215 = arith.constant 48 : index
          %get3A_216 = tpu.vector_load %arg9[%get3A_213, %get3A_214, %get3A_215] {strides = array<i32>} : memref<2x80x128xf32, #tpu.memory_space<vmem>>, vector<1x1x16xf32>,
          %get3A_217 = vector.shape_cast %get3A_216 : vector<1x1x16xf32> to vector<16xf32>
          %get3A_218 = arith.constant 1 : i32
          %get3A_219 = arith.index_cast %get3A_218 : i32 to index
          %get3A_220 = arith.index_cast %scan3A_153 : i32 to index
          %get3A_221 = arith.constant 48 : index
          %get3A_222 = tpu.vector_load %arg10[%get3A_219, %get3A_220, %get3A_221] {strides = array<i32>} : memref<2x80x128xf32, #tpu.memory_space<vmem>>, vector<1x1x16xf32>,
          %get3A_223 = vector.shape_cast %get3A_222 : vector<1x1x16xf32> to vector<16xf32>
          %add3A_224 = arith.addf %get3A_217, %get3A_223 : vector<16xf32>
          %swap3A_225 = arith.constant 1 : i32
          %swap3A_226 = arith.index_cast %swap3A_225 : i32 to index
          %swap3A_227 = arith.index_cast %scan3A_153 : i32 to index
          %swap3A_228 = arith.constant 48 : index
          %swap3A_229 = tpu.vector_load %arg11[%swap3A_226, %swap3A_227, %swap3A_228] {strides = array<i32>} : memref<2x80x128xf32, #tpu.memory_space<vmem>>, vector<1x1x16xf32>,
          %swap3A_230 = vector.shape_cast %swap3A_229 : vector<1x1x16xf32> to vector<16xf32>
          %swap3A_231 = vector.shape_cast %add3A_224 : vector<16xf32> to vector<1x1x16xf32>
          tpu.vector_store %arg11[%swap3A_226, %swap3A_227, %swap3A_228], %swap3A_231 {strides = array<i32>} : memref<2x80x128xf32, #tpu.memory_space<vmem>>, vector<1x1x16xf32>,
          %get3A_232 = arith.constant 1 : i32
          %get3A_233 = arith.index_cast %get3A_232 : i32 to index
          %get3A_234 = arith.index_cast %scan3A_153 : i32 to index
          %get3A_235 = arith.constant 64 : index
          %get3A_236 = tpu.vector_load %arg9[%get3A_233, %get3A_234, %get3A_235] {strides = array<i32>} : memref<2x80x128xf32, #tpu.memory_space<vmem>>, vector<1x1x16xf32>,
          %get3A_237 = vector.shape_cast %get3A_236 : vector<1x1x16xf32> to vector<16xf32>
          %get3A_238 = arith.constant 1 : i32
          %get3A_239 = arith.index_cast %get3A_238 : i32 to index
          %get3A_240 = arith.index_cast %scan3A_153 : i32 to index
          %get3A_241 = arith.constant 64 : index
          %get3A_242 = tpu.vector_load %arg10[%get3A_239, %get3A_240, %get3A_241] {strides = array<i32>} : memref<2x80x128xf32, #tpu.memory_space<vmem>>, vector<1x1x16xf32>,
          %get3A_243 = vector.shape_cast %get3A_242 : vector<1x1x16xf32> to vector<16xf32>
          %add3A_244 = arith.addf %get3A_237, %get3A_243 : vector<16xf32>
          %swap3A_245 = arith.constant 1 : i32
          %swap3A_246 = arith.index_cast %swap3A_245 : i32 to index
          %swap3A_247 = arith.index_cast %scan3A_153 : i32 to index
          %swap3A_248 = arith.constant 64 : index
          %swap3A_249 = tpu.vector_load %arg11[%swap3A_246, %swap3A_247, %swap3A_248] {strides = array<i32>} : memref<2x80x128xf32, #tpu.memory_space<vmem>>, vector<1x1x16xf32>,
          %swap3A_250 = vector.shape_cast %swap3A_249 : vector<1x1x16xf32> to vector<16xf32>
          %swap3A_251 = vector.shape_cast %add3A_244 : vector<16xf32> to vector<1x1x16xf32>
          tpu.vector_store %arg11[%swap3A_246, %swap3A_247, %swap3A_248], %swap3A_251 {strides = array<i32>} : memref<2x80x128xf32, #tpu.memory_space<vmem>>, vector<1x1x16xf32>,
          %get3A_252 = arith.constant 1 : i32
          %get3A_253 = arith.index_cast %get3A_252 : i32 to index
          %get3A_254 = arith.index_cast %scan3A_153 : i32 to index
          %get3A_255 = arith.constant 80 : index
          %get3A_256 = tpu.vector_load %arg9[%get3A_253, %get3A_254, %get3A_255] {strides = array<i32>} : memref<2x80x128xf32, #tpu.memory_space<vmem>>, vector<1x1x16xf32>,
          %get3A_257 = vector.shape_cast %get3A_256 : vector<1x1x16xf32> to vector<16xf32>
          %get3A_258 = arith.constant 1 : i32
          %get3A_259 = arith.index_cast %get3A_258 : i32 to index
          %get3A_260 = arith.index_cast %scan3A_153 : i32 to index
          %get3A_261 = arith.constant 80 : index
          %get3A_262 = tpu.vector_load %arg10[%get3A_259, %get3A_260, %get3A_261] {strides = array<i32>} : memref<2x80x128xf32, #tpu.memory_space<vmem>>, vector<1x1x16xf32>,
          %get3A_263 = vector.shape_cast %get3A_262 : vector<1x1x16xf32> to vector<16xf32>
          %add3A_264 = arith.addf %get3A_257, %get3A_263 : vector<16xf32>
          %swap3A_265 = arith.constant 1 : i32
          %swap3A_266 = arith.index_cast %swap3A_265 : i32 to index
          %swap3A_267 = arith.index_cast %scan3A_153 : i32 to index
          %swap3A_268 = arith.constant 80 : index
          %swap3A_269 = tpu.vector_load %arg11[%swap3A_266, %swap3A_267, %swap3A_268] {strides = array<i32>} : memref<2x80x128xf32, #tpu.memory_space<vmem>>, vector<1x1x16xf32>,
          %swap3A_270 = vector.shape_cast %swap3A_269 : vector<1x1x16xf32> to vector<16xf32>
          %swap3A_271 = vector.shape_cast %add3A_264 : vector<16xf32> to vector<1x1x16xf32>
          tpu.vector_store %arg11[%swap3A_266, %swap3A_267, %swap3A_268], %swap3A_271 {strides = array<i32>} : memref<2x80x128xf32, #tpu.memory_space<vmem>>, vector<1x1x16xf32>,
          %get3A_272 = arith.constant 1 : i32
          %get3A_273 = arith.index_cast %get3A_272 : i32 to index
          %get3A_274 = arith.index_cast %scan3A_153 : i32 to index
          %get3A_275 = arith.constant 96 : index
          %get3A_276 = tpu.vector_load %arg9[%get3A_273, %get3A_274, %get3A_275] {strides = array<i32>} : memref<2x80x128xf32, #tpu.memory_space<vmem>>, vector<1x1x16xf32>,
          %get3A_277 = vector.shape_cast %get3A_276 : vector<1x1x16xf32> to vector<16xf32>
          %get3A_278 = arith.constant 1 : i32
          %get3A_279 = arith.index_cast %get3A_278 : i32 to index
          %get3A_280 = arith.index_cast %scan3A_153 : i32 to index
          %get3A_281 = arith.constant 96 : index
          %get3A_282 = tpu.vector_load %arg10[%get3A_279, %get3A_280, %get3A_281] {strides = array<i32>} : memref<2x80x128xf32, #tpu.memory_space<vmem>>, vector<1x1x16xf32>,
          %get3A_283 = vector.shape_cast %get3A_282 : vector<1x1x16xf32> to vector<16xf32>
          %add3A_284 = arith.addf %get3A_277, %get3A_283 : vector<16xf32>
          %swap3A_285 = arith.constant 1 : i32
          %swap3A_286 = arith.index_cast %swap3A_285 : i32 to index
          %swap3A_287 = arith.index_cast %scan3A_153 : i32 to index
          %swap3A_288 = arith.constant 96 : index
          %swap3A_289 = tpu.vector_load %arg11[%swap3A_286, %swap3A_287, %swap3A_288] {strides = array<i32>} : memref<2x80x128xf32, #tpu.memory_space<vmem>>, vector<1x1x16xf32>,
          %swap3A_290 = vector.shape_cast %swap3A_289 : vector<1x1x16xf32> to vector<16xf32>
          %swap3A_291 = vector.shape_cast %add3A_284 : vector<16xf32> to vector<1x1x16xf32>
          tpu.vector_store %arg11[%swap3A_286, %swap3A_287, %swap3A_288], %swap3A_291 {strides = array<i32>} : memref<2x80x128xf32, #tpu.memory_space<vmem>>, vector<1x1x16xf32>,
          %get3A_292 = arith.constant 1 : i32
          %get3A_293 = arith.index_cast %get3A_292 : i32 to index
          %get3A_294 = arith.index_cast %scan3A_153 : i32 to index
          %get3A_295 = arith.constant 112 : index
          %get3A_296 = tpu.vector_load %arg9[%get3A_293, %get3A_294, %get3A_295] {strides = array<i32>} : memref<2x80x128xf32, #tpu.memory_space<vmem>>, vector<1x1x16xf32>,
          %get3A_297 = vector.shape_cast %get3A_296 : vector<1x1x16xf32> to vector<16xf32>
          %get3A_298 = arith.constant 1 : i32
          %get3A_299 = arith.index_cast %get3A_298 : i32 to index
          %get3A_300 = arith.index_cast %scan3A_153 : i32 to index
          %get3A_301 = arith.constant 112 : index
          %get3A_302 = tpu.vector_load %arg10[%get3A_299, %get3A_300, %get3A_301] {strides = array<i32>} : memref<2x80x128xf32, #tpu.memory_space<vmem>>, vector<1x1x16xf32>,
          %get3A_303 = vector.shape_cast %get3A_302 : vector<1x1x16xf32> to vector<16xf32>
          %add3A_304 = arith.addf %get3A_297, %get3A_303 : vector<16xf32>
          %swap3A_305 = arith.constant 1 : i32
          %swap3A_306 = arith.index_cast %swap3A_305 : i32 to index
          %swap3A_307 = arith.index_cast %scan3A_153 : i32 to index
          %swap3A_308 = arith.constant 112 : index
          %swap3A_309 = tpu.vector_load %arg11[%swap3A_306, %swap3A_307, %swap3A_308] {strides = array<i32>} : memref<2x80x128xf32, #tpu.memory_space<vmem>>, vector<1x1x16xf32>,
          %swap3A_310 = vector.shape_cast %swap3A_309 : vector<1x1x16xf32> to vector<16xf32>
          %swap3A_311 = vector.shape_cast %add3A_304 : vector<16xf32> to vector<1x1x16xf32>
          tpu.vector_store %arg11[%swap3A_306, %swap3A_307, %swap3A_308], %swap3A_311 {strides = array<i32>} : memref<2x80x128xf32, #tpu.memory_space<vmem>>, vector<1x1x16xf32>,
        }
        %scan3A_129 = arith.constant 80 : i32
        %mul3A_130 = arith.constant 80 : i32
        %mul3A_131 = arith.muli %add3A_92, %mul3A_130 : i32
        %add3A_132 = arith.addi %mul3A_2, %mul3A_131 : i32
        %dma_start3A_133 = arith.constant 1 : i32
        %dma_start3A_134 = arith.constant 0 : i32
        %dma_start3A_135 = arith.constant 0 : i32
        %dma_start3A_136 = tpu.memref_slice %arg11[%dma_start3A_133, %dma_start3A_134, %dma_start3A_135] : memref<2x80x128xf32, #tpu.memory_space<vmem>> -> memref<1x80x128xf32, #tpu.memory_space<vmem>>
        %dma_start3A_137 = tpu.memref_squeeze %dma_start3A_136 : memref<1x80x128xf32, #tpu.memory_space<vmem>> -> memref<80x128xf32, #tpu.memory_space<vmem>>
        %dma_start3A_138 = arith.constant 0 : i32
        %dma_start3A_139 = tpu.memref_slice %arg6[%add3A_132, %dma_start3A_138] : memref<320000x128xf32, #tpu.memory_space<hbm>> -> memref<80x128xf32, #tpu.memory_space<hbm>>
        %dma_start3A_140 = arith.constant 0 : i32
        %dma_start3A_141 = tpu.memref_slice %arg6[%add3A_132, %dma_start3A_140] : memref<320000x128xf32, #tpu.memory_space<hbm>> -> memref<80x128xf32, #tpu.memory_space<hbm>>
        %dma_start3A_142 = arith.constant 0 : i32
        %dma_start3A_143 = arith.constant 0 : i32
        %dma_start3A_144 = tpu.memref_slice %arg11[%dma_start3A_133, %dma_start3A_142, %dma_start3A_143] : memref<2x80x128xf32, #tpu.memory_space<vmem>> -> memref<1x80x128xf32, #tpu.memory_space<vmem>>
        %dma_start3A_145 = tpu.memref_squeeze %dma_start3A_144 : memref<1x80x128xf32, #tpu.memory_space<vmem>> -> memref<80x128xf32, #tpu.memory_space<vmem>>
        tpu.enqueue_dma source(%dma_start3A_145 : memref<80x128xf32, #tpu.memory_space<vmem>>) target(%dma_start3A_141 : memref<80x128xf32, #tpu.memory_space<hbm>>) target_semaphore(%arg15 : memref<!tpu.dma_semaphore, #tpu.memory_space<semaphore_mem>>)
        %add3A_146 = arith.constant 2 : i32
        %add3A_147 = arith.addi %add3A_92, %add3A_146 : i32
        %lt3A_148 = arith.constant 125 : i32
        %lt3A_149 = arith.cmpi slt, %add3A_147, %lt3A_148 : i32
        %convert_element_type3A_150 = arith.extui %lt3A_149 : i1 to i32
        %cond3A_151 = arith.constant 0 : i32
        %cond3A_152 = arith.cmpi ne, %convert_element_type3A_150, %cond3A_151 : i32
        scf.if %cond3A_152 {
          %add3A_153 = arith.constant 2 : i32
          %add3A_154 = arith.addi %add3A_92, %add3A_153 : i32
          %dma_start3A_155 = arith.constant 1 : i32
          %dma_start3A_156 = arith.constant 0 : i32
          %dma_start3A_157 = arith.constant 0 : i32
          %dma_start3A_158 = tpu.memref_slice %arg9[%dma_start3A_155, %dma_start3A_156, %dma_start3A_157] : memref<2x80x128xf32, #tpu.memory_space<vmem>> -> memref<1x80x128xf32, #tpu.memory_space<vmem>>
          %dma_start3A_159 = tpu.memref_squeeze %dma_start3A_158 : memref<1x80x128xf32, #tpu.memory_space<vmem>> -> memref<80x128xf32, #tpu.memory_space<vmem>>
          %dma_start3A_160 = arith.constant 0 : i32
          %dma_start3A_161 = tpu.memref_slice %arg7[%add3A_154, %dma_start3A_160] : memref<125x80xi32, #tpu.memory_space<vmem>> -> memref<1x80xi32, #tpu.memory_space<vmem>>
          %dma_start3A_162 = tpu.memref_squeeze %dma_start3A_161 : memref<1x80xi32, #tpu.memory_space<vmem>> -> memref<80xi32, #tpu.memory_space<vmem>>
          %dma_start3A_163 = arith.constant 0 : i32
          %dma_start3A_164 = arith.constant 0 : i32
          %dma_start3A_165 = tpu.memref_slice %arg2[%dma_start3A_163, %dma_start3A_164] : memref<10000x128xf32, #tpu.memory_space<hbm>> -> memref<10000x128xf32, #tpu.memory_space<hbm>>
          tpu.enqueue_indirect_dma source(%dma_start3A_165 : memref<10000x128xf32, #tpu.memory_space<hbm>>) target(%dma_start3A_159 : memref<80x128xf32, #tpu.memory_space<vmem>>) offsets(%dma_start3A_162 : memref<80xi32, #tpu.memory_space<vmem>>) semaphore(%arg13 : memref<!tpu.dma_semaphore, #tpu.memory_space<semaphore_mem>>)
          %dma_start3A_166 = arith.constant 1 : i32
          %dma_start3A_167 = arith.constant 0 : i32
          %dma_start3A_168 = arith.constant 0 : i32
          %dma_start3A_169 = tpu.memref_slice %arg10[%dma_start3A_166, %dma_start3A_167, %dma_start3A_168] : memref<2x80x128xf32, #tpu.memory_space<vmem>> -> memref<1x80x128xf32, #tpu.memory_space<vmem>>
          %dma_start3A_170 = tpu.memref_squeeze %dma_start3A_169 : memref<1x80x128xf32, #tpu.memory_space<vmem>> -> memref<80x128xf32, #tpu.memory_space<vmem>>
          %dma_start3A_171 = arith.constant 0 : i32
          %dma_start3A_172 = tpu.memref_slice %arg8[%add3A_154, %dma_start3A_171] : memref<125x80xi32, #tpu.memory_space<vmem>> -> memref<1x80xi32, #tpu.memory_space<vmem>>
          %dma_start3A_173 = tpu.memref_squeeze %dma_start3A_172 : memref<1x80xi32, #tpu.memory_space<vmem>> -> memref<80xi32, #tpu.memory_space<vmem>>
          %dma_start3A_174 = arith.constant 0 : i32
          %dma_start3A_175 = arith.constant 0 : i32
          %dma_start3A_176 = tpu.memref_slice %arg3[%dma_start3A_174, %dma_start3A_175] : memref<10000x128xf32, #tpu.memory_space<hbm>> -> memref<10000x128xf32, #tpu.memory_space<hbm>>
          tpu.enqueue_indirect_dma source(%dma_start3A_176 : memref<10000x128xf32, #tpu.memory_space<hbm>>) target(%dma_start3A_170 : memref<80x128xf32, #tpu.memory_space<vmem>>) offsets(%dma_start3A_173 : memref<80xi32, #tpu.memory_space<vmem>>) semaphore(%arg13 : memref<!tpu.dma_semaphore, #tpu.memory_space<semaphore_mem>>)
        } else {
        }
      } else {
      }
    }
    %scan3A_54 = arith.constant 63 : i32
    %add3A_55 = arith.constant 9840 : i32
    %add3A_56 = arith.addi %mul3A_2, %add3A_55 : i32
    %dma_wait3A = arith.constant 1 : i32
    %dma_wait3A_57 = arith.constant 0 : i32
    %dma_wait3A_58 = arith.constant 0 : i32
    %dma_wait3A_59 = tpu.memref_slice %arg11[%dma_wait3A, %dma_wait3A_57, %dma_wait3A_58] : memref<2x80x128xf32, #tpu.memory_space<vmem>> -> memref<1x80x128xf32, #tpu.memory_space<vmem>>
    %dma_wait3A_60 = tpu.memref_squeeze %dma_wait3A_59 : memref<1x80x128xf32, #tpu.memory_space<vmem>> -> memref<80x128xf32, #tpu.memory_space<vmem>>
    %dma_wait3A_61 = arith.constant 0 : i32
    %dma_wait3A_62 = tpu.memref_slice %arg6[%add3A_56, %dma_wait3A_61] : memref<320000x128xf32, #tpu.memory_space<hbm>> -> memref<80x128xf32, #tpu.memory_space<hbm>>
    %dma_wait3A_63 = arith.constant 0 : i32
    %dma_wait3A_64 = tpu.memref_slice %arg6[%add3A_56, %dma_wait3A_63] : memref<320000x128xf32, #tpu.memory_space<hbm>> -> memref<80x128xf32, #tpu.memory_space<hbm>>
    %dma_wait3A_65 = arith.constant 0 : i32
    %dma_wait3A_66 = arith.constant 0 : i32
    %dma_wait3A_67 = tpu.memref_slice %arg11[%dma_wait3A, %dma_wait3A_65, %dma_wait3A_66] : memref<2x80x128xf32, #tpu.memory_space<vmem>> -> memref<1x80x128xf32, #tpu.memory_space<vmem>>
    %dma_wait3A_68 = tpu.memref_squeeze %dma_wait3A_67 : memref<1x80x128xf32, #tpu.memory_space<vmem>> -> memref<80x128xf32, #tpu.memory_space<vmem>>
    tpu.wait_dma2 semaphore(%arg15 : memref<!tpu.dma_semaphore, #tpu.memory_space<semaphore_mem>>) src(%dma_wait3A_68 : memref<80x128xf32, #tpu.memory_space<vmem>>) dst(%dma_wait3A_64 : memref<80x128xf32, #tpu.memory_space<hbm>>)
    %add3A_69 = arith.constant 9920 : i32
    %add3A_70 = arith.addi %mul3A_2, %add3A_69 : i32
    %dma_wait3A_71 = arith.constant 0 : i32
    %dma_wait3A_72 = arith.constant 0 : i32
    %dma_wait3A_73 = arith.constant 0 : i32
    %dma_wait3A_74 = tpu.memref_slice %arg11[%dma_wait3A_71, %dma_wait3A_72, %dma_wait3A_73] : memref<2x80x128xf32, #tpu.memory_space<vmem>> -> memref<1x80x128xf32, #tpu.memory_space<vmem>>
    %dma_wait3A_75 = tpu.memref_squeeze %dma_wait3A_74 : memref<1x80x128xf32, #tpu.memory_space<vmem>> -> memref<80x128xf32, #tpu.memory_space<vmem>>
    %dma_wait3A_76 = arith.constant 0 : i32
    %dma_wait3A_77 = tpu.memref_slice %arg6[%add3A_70, %dma_wait3A_76] : memref<320000x128xf32, #tpu.memory_space<hbm>> -> memref<80x128xf32, #tpu.memory_space<hbm>>
    %dma_wait3A_78 = arith.constant 0 : i32
    %dma_wait3A_79 = tpu.memref_slice %arg6[%add3A_70, %dma_wait3A_78] : memref<320000x128xf32, #tpu.memory_space<hbm>> -> memref<80x128xf32, #tpu.memory_space<hbm>>
    %dma_wait3A_80 = arith.constant 0 : i32
    %dma_wait3A_81 = arith.constant 0 : i32
    %dma_wait3A_82 = tpu.memref_slice %arg11[%dma_wait3A_71, %dma_wait3A_80, %dma_wait3A_81] : memref<2x80x128xf32, #tpu.memory_space<vmem>> -> memref<1x80x128xf32, #tpu.memory_space<vmem>>
    %dma_wait3A_83 = tpu.memref_squeeze %dma_wait3A_82 : memref<1x80x128xf32, #tpu.memory_space<vmem>> -> memref<80x128xf32, #tpu.memory_space<vmem>>
    tpu.wait_dma2 semaphore(%arg14 : memref<!tpu.dma_semaphore, #tpu.memory_space<semaphore_mem>>) src(%dma_wait3A_83 : memref<80x128xf32, #tpu.memory_space<vmem>>) dst(%dma_wait3A_79 : memref<80x128xf32, #tpu.memory_space<hbm>>)
    return
  }
}

#map = affine_map<(d0, d1) -> (0, 0)>
#map1 = affine_map<(d0, d1) -> (0, 0, 0)>
module attributes {stable_mosaic.version = 14 : i64} {
  func.func @scatter_k(%arg0: i32, %arg1: i32, %arg2: memref<320000x128xf32, #tpu.memory_space<hbm>>, %arg3: memref<32x125x80xi32, #tpu.memory_space<hbm>>, %arg4: memref<2x10000x128xf32, #tpu.memory_space<hbm>>, %arg5: memref<125x80xi32, #tpu.memory_space<vmem>>, %arg6: memref<2x80x128xf32, #tpu.memory_space<vmem>>, %arg7: memref<10000x128xf32, #tpu.memory_space<vmem_shared>>, %arg8: memref<!tpu.dma_semaphore, #tpu.memory_space<semaphore_mem>>, %arg9: memref<!tpu.dma_semaphore, #tpu.memory_space<semaphore_mem>>) attributes {dimension_semantics = [#tpu.dimension_semantics<core_parallel>, #tpu.dimension_semantics<subcore_parallel>], iteration_bounds = array<i64: 2, 16>, scalar_prefetch = 0 : i64, scratch_operands = 5 : i64, tpu.core_type = #tpu.core_type<sc_vector_subcore>, window_params = [{transform_indices = #map}, {transform_indices = #map1}, {transform_indices = #map1}]} {
    %mul3A = arith.constant 2 : i32
    %mul3A_0 = arith.muli %arg1, %mul3A : i32
    %add3A = arith.addi %mul3A_0, %arg0 : i32
    %mul3A_1 = arith.constant 10000 : i32
    %mul3A_2 = arith.muli %add3A, %mul3A_1 : i32
    %scan3A = arith.constant 0 : i32
    %scan3A_3 = arith.constant 0 : i32
    %scan3A_4 = arith.constant 80 : i32
    %scan3A_5 = arith.addi %scan3A_3, %scan3A_4 : i32
    %scan3A_6 = arith.constant 1 : i32
    scf.for %scan3A_56 = %scan3A_3 to %scan3A_5 step %scan3A_6  : i32 {
      %broadcast_in_dim3A = arith.constant 0.000000e+00 : f32
      %broadcast_in_dim3A_57 = vector.broadcast %broadcast_in_dim3A : f32 to vector<16xf32>
      %swap3A = arith.constant 0 : i32
      %swap3A_58 = arith.index_cast %swap3A : i32 to index
      %swap3A_59 = arith.index_cast %scan3A_56 : i32 to index
      %swap3A_60 = arith.constant 0 : index
      %swap3A_61 = tpu.vector_load %arg6[%swap3A_58, %swap3A_59, %swap3A_60] {strides = array<i32>} : memref<2x80x128xf32, #tpu.memory_space<vmem>>, vector<1x1x16xf32>,
      %swap3A_62 = vector.shape_cast %swap3A_61 : vector<1x1x16xf32> to vector<16xf32>
      %swap3A_63 = vector.shape_cast %broadcast_in_dim3A_57 : vector<16xf32> to vector<1x1x16xf32>
      tpu.vector_store %arg6[%swap3A_58, %swap3A_59, %swap3A_60], %swap3A_63 {strides = array<i32>} : memref<2x80x128xf32, #tpu.memory_space<vmem>>, vector<1x1x16xf32>,
      %broadcast_in_dim3A_64 = arith.constant 0.000000e+00 : f32
      %broadcast_in_dim3A_65 = vector.broadcast %broadcast_in_dim3A_64 : f32 to vector<16xf32>
      %swap3A_66 = arith.constant 0 : i32
      %swap3A_67 = arith.index_cast %swap3A_66 : i32 to index
      %swap3A_68 = arith.index_cast %scan3A_56 : i32 to index
      %swap3A_69 = arith.constant 16 : index
      %swap3A_70 = tpu.vector_load %arg6[%swap3A_67, %swap3A_68, %swap3A_69] {strides = array<i32>} : memref<2x80x128xf32, #tpu.memory_space<vmem>>, vector<1x1x16xf32>,
      %swap3A_71 = vector.shape_cast %swap3A_70 : vector<1x1x16xf32> to vector<16xf32>
      %swap3A_72 = vector.shape_cast %broadcast_in_dim3A_65 : vector<16xf32> to vector<1x1x16xf32>
      tpu.vector_store %arg6[%swap3A_67, %swap3A_68, %swap3A_69], %swap3A_72 {strides = array<i32>} : memref<2x80x128xf32, #tpu.memory_space<vmem>>, vector<1x1x16xf32>,
      %broadcast_in_dim3A_73 = arith.constant 0.000000e+00 : f32
      %broadcast_in_dim3A_74 = vector.broadcast %broadcast_in_dim3A_73 : f32 to vector<16xf32>
      %swap3A_75 = arith.constant 0 : i32
      %swap3A_76 = arith.index_cast %swap3A_75 : i32 to index
      %swap3A_77 = arith.index_cast %scan3A_56 : i32 to index
      %swap3A_78 = arith.constant 32 : index
      %swap3A_79 = tpu.vector_load %arg6[%swap3A_76, %swap3A_77, %swap3A_78] {strides = array<i32>} : memref<2x80x128xf32, #tpu.memory_space<vmem>>, vector<1x1x16xf32>,
      %swap3A_80 = vector.shape_cast %swap3A_79 : vector<1x1x16xf32> to vector<16xf32>
      %swap3A_81 = vector.shape_cast %broadcast_in_dim3A_74 : vector<16xf32> to vector<1x1x16xf32>
      tpu.vector_store %arg6[%swap3A_76, %swap3A_77, %swap3A_78], %swap3A_81 {strides = array<i32>} : memref<2x80x128xf32, #tpu.memory_space<vmem>>, vector<1x1x16xf32>,
      %broadcast_in_dim3A_82 = arith.constant 0.000000e+00 : f32
      %broadcast_in_dim3A_83 = vector.broadcast %broadcast_in_dim3A_82 : f32 to vector<16xf32>
      %swap3A_84 = arith.constant 0 : i32
      %swap3A_85 = arith.index_cast %swap3A_84 : i32 to index
      %swap3A_86 = arith.index_cast %scan3A_56 : i32 to index
      %swap3A_87 = arith.constant 48 : index
      %swap3A_88 = tpu.vector_load %arg6[%swap3A_85, %swap3A_86, %swap3A_87] {strides = array<i32>} : memref<2x80x128xf32, #tpu.memory_space<vmem>>, vector<1x1x16xf32>,
      %swap3A_89 = vector.shape_cast %swap3A_88 : vector<1x1x16xf32> to vector<16xf32>
      %swap3A_90 = vector.shape_cast %broadcast_in_dim3A_83 : vector<16xf32> to vector<1x1x16xf32>
      tpu.vector_store %arg6[%swap3A_85, %swap3A_86, %swap3A_87], %swap3A_90 {strides = array<i32>} : memref<2x80x128xf32, #tpu.memory_space<vmem>>, vector<1x1x16xf32>,
      %broadcast_in_dim3A_91 = arith.constant 0.000000e+00 : f32
      %broadcast_in_dim3A_92 = vector.broadcast %broadcast_in_dim3A_91 : f32 to vector<16xf32>
      %swap3A_93 = arith.constant 0 : i32
      %swap3A_94 = arith.index_cast %swap3A_93 : i32 to index
      %swap3A_95 = arith.index_cast %scan3A_56 : i32 to index
      %swap3A_96 = arith.constant 64 : index
      %swap3A_97 = tpu.vector_load %arg6[%swap3A_94, %swap3A_95, %swap3A_96] {strides = array<i32>} : memref<2x80x128xf32, #tpu.memory_space<vmem>>, vector<1x1x16xf32>,
      %swap3A_98 = vector.shape_cast %swap3A_97 : vector<1x1x16xf32> to vector<16xf32>
      %swap3A_99 = vector.shape_cast %broadcast_in_dim3A_92 : vector<16xf32> to vector<1x1x16xf32>
      tpu.vector_store %arg6[%swap3A_94, %swap3A_95, %swap3A_96], %swap3A_99 {strides = array<i32>} : memref<2x80x128xf32, #tpu.memory_space<vmem>>, vector<1x1x16xf32>,
      %broadcast_in_dim3A_100 = arith.constant 0.000000e+00 : f32
      %broadcast_in_dim3A_101 = vector.broadcast %broadcast_in_dim3A_100 : f32 to vector<16xf32>
      %swap3A_102 = arith.constant 0 : i32
      %swap3A_103 = arith.index_cast %swap3A_102 : i32 to index
      %swap3A_104 = arith.index_cast %scan3A_56 : i32 to index
      %swap3A_105 = arith.constant 80 : index
      %swap3A_106 = tpu.vector_load %arg6[%swap3A_103, %swap3A_104, %swap3A_105] {strides = array<i32>} : memref<2x80x128xf32, #tpu.memory_space<vmem>>, vector<1x1x16xf32>,
      %swap3A_107 = vector.shape_cast %swap3A_106 : vector<1x1x16xf32> to vector<16xf32>
      %swap3A_108 = vector.shape_cast %broadcast_in_dim3A_101 : vector<16xf32> to vector<1x1x16xf32>
      tpu.vector_store %arg6[%swap3A_103, %swap3A_104, %swap3A_105], %swap3A_108 {strides = array<i32>} : memref<2x80x128xf32, #tpu.memory_space<vmem>>, vector<1x1x16xf32>,
      %broadcast_in_dim3A_109 = arith.constant 0.000000e+00 : f32
      %broadcast_in_dim3A_110 = vector.broadcast %broadcast_in_dim3A_109 : f32 to vector<16xf32>
      %swap3A_111 = arith.constant 0 : i32
      %swap3A_112 = arith.index_cast %swap3A_111 : i32 to index
      %swap3A_113 = arith.index_cast %scan3A_56 : i32 to index
      %swap3A_114 = arith.constant 96 : index
      %swap3A_115 = tpu.vector_load %arg6[%swap3A_112, %swap3A_113, %swap3A_114] {strides = array<i32>} : memref<2x80x128xf32, #tpu.memory_space<vmem>>, vector<1x1x16xf32>,
      %swap3A_116 = vector.shape_cast %swap3A_115 : vector<1x1x16xf32> to vector<16xf32>
      %swap3A_117 = vector.shape_cast %broadcast_in_dim3A_110 : vector<16xf32> to vector<1x1x16xf32>
      tpu.vector_store %arg6[%swap3A_112, %swap3A_113, %swap3A_114], %swap3A_117 {strides = array<i32>} : memref<2x80x128xf32, #tpu.memory_space<vmem>>, vector<1x1x16xf32>,
      %broadcast_in_dim3A_118 = arith.constant 0.000000e+00 : f32
      %broadcast_in_dim3A_119 = vector.broadcast %broadcast_in_dim3A_118 : f32 to vector<16xf32>
      %swap3A_120 = arith.constant 0 : i32
      %swap3A_121 = arith.index_cast %swap3A_120 : i32 to index
      %swap3A_122 = arith.index_cast %scan3A_56 : i32 to index
      %swap3A_123 = arith.constant 112 : index
      %swap3A_124 = tpu.vector_load %arg6[%swap3A_121, %swap3A_122, %swap3A_123] {strides = array<i32>} : memref<2x80x128xf32, #tpu.memory_space<vmem>>, vector<1x1x16xf32>,
      %swap3A_125 = vector.shape_cast %swap3A_124 : vector<1x1x16xf32> to vector<16xf32>
      %swap3A_126 = vector.shape_cast %broadcast_in_dim3A_119 : vector<16xf32> to vector<1x1x16xf32>
      tpu.vector_store %arg6[%swap3A_121, %swap3A_122, %swap3A_123], %swap3A_126 {strides = array<i32>} : memref<2x80x128xf32, #tpu.memory_space<vmem>>, vector<1x1x16xf32>,
    }
    %scan3A_7 = arith.constant 80 : i32
    %scan3A_8 = arith.constant 0 : i32
    %scan3A_9 = arith.constant 0 : i32
    %scan3A_10 = arith.constant 8 : i32
    %scan3A_11 = arith.addi %scan3A_9, %scan3A_10 : i32
    %scan3A_12 = arith.constant 1 : i32
    scf.for %scan3A_56 = %scan3A_9 to %scan3A_11 step %scan3A_12  : i32 {
      %mul3A_57 = arith.constant 16 : i32
      %mul3A_58 = arith.muli %scan3A_56, %mul3A_57 : i32
      %add3A_59 = arith.addi %arg1, %mul3A_58 : i32
      %lt3A = arith.constant 125 : i32
      %lt3A_60 = arith.cmpi slt, %add3A_59, %lt3A : i32
      %convert_element_type3A = arith.extui %lt3A_60 : i1 to i32
      %cond3A = arith.constant 0 : i32
      %cond3A_61 = arith.cmpi ne, %convert_element_type3A, %cond3A : i32
      scf.if %cond3A_61 {
        %mul3A_62 = arith.constant 80 : i32
        %mul3A_63 = arith.muli %add3A_59, %mul3A_62 : i32
        %run_scoped3A = arith.constant 0 : i32
        "tpu.region"() ({
          %run_scoped3A_64 = tpu.sem_alloc : memref<!tpu.dma_semaphore, #tpu.memory_space<semaphore_mem>>
          %dma_start3A_65 = arith.constant 0 : i32
          %dma_start3A_66 = arith.constant 0 : i32
          %dma_start3A_67 = tpu.memref_slice %arg6[%run_scoped3A, %dma_start3A_65, %dma_start3A_66] : memref<2x80x128xf32, #tpu.memory_space<vmem>> -> memref<1x80x128xf32, #tpu.memory_space<vmem>>
          %dma_start3A_68 = tpu.memref_squeeze %dma_start3A_67 : memref<1x80x128xf32, #tpu.memory_space<vmem>> -> memref<80x128xf32, #tpu.memory_space<vmem>>
          %dma_start3A_69 = arith.constant 0 : i32
          %dma_start3A_70 = tpu.memref_slice %arg7[%mul3A_63, %dma_start3A_69] : memref<10000x128xf32, #tpu.memory_space<vmem_shared>> -> memref<80x128xf32, #tpu.memory_space<vmem_shared>>
          %dma_start3A_71 = arith.constant 0 : i32
          %dma_start3A_72 = tpu.memref_slice %arg7[%mul3A_63, %dma_start3A_71] : memref<10000x128xf32, #tpu.memory_space<vmem_shared>> -> memref<80x128xf32, #tpu.memory_space<vmem_shared>>
          %dma_start3A_73 = arith.constant 0 : i32
          %dma_start3A_74 = arith.constant 0 : i32
          %dma_start3A_75 = tpu.memref_slice %arg6[%run_scoped3A, %dma_start3A_73, %dma_start3A_74] : memref<2x80x128xf32, #tpu.memory_space<vmem>> -> memref<1x80x128xf32, #tpu.memory_space<vmem>>
          %dma_start3A_76 = tpu.memref_squeeze %dma_start3A_75 : memref<1x80x128xf32, #tpu.memory_space<vmem>> -> memref<80x128xf32, #tpu.memory_space<vmem>>
          tpu.enqueue_dma source(%dma_start3A_76 : memref<80x128xf32, #tpu.memory_space<vmem>>) target(%dma_start3A_72 : memref<80x128xf32, #tpu.memory_space<vmem_shared>>) target_semaphore(%run_scoped3A_64 : memref<!tpu.dma_semaphore, #tpu.memory_space<semaphore_mem>>)
          %dma_wait3A = arith.constant 0 : i32
          %dma_wait3A_77 = arith.constant 0 : i32
          %dma_wait3A_78 = tpu.memref_slice %arg6[%run_scoped3A, %dma_wait3A, %dma_wait3A_77] : memref<2x80x128xf32, #tpu.memory_space<vmem>> -> memref<1x80x128xf32, #tpu.memory_space<vmem>>
          %dma_wait3A_79 = tpu.memref_squeeze %dma_wait3A_78 : memref<1x80x128xf32, #tpu.memory_space<vmem>> -> memref<80x128xf32, #tpu.memory_space<vmem>>
          %dma_wait3A_80 = arith.constant 0 : i32
          %dma_wait3A_81 = tpu.memref_slice %arg7[%mul3A_63, %dma_wait3A_80] : memref<10000x128xf32, #tpu.memory_space<vmem_shared>> -> memref<80x128xf32, #tpu.memory_space<vmem_shared>>
          %dma_wait3A_82 = arith.constant 0 : i32
          %dma_wait3A_83 = tpu.memref_slice %arg7[%mul3A_63, %dma_wait3A_82] : memref<10000x128xf32, #tpu.memory_space<vmem_shared>> -> memref<80x128xf32, #tpu.memory_space<vmem_shared>>
          %dma_wait3A_84 = arith.constant 0 : i32
          %dma_wait3A_85 = arith.constant 0 : i32
          %dma_wait3A_86 = tpu.memref_slice %arg6[%run_scoped3A, %dma_wait3A_84, %dma_wait3A_85] : memref<2x80x128xf32, #tpu.memory_space<vmem>> -> memref<1x80x128xf32, #tpu.memory_space<vmem>>
          %dma_wait3A_87 = tpu.memref_squeeze %dma_wait3A_86 : memref<1x80x128xf32, #tpu.memory_space<vmem>> -> memref<80x128xf32, #tpu.memory_space<vmem>>
          tpu.wait_dma2 semaphore(%run_scoped3A_64 : memref<!tpu.dma_semaphore, #tpu.memory_space<semaphore_mem>>) src(%dma_wait3A_87 : memref<80x128xf32, #tpu.memory_space<vmem>>) dst(%dma_wait3A_83 : memref<80x128xf32, #tpu.memory_space<vmem_shared>>)
          tpu.yield
        }) : () -> ()
      } else {
      }
    }
    %scan3A_13 = arith.constant 8 : i32
    "tpu.region"() ({
      %run_scoped3A = tpu.sem_alloc : memref<!tpu.dma_semaphore, #tpu.memory_space<semaphore_mem>>
      %dma_start3A_56 = arith.constant 0 : i32
      %dma_start3A_57 = arith.constant 0 : i32
      %dma_start3A_58 = tpu.memref_slice %arg3[%add3A, %dma_start3A_56, %dma_start3A_57] : memref<32x125x80xi32, #tpu.memory_space<hbm>> -> memref<1x125x80xi32, #tpu.memory_space<hbm>>
      %dma_start3A_59 = tpu.memref_squeeze %dma_start3A_58 : memref<1x125x80xi32, #tpu.memory_space<hbm>> -> memref<125x80xi32, #tpu.memory_space<hbm>>
      %dma_start3A_60 = arith.constant 0 : i32
      %dma_start3A_61 = arith.constant 0 : i32
      %dma_start3A_62 = tpu.memref_slice %arg3[%add3A, %dma_start3A_60, %dma_start3A_61] : memref<32x125x80xi32, #tpu.memory_space<hbm>> -> memref<1x125x80xi32, #tpu.memory_space<hbm>>
      %dma_start3A_63 = tpu.memref_squeeze %dma_start3A_62 : memref<1x125x80xi32, #tpu.memory_space<hbm>> -> memref<125x80xi32, #tpu.memory_space<hbm>>
      tpu.enqueue_dma source(%dma_start3A_63 : memref<125x80xi32, #tpu.memory_space<hbm>>) target(%arg5 : memref<125x80xi32, #tpu.memory_space<vmem>>) target_semaphore(%run_scoped3A : memref<!tpu.dma_semaphore, #tpu.memory_space<semaphore_mem>>)
      %dma_wait3A = arith.constant 0 : i32
      %dma_wait3A_64 = arith.constant 0 : i32
      %dma_wait3A_65 = tpu.memref_slice %arg3[%add3A, %dma_wait3A, %dma_wait3A_64] : memref<32x125x80xi32, #tpu.memory_space<hbm>> -> memref<1x125x80xi32, #tpu.memory_space<hbm>>
      %dma_wait3A_66 = tpu.memref_squeeze %dma_wait3A_65 : memref<1x125x80xi32, #tpu.memory_space<hbm>> -> memref<125x80xi32, #tpu.memory_space<hbm>>
      %dma_wait3A_67 = arith.constant 0 : i32
      %dma_wait3A_68 = arith.constant 0 : i32
      %dma_wait3A_69 = tpu.memref_slice %arg3[%add3A, %dma_wait3A_67, %dma_wait3A_68] : memref<32x125x80xi32, #tpu.memory_space<hbm>> -> memref<1x125x80xi32, #tpu.memory_space<hbm>>
      %dma_wait3A_70 = tpu.memref_squeeze %dma_wait3A_69 : memref<1x125x80xi32, #tpu.memory_space<hbm>> -> memref<125x80xi32, #tpu.memory_space<hbm>>
      tpu.wait_dma2 semaphore(%run_scoped3A : memref<!tpu.dma_semaphore, #tpu.memory_space<semaphore_mem>>) src(%dma_wait3A_70 : memref<125x80xi32, #tpu.memory_space<hbm>>) dst(%arg5 : memref<125x80xi32, #tpu.memory_space<vmem>>)
      tpu.yield
    }) : () -> ()
    %barrier3A = arith.constant 0 : index
    tpu.barrier barrier_id(%barrier3A)
    %add3A_14 = arith.constant 0 : i32
    %add3A_15 = arith.addi %mul3A_2, %add3A_14 : i32
    %dma_start3A = arith.constant 0 : i32
    %dma_start3A_16 = arith.constant 0 : i32
    %dma_start3A_17 = arith.constant 0 : i32
    %dma_start3A_18 = tpu.memref_slice %arg6[%dma_start3A, %dma_start3A_16, %dma_start3A_17] : memref<2x80x128xf32, #tpu.memory_space<vmem>> -> memref<1x80x128xf32, #tpu.memory_space<vmem>>
    %dma_start3A_19 = tpu.memref_squeeze %dma_start3A_18 : memref<1x80x128xf32, #tpu.memory_space<vmem>> -> memref<80x128xf32, #tpu.memory_space<vmem>>
    %dma_start3A_20 = arith.constant 0 : i32
    %dma_start3A_21 = tpu.memref_slice %arg2[%add3A_15, %dma_start3A_20] : memref<320000x128xf32, #tpu.memory_space<hbm>> -> memref<80x128xf32, #tpu.memory_space<hbm>>
    %dma_start3A_22 = arith.constant 0 : i32
    %dma_start3A_23 = arith.constant 0 : i32
    %dma_start3A_24 = tpu.memref_slice %arg6[%dma_start3A, %dma_start3A_22, %dma_start3A_23] : memref<2x80x128xf32, #tpu.memory_space<vmem>> -> memref<1x80x128xf32, #tpu.memory_space<vmem>>
    %dma_start3A_25 = tpu.memref_squeeze %dma_start3A_24 : memref<1x80x128xf32, #tpu.memory_space<vmem>> -> memref<80x128xf32, #tpu.memory_space<vmem>>
    %dma_start3A_26 = arith.constant 0 : i32
    %dma_start3A_27 = tpu.memref_slice %arg2[%add3A_15, %dma_start3A_26] : memref<320000x128xf32, #tpu.memory_space<hbm>> -> memref<80x128xf32, #tpu.memory_space<hbm>>
    tpu.enqueue_dma source(%dma_start3A_27 : memref<80x128xf32, #tpu.memory_space<hbm>>) target(%dma_start3A_25 : memref<80x128xf32, #tpu.memory_space<vmem>>) target_semaphore(%arg8 : memref<!tpu.dma_semaphore, #tpu.memory_space<semaphore_mem>>)
    %add3A_28 = arith.constant 80 : i32
    %add3A_29 = arith.addi %mul3A_2, %add3A_28 : i32
    %dma_start3A_30 = arith.constant 1 : i32
    %dma_start3A_31 = arith.constant 0 : i32
    %dma_start3A_32 = arith.constant 0 : i32
    %dma_start3A_33 = tpu.memref_slice %arg6[%dma_start3A_30, %dma_start3A_31, %dma_start3A_32] : memref<2x80x128xf32, #tpu.memory_space<vmem>> -> memref<1x80x128xf32, #tpu.memory_space<vmem>>
    %dma_start3A_34 = tpu.memref_squeeze %dma_start3A_33 : memref<1x80x128xf32, #tpu.memory_space<vmem>> -> memref<80x128xf32, #tpu.memory_space<vmem>>
    %dma_start3A_35 = arith.constant 0 : i32
    %dma_start3A_36 = tpu.memref_slice %arg2[%add3A_29, %dma_start3A_35] : memref<320000x128xf32, #tpu.memory_space<hbm>> -> memref<80x128xf32, #tpu.memory_space<hbm>>
    %dma_start3A_37 = arith.constant 0 : i32
    %dma_start3A_38 = arith.constant 0 : i32
    %dma_start3A_39 = tpu.memref_slice %arg6[%dma_start3A_30, %dma_start3A_37, %dma_start3A_38] : memref<2x80x128xf32, #tpu.memory_space<vmem>> -> memref<1x80x128xf32, #tpu.memory_space<vmem>>
    %dma_start3A_40 = tpu.memref_squeeze %dma_start3A_39 : memref<1x80x128xf32, #tpu.memory_space<vmem>> -> memref<80x128xf32, #tpu.memory_space<vmem>>
    %dma_start3A_41 = arith.constant 0 : i32
    %dma_start3A_42 = tpu.memref_slice %arg2[%add3A_29, %dma_start3A_41] : memref<320000x128xf32, #tpu.memory_space<hbm>> -> memref<80x128xf32, #tpu.memory_space<hbm>>
    tpu.enqueue_dma source(%dma_start3A_42 : memref<80x128xf32, #tpu.memory_space<hbm>>) target(%dma_start3A_40 : memref<80x128xf32, #tpu.memory_space<vmem>>) target_semaphore(%arg9 : memref<!tpu.dma_semaphore, #tpu.memory_space<semaphore_mem>>)
    %scan3A_43 = arith.constant 0 : i32
    %scan3A_44 = arith.constant 0 : i32
    %scan3A_45 = arith.constant 63 : i32
    %scan3A_46 = arith.addi %scan3A_44, %scan3A_45 : i32
    %scan3A_47 = arith.constant 1 : i32
    scf.for %scan3A_56 = %scan3A_44 to %scan3A_46 step %scan3A_47  : i32 {
      %mul3A_57 = arith.constant 2 : i32
      %mul3A_58 = arith.muli %mul3A_57, %scan3A_56 : i32
      %mul3A_59 = arith.constant 80 : i32
      %mul3A_60 = arith.muli %mul3A_58, %mul3A_59 : i32
      %add3A_61 = arith.addi %mul3A_2, %mul3A_60 : i32
      %dma_wait3A = arith.constant 0 : i32
      %dma_wait3A_62 = arith.constant 0 : i32
      %dma_wait3A_63 = arith.constant 0 : i32
      %dma_wait3A_64 = tpu.memref_slice %arg6[%dma_wait3A, %dma_wait3A_62, %dma_wait3A_63] : memref<2x80x128xf32, #tpu.memory_space<vmem>> -> memref<1x80x128xf32, #tpu.memory_space<vmem>>
      %dma_wait3A_65 = tpu.memref_squeeze %dma_wait3A_64 : memref<1x80x128xf32, #tpu.memory_space<vmem>> -> memref<80x128xf32, #tpu.memory_space<vmem>>
      %dma_wait3A_66 = arith.constant 0 : i32
      %dma_wait3A_67 = tpu.memref_slice %arg2[%add3A_61, %dma_wait3A_66] : memref<320000x128xf32, #tpu.memory_space<hbm>> -> memref<80x128xf32, #tpu.memory_space<hbm>>
      %dma_wait3A_68 = arith.constant 0 : i32
      %dma_wait3A_69 = arith.constant 0 : i32
      %dma_wait3A_70 = tpu.memref_slice %arg6[%dma_wait3A, %dma_wait3A_68, %dma_wait3A_69] : memref<2x80x128xf32, #tpu.memory_space<vmem>> -> memref<1x80x128xf32, #tpu.memory_space<vmem>>
      %dma_wait3A_71 = tpu.memref_squeeze %dma_wait3A_70 : memref<1x80x128xf32, #tpu.memory_space<vmem>> -> memref<80x128xf32, #tpu.memory_space<vmem>>
      %dma_wait3A_72 = arith.constant 0 : i32
      %dma_wait3A_73 = tpu.memref_slice %arg2[%add3A_61, %dma_wait3A_72] : memref<320000x128xf32, #tpu.memory_space<hbm>> -> memref<80x128xf32, #tpu.memory_space<hbm>>
      tpu.wait_dma2 semaphore(%arg8 : memref<!tpu.dma_semaphore, #tpu.memory_space<semaphore_mem>>) src(%dma_wait3A_73 : memref<80x128xf32, #tpu.memory_space<hbm>>) dst(%dma_wait3A_71 : memref<80x128xf32, #tpu.memory_space<vmem>>)
      %run_scoped3A = arith.constant 0 : i32
      "tpu.region"() ({
        %run_scoped3A_92 = tpu.sem_alloc : memref<!tpu.dma_semaphore, #tpu.memory_space<semaphore_mem>>
        %dma_start3A_93 = arith.constant 0 : i32
        %dma_start3A_94 = arith.constant 0 : i32
        %dma_start3A_95 = tpu.memref_slice %arg6[%run_scoped3A, %dma_start3A_93, %dma_start3A_94] : memref<2x80x128xf32, #tpu.memory_space<vmem>> -> memref<1x80x128xf32, #tpu.memory_space<vmem>>
        %dma_start3A_96 = tpu.memref_squeeze %dma_start3A_95 : memref<1x80x128xf32, #tpu.memory_space<vmem>> -> memref<80x128xf32, #tpu.memory_space<vmem>>
        %dma_start3A_97 = arith.constant 0 : i32
        %dma_start3A_98 = tpu.memref_slice %arg5[%mul3A_58, %dma_start3A_97] : memref<125x80xi32, #tpu.memory_space<vmem>> -> memref<1x80xi32, #tpu.memory_space<vmem>>
        %dma_start3A_99 = tpu.memref_squeeze %dma_start3A_98 : memref<1x80xi32, #tpu.memory_space<vmem>> -> memref<80xi32, #tpu.memory_space<vmem>>
        %dma_start3A_100 = arith.constant 0 : i32
        %dma_start3A_101 = arith.constant 0 : i32
        %dma_start3A_102 = tpu.memref_slice %arg7[%dma_start3A_100, %dma_start3A_101] : memref<10000x128xf32, #tpu.memory_space<vmem_shared>> -> memref<10000x128xf32, #tpu.memory_space<vmem_shared>>
        tpu.enqueue_indirect_dma source(%dma_start3A_96 : memref<80x128xf32, #tpu.memory_space<vmem>>) target(%dma_start3A_102 : memref<10000x128xf32, #tpu.memory_space<vmem_shared>>) offsets(%dma_start3A_99 : memref<80xi32, #tpu.memory_space<vmem>>) semaphore(%run_scoped3A_92 : memref<!tpu.dma_semaphore, #tpu.memory_space<semaphore_mem>>) {add = true}
        %dma_wait3A_103 = arith.constant 0 : i32
        %dma_wait3A_104 = arith.constant 0 : i32
        %dma_wait3A_105 = tpu.memref_slice %arg6[%run_scoped3A, %dma_wait3A_103, %dma_wait3A_104] : memref<2x80x128xf32, #tpu.memory_space<vmem>> -> memref<1x80x128xf32, #tpu.memory_space<vmem>>
        %dma_wait3A_106 = tpu.memref_squeeze %dma_wait3A_105 : memref<1x80x128xf32, #tpu.memory_space<vmem>> -> memref<80x128xf32, #tpu.memory_space<vmem>>
        %dma_wait3A_107 = arith.constant 0 : i32
        %dma_wait3A_108 = tpu.memref_slice %arg5[%mul3A_58, %dma_wait3A_107] : memref<125x80xi32, #tpu.memory_space<vmem>> -> memref<1x80xi32, #tpu.memory_space<vmem>>
        %dma_wait3A_109 = tpu.memref_squeeze %dma_wait3A_108 : memref<1x80xi32, #tpu.memory_space<vmem>> -> memref<80xi32, #tpu.memory_space<vmem>>
        %dma_wait3A_110 = arith.constant 0 : i32
        %dma_wait3A_111 = arith.constant 0 : i32
        %dma_wait3A_112 = tpu.memref_slice %arg7[%dma_wait3A_110, %dma_wait3A_111] : memref<10000x128xf32, #tpu.memory_space<vmem_shared>> -> memref<10000x128xf32, #tpu.memory_space<vmem_shared>>
        tpu.wait_indirect_dma semaphore(%run_scoped3A_92 : memref<!tpu.dma_semaphore, #tpu.memory_space<semaphore_mem>>) src(%dma_wait3A_106 : memref<80x128xf32, #tpu.memory_space<vmem>>) dst(%dma_wait3A_112 : memref<10000x128xf32, #tpu.memory_space<vmem_shared>>)
        tpu.yield
      }) : () -> ()
      %add3A_74 = arith.constant 2 : i32
      %add3A_75 = arith.addi %mul3A_58, %add3A_74 : i32
      %lt3A = arith.constant 125 : i32
      %lt3A_76 = arith.cmpi slt, %add3A_75, %lt3A : i32
      %convert_element_type3A = arith.extui %lt3A_76 : i1 to i32
      %cond3A = arith.constant 0 : i32
      %cond3A_77 = arith.cmpi ne, %convert_element_type3A, %cond3A : i32
      scf.if %cond3A_77 {
        %add3A_92 = arith.constant 2 : i32
        %add3A_93 = arith.addi %mul3A_58, %add3A_92 : i32
        %mul3A_94 = arith.constant 80 : i32
        %mul3A_95 = arith.muli %add3A_93, %mul3A_94 : i32
        %add3A_96 = arith.addi %mul3A_2, %mul3A_95 : i32
        %dma_start3A_97 = arith.constant 0 : i32
        %dma_start3A_98 = arith.constant 0 : i32
        %dma_start3A_99 = arith.constant 0 : i32
        %dma_start3A_100 = tpu.memref_slice %arg6[%dma_start3A_97, %dma_start3A_98, %dma_start3A_99] : memref<2x80x128xf32, #tpu.memory_space<vmem>> -> memref<1x80x128xf32, #tpu.memory_space<vmem>>
        %dma_start3A_101 = tpu.memref_squeeze %dma_start3A_100 : memref<1x80x128xf32, #tpu.memory_space<vmem>> -> memref<80x128xf32, #tpu.memory_space<vmem>>
        %dma_start3A_102 = arith.constant 0 : i32
        %dma_start3A_103 = tpu.memref_slice %arg2[%add3A_96, %dma_start3A_102] : memref<320000x128xf32, #tpu.memory_space<hbm>> -> memref<80x128xf32, #tpu.memory_space<hbm>>
        %dma_start3A_104 = arith.constant 0 : i32
        %dma_start3A_105 = arith.constant 0 : i32
        %dma_start3A_106 = tpu.memref_slice %arg6[%dma_start3A_97, %dma_start3A_104, %dma_start3A_105] : memref<2x80x128xf32, #tpu.memory_space<vmem>> -> memref<1x80x128xf32, #tpu.memory_space<vmem>>
        %dma_start3A_107 = tpu.memref_squeeze %dma_start3A_106 : memref<1x80x128xf32, #tpu.memory_space<vmem>> -> memref<80x128xf32, #tpu.memory_space<vmem>>
        %dma_start3A_108 = arith.constant 0 : i32
        %dma_start3A_109 = tpu.memref_slice %arg2[%add3A_96, %dma_start3A_108] : memref<320000x128xf32, #tpu.memory_space<hbm>> -> memref<80x128xf32, #tpu.memory_space<hbm>>
        tpu.enqueue_dma source(%dma_start3A_109 : memref<80x128xf32, #tpu.memory_space<hbm>>) target(%dma_start3A_107 : memref<80x128xf32, #tpu.memory_space<vmem>>) target_semaphore(%arg8 : memref<!tpu.dma_semaphore, #tpu.memory_space<semaphore_mem>>)
      } else {
      }
      %add3A_78 = arith.constant 1 : i32
      %add3A_79 = arith.addi %mul3A_58, %add3A_78 : i32
      %lt3A_80 = arith.constant 125 : i32
      %lt3A_81 = arith.cmpi slt, %add3A_79, %lt3A_80 : i32
      %convert_element_type3A_82 = arith.extui %lt3A_81 : i1 to i32
      %cond3A_83 = arith.constant 0 : i32
      %cond3A_84 = arith.cmpi ne, %convert_element_type3A_82, %cond3A_83 : i32
      scf.if %cond3A_84 {
        %add3A_92 = arith.constant 1 : i32
        %add3A_93 = arith.addi %mul3A_58, %add3A_92 : i32
        %mul3A_94 = arith.constant 80 : i32
        %mul3A_95 = arith.muli %add3A_93, %mul3A_94 : i32
        %add3A_96 = arith.addi %mul3A_2, %mul3A_95 : i32
        %dma_wait3A_97 = arith.constant 1 : i32
        %dma_wait3A_98 = arith.constant 0 : i32
        %dma_wait3A_99 = arith.constant 0 : i32
        %dma_wait3A_100 = tpu.memref_slice %arg6[%dma_wait3A_97, %dma_wait3A_98, %dma_wait3A_99] : memref<2x80x128xf32, #tpu.memory_space<vmem>> -> memref<1x80x128xf32, #tpu.memory_space<vmem>>
        %dma_wait3A_101 = tpu.memref_squeeze %dma_wait3A_100 : memref<1x80x128xf32, #tpu.memory_space<vmem>> -> memref<80x128xf32, #tpu.memory_space<vmem>>
        %dma_wait3A_102 = arith.constant 0 : i32
        %dma_wait3A_103 = tpu.memref_slice %arg2[%add3A_96, %dma_wait3A_102] : memref<320000x128xf32, #tpu.memory_space<hbm>> -> memref<80x128xf32, #tpu.memory_space<hbm>>
        %dma_wait3A_104 = arith.constant 0 : i32
        %dma_wait3A_105 = arith.constant 0 : i32
        %dma_wait3A_106 = tpu.memref_slice %arg6[%dma_wait3A_97, %dma_wait3A_104, %dma_wait3A_105] : memref<2x80x128xf32, #tpu.memory_space<vmem>> -> memref<1x80x128xf32, #tpu.memory_space<vmem>>
        %dma_wait3A_107 = tpu.memref_squeeze %dma_wait3A_106 : memref<1x80x128xf32, #tpu.memory_space<vmem>> -> memref<80x128xf32, #tpu.memory_space<vmem>>
        %dma_wait3A_108 = arith.constant 0 : i32
        %dma_wait3A_109 = tpu.memref_slice %arg2[%add3A_96, %dma_wait3A_108] : memref<320000x128xf32, #tpu.memory_space<hbm>> -> memref<80x128xf32, #tpu.memory_space<hbm>>
        tpu.wait_dma2 semaphore(%arg9 : memref<!tpu.dma_semaphore, #tpu.memory_space<semaphore_mem>>) src(%dma_wait3A_109 : memref<80x128xf32, #tpu.memory_space<hbm>>) dst(%dma_wait3A_107 : memref<80x128xf32, #tpu.memory_space<vmem>>)
        %add3A_110 = arith.constant 1 : i32
        %add3A_111 = arith.addi %mul3A_58, %add3A_110 : i32
        %run_scoped3A_112 = arith.constant 1 : i32
        "tpu.region"() ({
          %run_scoped3A_113 = tpu.sem_alloc : memref<!tpu.dma_semaphore, #tpu.memory_space<semaphore_mem>>
          %dma_start3A_114 = arith.constant 0 : i32
          %dma_start3A_115 = arith.constant 0 : i32
          %dma_start3A_116 = tpu.memref_slice %arg6[%run_scoped3A_112, %dma_start3A_114, %dma_start3A_115] : memref<2x80x128xf32, #tpu.memory_space<vmem>> -> memref<1x80x128xf32, #tpu.memory_space<vmem>>
          %dma_start3A_117 = tpu.memref_squeeze %dma_start3A_116 : memref<1x80x128xf32, #tpu.memory_space<vmem>> -> memref<80x128xf32, #tpu.memory_space<vmem>>
          %dma_start3A_118 = arith.constant 0 : i32
          %dma_start3A_119 = tpu.memref_slice %arg5[%add3A_111, %dma_start3A_118] : memref<125x80xi32, #tpu.memory_space<vmem>> -> memref<1x80xi32, #tpu.memory_space<vmem>>
          %dma_start3A_120 = tpu.memref_squeeze %dma_start3A_119 : memref<1x80xi32, #tpu.memory_space<vmem>> -> memref<80xi32, #tpu.memory_space<vmem>>
          %dma_start3A_121 = arith.constant 0 : i32
          %dma_start3A_122 = arith.constant 0 : i32
          %dma_start3A_123 = tpu.memref_slice %arg7[%dma_start3A_121, %dma_start3A_122] : memref<10000x128xf32, #tpu.memory_space<vmem_shared>> -> memref<10000x128xf32, #tpu.memory_space<vmem_shared>>
          tpu.enqueue_indirect_dma source(%dma_start3A_117 : memref<80x128xf32, #tpu.memory_space<vmem>>) target(%dma_start3A_123 : memref<10000x128xf32, #tpu.memory_space<vmem_shared>>) offsets(%dma_start3A_120 : memref<80xi32, #tpu.memory_space<vmem>>) semaphore(%run_scoped3A_113 : memref<!tpu.dma_semaphore, #tpu.memory_space<semaphore_mem>>) {add = true}
          %dma_wait3A_124 = arith.constant 0 : i32
          %dma_wait3A_125 = arith.constant 0 : i32
          %dma_wait3A_126 = tpu.memref_slice %arg6[%run_scoped3A_112, %dma_wait3A_124, %dma_wait3A_125] : memref<2x80x128xf32, #tpu.memory_space<vmem>> -> memref<1x80x128xf32, #tpu.memory_space<vmem>>
          %dma_wait3A_127 = tpu.memref_squeeze %dma_wait3A_126 : memref<1x80x128xf32, #tpu.memory_space<vmem>> -> memref<80x128xf32, #tpu.memory_space<vmem>>
          %dma_wait3A_128 = arith.constant 0 : i32
          %dma_wait3A_129 = tpu.memref_slice %arg5[%add3A_111, %dma_wait3A_128] : memref<125x80xi32, #tpu.memory_space<vmem>> -> memref<1x80xi32, #tpu.memory_space<vmem>>
          %dma_wait3A_130 = tpu.memref_squeeze %dma_wait3A_129 : memref<1x80xi32, #tpu.memory_space<vmem>> -> memref<80xi32, #tpu.memory_space<vmem>>
          %dma_wait3A_131 = arith.constant 0 : i32
          %dma_wait3A_132 = arith.constant 0 : i32
          %dma_wait3A_133 = tpu.memref_slice %arg7[%dma_wait3A_131, %dma_wait3A_132] : memref<10000x128xf32, #tpu.memory_space<vmem_shared>> -> memref<10000x128xf32, #tpu.memory_space<vmem_shared>>
          tpu.wait_indirect_dma semaphore(%run_scoped3A_113 : memref<!tpu.dma_semaphore, #tpu.memory_space<semaphore_mem>>) src(%dma_wait3A_127 : memref<80x128xf32, #tpu.memory_space<vmem>>) dst(%dma_wait3A_133 : memref<10000x128xf32, #tpu.memory_space<vmem_shared>>)
          tpu.yield
        }) : () -> ()
      } else {
      }
      %add3A_85 = arith.constant 3 : i32
      %add3A_86 = arith.addi %mul3A_58, %add3A_85 : i32
      %lt3A_87 = arith.constant 125 : i32
      %lt3A_88 = arith.cmpi slt, %add3A_86, %lt3A_87 : i32
      %convert_element_type3A_89 = arith.extui %lt3A_88 : i1 to i32
      %cond3A_90 = arith.constant 0 : i32
      %cond3A_91 = arith.cmpi ne, %convert_element_type3A_89, %cond3A_90 : i32
      scf.if %cond3A_91 {
        %add3A_92 = arith.constant 3 : i32
        %add3A_93 = arith.addi %mul3A_58, %add3A_92 : i32
        %mul3A_94 = arith.constant 80 : i32
        %mul3A_95 = arith.muli %add3A_93, %mul3A_94 : i32
        %add3A_96 = arith.addi %mul3A_2, %mul3A_95 : i32
        %dma_start3A_97 = arith.constant 1 : i32
        %dma_start3A_98 = arith.constant 0 : i32
        %dma_start3A_99 = arith.constant 0 : i32
        %dma_start3A_100 = tpu.memref_slice %arg6[%dma_start3A_97, %dma_start3A_98, %dma_start3A_99] : memref<2x80x128xf32, #tpu.memory_space<vmem>> -> memref<1x80x128xf32, #tpu.memory_space<vmem>>
        %dma_start3A_101 = tpu.memref_squeeze %dma_start3A_100 : memref<1x80x128xf32, #tpu.memory_space<vmem>> -> memref<80x128xf32, #tpu.memory_space<vmem>>
        %dma_start3A_102 = arith.constant 0 : i32
        %dma_start3A_103 = tpu.memref_slice %arg2[%add3A_96, %dma_start3A_102] : memref<320000x128xf32, #tpu.memory_space<hbm>> -> memref<80x128xf32, #tpu.memory_space<hbm>>
        %dma_start3A_104 = arith.constant 0 : i32
        %dma_start3A_105 = arith.constant 0 : i32
        %dma_start3A_106 = tpu.memref_slice %arg6[%dma_start3A_97, %dma_start3A_104, %dma_start3A_105] : memref<2x80x128xf32, #tpu.memory_space<vmem>> -> memref<1x80x128xf32, #tpu.memory_space<vmem>>
        %dma_start3A_107 = tpu.memref_squeeze %dma_start3A_106 : memref<1x80x128xf32, #tpu.memory_space<vmem>> -> memref<80x128xf32, #tpu.memory_space<vmem>>
        %dma_start3A_108 = arith.constant 0 : i32
        %dma_start3A_109 = tpu.memref_slice %arg2[%add3A_96, %dma_start3A_108] : memref<320000x128xf32, #tpu.memory_space<hbm>> -> memref<80x128xf32, #tpu.memory_space<hbm>>
        tpu.enqueue_dma source(%dma_start3A_109 : memref<80x128xf32, #tpu.memory_space<hbm>>) target(%dma_start3A_107 : memref<80x128xf32, #tpu.memory_space<vmem>>) target_semaphore(%arg9 : memref<!tpu.dma_semaphore, #tpu.memory_space<semaphore_mem>>)
      } else {
      }
    }
    %scan3A_48 = arith.constant 63 : i32
    %barrier3A_49 = arith.constant 0 : index
    tpu.barrier barrier_id(%barrier3A_49)
    %scan3A_50 = arith.constant 0 : i32
    %scan3A_51 = arith.constant 0 : i32
    %scan3A_52 = arith.constant 8 : i32
    %scan3A_53 = arith.addi %scan3A_51, %scan3A_52 : i32
    %scan3A_54 = arith.constant 1 : i32
    scf.for %scan3A_56 = %scan3A_51 to %scan3A_53 step %scan3A_54  : i32 {
      %mul3A_57 = arith.constant 16 : i32
      %mul3A_58 = arith.muli %scan3A_56, %mul3A_57 : i32
      %add3A_59 = arith.addi %arg1, %mul3A_58 : i32
      %lt3A = arith.constant 125 : i32
      %lt3A_60 = arith.cmpi slt, %add3A_59, %lt3A : i32
      %convert_element_type3A = arith.extui %lt3A_60 : i1 to i32
      %cond3A = arith.constant 0 : i32
      %cond3A_61 = arith.cmpi ne, %convert_element_type3A, %cond3A : i32
      scf.if %cond3A_61 {
        %mul3A_62 = arith.constant 80 : i32
        %mul3A_63 = arith.muli %add3A_59, %mul3A_62 : i32
        %mul3A_64 = arith.constant 80 : i32
        %mul3A_65 = arith.muli %add3A_59, %mul3A_64 : i32
        "tpu.region"() ({
          %run_scoped3A = tpu.sem_alloc : memref<!tpu.dma_semaphore, #tpu.memory_space<semaphore_mem>>
          %dma_start3A_66 = arith.constant 0 : i32
          %dma_start3A_67 = tpu.memref_slice %arg4[%arg0, %mul3A_65, %dma_start3A_66] : memref<2x10000x128xf32, #tpu.memory_space<hbm>> -> memref<1x80x128xf32, #tpu.memory_space<hbm>>
          %dma_start3A_68 = tpu.memref_squeeze %dma_start3A_67 : memref<1x80x128xf32, #tpu.memory_space<hbm>> -> memref<80x128xf32, #tpu.memory_space<hbm>>
          %dma_start3A_69 = arith.constant 0 : i32
          %dma_start3A_70 = tpu.memref_slice %arg7[%mul3A_63, %dma_start3A_69] : memref<10000x128xf32, #tpu.memory_space<vmem_shared>> -> memref<80x128xf32, #tpu.memory_space<vmem_shared>>
          tpu.enqueue_dma source(%dma_start3A_70 : memref<80x128xf32, #tpu.memory_space<vmem_shared>>) target(%dma_start3A_68 : memref<80x128xf32, #tpu.memory_space<hbm>>) target_semaphore(%run_scoped3A : memref<!tpu.dma_semaphore, #tpu.memory_space<semaphore_mem>>)
          %dma_wait3A = arith.constant 0 : i32
          %dma_wait3A_71 = tpu.memref_slice %arg4[%arg0, %mul3A_65, %dma_wait3A] : memref<2x10000x128xf32, #tpu.memory_space<hbm>> -> memref<1x80x128xf32, #tpu.memory_space<hbm>>
          %dma_wait3A_72 = tpu.memref_squeeze %dma_wait3A_71 : memref<1x80x128xf32, #tpu.memory_space<hbm>> -> memref<80x128xf32, #tpu.memory_space<hbm>>
          %dma_wait3A_73 = arith.constant 0 : i32
          %dma_wait3A_74 = tpu.memref_slice %arg7[%mul3A_63, %dma_wait3A_73] : memref<10000x128xf32, #tpu.memory_space<vmem_shared>> -> memref<80x128xf32, #tpu.memory_space<vmem_shared>>
          tpu.wait_dma2 semaphore(%run_scoped3A : memref<!tpu.dma_semaphore, #tpu.memory_space<semaphore_mem>>) src(%dma_wait3A_74 : memref<80x128xf32, #tpu.memory_space<vmem_shared>>) dst(%dma_wait3A_72 : memref<80x128xf32, #tpu.memory_space<hbm>>)
          tpu.yield
        }) : () -> ()
      } else {
      }
    }
    %scan3A_55 = arith.constant 8 : i32
    return
  }
}

#map = affine_map<(d0, d1) -> (0, 0, 0)>
module attributes {stable_mosaic.version = 14 : i64} {
  func.func @count_k(%arg0: i32, %arg1: i32, %arg2: memref<32x125x80xi32, #tpu.memory_space<hbm>>, %arg3: memref<2x10000x128xf32, #tpu.memory_space<hbm>>, %arg4: memref<125x80xi32, #tpu.memory_space<vmem>>, %arg5: memref<80x128xf32, #tpu.memory_space<vmem>>, %arg6: memref<10000x128xf32, #tpu.memory_space<vmem_shared>>) attributes {dimension_semantics = [#tpu.dimension_semantics<core_parallel>, #tpu.dimension_semantics<subcore_parallel>], iteration_bounds = array<i64: 2, 16>, scalar_prefetch = 0 : i64, scratch_operands = 3 : i64, tpu.core_type = #tpu.core_type<sc_vector_subcore>, window_params = [{transform_indices = #map}, {transform_indices = #map}]} {
    %mul3A = arith.constant 2 : i32
    %mul3A_0 = arith.muli %arg1, %mul3A : i32
    %add3A = arith.addi %mul3A_0, %arg0 : i32
    %scan3A = arith.constant 0 : i32
    %scan3A_1 = arith.constant 0 : i32
    %scan3A_2 = arith.constant 80 : i32
    %scan3A_3 = arith.addi %scan3A_1, %scan3A_2 : i32
    %scan3A_4 = arith.constant 1 : i32
    scf.for %scan3A_31 = %scan3A_1 to %scan3A_3 step %scan3A_4  : i32 {
      %broadcast_in_dim3A = arith.constant 0.000000e+00 : f32
      %broadcast_in_dim3A_32 = vector.broadcast %broadcast_in_dim3A : f32 to vector<16xf32>
      %swap3A = arith.index_cast %scan3A_31 : i32 to index
      %swap3A_33 = arith.constant 0 : index
      %swap3A_34 = tpu.vector_load %arg5[%swap3A, %swap3A_33] {strides = array<i32>} : memref<80x128xf32, #tpu.memory_space<vmem>>, vector<1x16xf32>,
      %swap3A_35 = vector.shape_cast %swap3A_34 : vector<1x16xf32> to vector<16xf32>
      %swap3A_36 = vector.shape_cast %broadcast_in_dim3A_32 : vector<16xf32> to vector<1x16xf32>
      tpu.vector_store %arg5[%swap3A, %swap3A_33], %swap3A_36 {strides = array<i32>} : memref<80x128xf32, #tpu.memory_space<vmem>>, vector<1x16xf32>,
      %broadcast_in_dim3A_37 = arith.constant 0.000000e+00 : f32
      %broadcast_in_dim3A_38 = vector.broadcast %broadcast_in_dim3A_37 : f32 to vector<16xf32>
      %swap3A_39 = arith.index_cast %scan3A_31 : i32 to index
      %swap3A_40 = arith.constant 16 : index
      %swap3A_41 = tpu.vector_load %arg5[%swap3A_39, %swap3A_40] {strides = array<i32>} : memref<80x128xf32, #tpu.memory_space<vmem>>, vector<1x16xf32>,
      %swap3A_42 = vector.shape_cast %swap3A_41 : vector<1x16xf32> to vector<16xf32>
      %swap3A_43 = vector.shape_cast %broadcast_in_dim3A_38 : vector<16xf32> to vector<1x16xf32>
      tpu.vector_store %arg5[%swap3A_39, %swap3A_40], %swap3A_43 {strides = array<i32>} : memref<80x128xf32, #tpu.memory_space<vmem>>, vector<1x16xf32>,
      %broadcast_in_dim3A_44 = arith.constant 0.000000e+00 : f32
      %broadcast_in_dim3A_45 = vector.broadcast %broadcast_in_dim3A_44 : f32 to vector<16xf32>
      %swap3A_46 = arith.index_cast %scan3A_31 : i32 to index
      %swap3A_47 = arith.constant 32 : index
      %swap3A_48 = tpu.vector_load %arg5[%swap3A_46, %swap3A_47] {strides = array<i32>} : memref<80x128xf32, #tpu.memory_space<vmem>>, vector<1x16xf32>,
      %swap3A_49 = vector.shape_cast %swap3A_48 : vector<1x16xf32> to vector<16xf32>
      %swap3A_50 = vector.shape_cast %broadcast_in_dim3A_45 : vector<16xf32> to vector<1x16xf32>
      tpu.vector_store %arg5[%swap3A_46, %swap3A_47], %swap3A_50 {strides = array<i32>} : memref<80x128xf32, #tpu.memory_space<vmem>>, vector<1x16xf32>,
      %broadcast_in_dim3A_51 = arith.constant 0.000000e+00 : f32
      %broadcast_in_dim3A_52 = vector.broadcast %broadcast_in_dim3A_51 : f32 to vector<16xf32>
      %swap3A_53 = arith.index_cast %scan3A_31 : i32 to index
      %swap3A_54 = arith.constant 48 : index
      %swap3A_55 = tpu.vector_load %arg5[%swap3A_53, %swap3A_54] {strides = array<i32>} : memref<80x128xf32, #tpu.memory_space<vmem>>, vector<1x16xf32>,
      %swap3A_56 = vector.shape_cast %swap3A_55 : vector<1x16xf32> to vector<16xf32>
      %swap3A_57 = vector.shape_cast %broadcast_in_dim3A_52 : vector<16xf32> to vector<1x16xf32>
      tpu.vector_store %arg5[%swap3A_53, %swap3A_54], %swap3A_57 {strides = array<i32>} : memref<80x128xf32, #tpu.memory_space<vmem>>, vector<1x16xf32>,
      %broadcast_in_dim3A_58 = arith.constant 0.000000e+00 : f32
      %broadcast_in_dim3A_59 = vector.broadcast %broadcast_in_dim3A_58 : f32 to vector<16xf32>
      %swap3A_60 = arith.index_cast %scan3A_31 : i32 to index
      %swap3A_61 = arith.constant 64 : index
      %swap3A_62 = tpu.vector_load %arg5[%swap3A_60, %swap3A_61] {strides = array<i32>} : memref<80x128xf32, #tpu.memory_space<vmem>>, vector<1x16xf32>,
      %swap3A_63 = vector.shape_cast %swap3A_62 : vector<1x16xf32> to vector<16xf32>
      %swap3A_64 = vector.shape_cast %broadcast_in_dim3A_59 : vector<16xf32> to vector<1x16xf32>
      tpu.vector_store %arg5[%swap3A_60, %swap3A_61], %swap3A_64 {strides = array<i32>} : memref<80x128xf32, #tpu.memory_space<vmem>>, vector<1x16xf32>,
      %broadcast_in_dim3A_65 = arith.constant 0.000000e+00 : f32
      %broadcast_in_dim3A_66 = vector.broadcast %broadcast_in_dim3A_65 : f32 to vector<16xf32>
      %swap3A_67 = arith.index_cast %scan3A_31 : i32 to index
      %swap3A_68 = arith.constant 80 : index
      %swap3A_69 = tpu.vector_load %arg5[%swap3A_67, %swap3A_68] {strides = array<i32>} : memref<80x128xf32, #tpu.memory_space<vmem>>, vector<1x16xf32>,
      %swap3A_70 = vector.shape_cast %swap3A_69 : vector<1x16xf32> to vector<16xf32>
      %swap3A_71 = vector.shape_cast %broadcast_in_dim3A_66 : vector<16xf32> to vector<1x16xf32>
      tpu.vector_store %arg5[%swap3A_67, %swap3A_68], %swap3A_71 {strides = array<i32>} : memref<80x128xf32, #tpu.memory_space<vmem>>, vector<1x16xf32>,
      %broadcast_in_dim3A_72 = arith.constant 0.000000e+00 : f32
      %broadcast_in_dim3A_73 = vector.broadcast %broadcast_in_dim3A_72 : f32 to vector<16xf32>
      %swap3A_74 = arith.index_cast %scan3A_31 : i32 to index
      %swap3A_75 = arith.constant 96 : index
      %swap3A_76 = tpu.vector_load %arg5[%swap3A_74, %swap3A_75] {strides = array<i32>} : memref<80x128xf32, #tpu.memory_space<vmem>>, vector<1x16xf32>,
      %swap3A_77 = vector.shape_cast %swap3A_76 : vector<1x16xf32> to vector<16xf32>
      %swap3A_78 = vector.shape_cast %broadcast_in_dim3A_73 : vector<16xf32> to vector<1x16xf32>
      tpu.vector_store %arg5[%swap3A_74, %swap3A_75], %swap3A_78 {strides = array<i32>} : memref<80x128xf32, #tpu.memory_space<vmem>>, vector<1x16xf32>,
      %broadcast_in_dim3A_79 = arith.constant 0.000000e+00 : f32
      %broadcast_in_dim3A_80 = vector.broadcast %broadcast_in_dim3A_79 : f32 to vector<16xf32>
      %swap3A_81 = arith.index_cast %scan3A_31 : i32 to index
      %swap3A_82 = arith.constant 112 : index
      %swap3A_83 = tpu.vector_load %arg5[%swap3A_81, %swap3A_82] {strides = array<i32>} : memref<80x128xf32, #tpu.memory_space<vmem>>, vector<1x16xf32>,
      %swap3A_84 = vector.shape_cast %swap3A_83 : vector<1x16xf32> to vector<16xf32>
      %swap3A_85 = vector.shape_cast %broadcast_in_dim3A_80 : vector<16xf32> to vector<1x16xf32>
      tpu.vector_store %arg5[%swap3A_81, %swap3A_82], %swap3A_85 {strides = array<i32>} : memref<80x128xf32, #tpu.memory_space<vmem>>, vector<1x16xf32>,
    }
    %scan3A_5 = arith.constant 80 : i32
    %scan3A_6 = arith.constant 0 : i32
    %scan3A_7 = arith.constant 0 : i32
    %scan3A_8 = arith.constant 8 : i32
    %scan3A_9 = arith.addi %scan3A_7, %scan3A_8 : i32
    %scan3A_10 = arith.constant 1 : i32
    scf.for %scan3A_31 = %scan3A_7 to %scan3A_9 step %scan3A_10  : i32 {
      %mul3A_32 = arith.constant 16 : i32
      %mul3A_33 = arith.muli %scan3A_31, %mul3A_32 : i32
      %add3A_34 = arith.addi %arg1, %mul3A_33 : i32
      %lt3A = arith.constant 125 : i32
      %lt3A_35 = arith.cmpi slt, %add3A_34, %lt3A : i32
      %convert_element_type3A = arith.extui %lt3A_35 : i1 to i32
      %cond3A = arith.constant 0 : i32
      %cond3A_36 = arith.cmpi ne, %convert_element_type3A, %cond3A : i32
      scf.if %cond3A_36 {
        %mul3A_37 = arith.constant 80 : i32
        %mul3A_38 = arith.muli %add3A_34, %mul3A_37 : i32
        "tpu.region"() ({
          %run_scoped3A = tpu.sem_alloc : memref<!tpu.dma_semaphore, #tpu.memory_space<semaphore_mem>>
          %dma_start3A = arith.constant 0 : i32
          %dma_start3A_39 = tpu.memref_slice %arg6[%mul3A_38, %dma_start3A] : memref<10000x128xf32, #tpu.memory_space<vmem_shared>> -> memref<80x128xf32, #tpu.memory_space<vmem_shared>>
          %dma_start3A_40 = arith.constant 0 : i32
          %dma_start3A_41 = tpu.memref_slice %arg6[%mul3A_38, %dma_start3A_40] : memref<10000x128xf32, #tpu.memory_space<vmem_shared>> -> memref<80x128xf32, #tpu.memory_space<vmem_shared>>
          tpu.enqueue_dma source(%arg5 : memref<80x128xf32, #tpu.memory_space<vmem>>) target(%dma_start3A_41 : memref<80x128xf32, #tpu.memory_space<vmem_shared>>) target_semaphore(%run_scoped3A : memref<!tpu.dma_semaphore, #tpu.memory_space<semaphore_mem>>)
          %dma_wait3A = arith.constant 0 : i32
          %dma_wait3A_42 = tpu.memref_slice %arg6[%mul3A_38, %dma_wait3A] : memref<10000x128xf32, #tpu.memory_space<vmem_shared>> -> memref<80x128xf32, #tpu.memory_space<vmem_shared>>
          %dma_wait3A_43 = arith.constant 0 : i32
          %dma_wait3A_44 = tpu.memref_slice %arg6[%mul3A_38, %dma_wait3A_43] : memref<10000x128xf32, #tpu.memory_space<vmem_shared>> -> memref<80x128xf32, #tpu.memory_space<vmem_shared>>
          tpu.wait_dma2 semaphore(%run_scoped3A : memref<!tpu.dma_semaphore, #tpu.memory_space<semaphore_mem>>) src(%arg5 : memref<80x128xf32, #tpu.memory_space<vmem>>) dst(%dma_wait3A_44 : memref<80x128xf32, #tpu.memory_space<vmem_shared>>)
          tpu.yield
        }) : () -> ()
      } else {
      }
    }
    %scan3A_11 = arith.constant 8 : i32
    "tpu.region"() ({
      %run_scoped3A = tpu.sem_alloc : memref<!tpu.dma_semaphore, #tpu.memory_space<semaphore_mem>>
      %dma_start3A = arith.constant 0 : i32
      %dma_start3A_31 = arith.constant 0 : i32
      %dma_start3A_32 = tpu.memref_slice %arg2[%add3A, %dma_start3A, %dma_start3A_31] : memref<32x125x80xi32, #tpu.memory_space<hbm>> -> memref<1x125x80xi32, #tpu.memory_space<hbm>>
      %dma_start3A_33 = tpu.memref_squeeze %dma_start3A_32 : memref<1x125x80xi32, #tpu.memory_space<hbm>> -> memref<125x80xi32, #tpu.memory_space<hbm>>
      %dma_start3A_34 = arith.constant 0 : i32
      %dma_start3A_35 = arith.constant 0 : i32
      %dma_start3A_36 = tpu.memref_slice %arg2[%add3A, %dma_start3A_34, %dma_start3A_35] : memref<32x125x80xi32, #tpu.memory_space<hbm>> -> memref<1x125x80xi32, #tpu.memory_space<hbm>>
      %dma_start3A_37 = tpu.memref_squeeze %dma_start3A_36 : memref<1x125x80xi32, #tpu.memory_space<hbm>> -> memref<125x80xi32, #tpu.memory_space<hbm>>
      tpu.enqueue_dma source(%dma_start3A_37 : memref<125x80xi32, #tpu.memory_space<hbm>>) target(%arg4 : memref<125x80xi32, #tpu.memory_space<vmem>>) target_semaphore(%run_scoped3A : memref<!tpu.dma_semaphore, #tpu.memory_space<semaphore_mem>>)
      %dma_wait3A = arith.constant 0 : i32
      %dma_wait3A_38 = arith.constant 0 : i32
      %dma_wait3A_39 = tpu.memref_slice %arg2[%add3A, %dma_wait3A, %dma_wait3A_38] : memref<32x125x80xi32, #tpu.memory_space<hbm>> -> memref<1x125x80xi32, #tpu.memory_space<hbm>>
      %dma_wait3A_40 = tpu.memref_squeeze %dma_wait3A_39 : memref<1x125x80xi32, #tpu.memory_space<hbm>> -> memref<125x80xi32, #tpu.memory_space<hbm>>
      %dma_wait3A_41 = arith.constant 0 : i32
      %dma_wait3A_42 = arith.constant 0 : i32
      %dma_wait3A_43 = tpu.memref_slice %arg2[%add3A, %dma_wait3A_41, %dma_wait3A_42] : memref<32x125x80xi32, #tpu.memory_space<hbm>> -> memref<1x125x80xi32, #tpu.memory_space<hbm>>
      %dma_wait3A_44 = tpu.memref_squeeze %dma_wait3A_43 : memref<1x125x80xi32, #tpu.memory_space<hbm>> -> memref<125x80xi32, #tpu.memory_space<hbm>>
      tpu.wait_dma2 semaphore(%run_scoped3A : memref<!tpu.dma_semaphore, #tpu.memory_space<semaphore_mem>>) src(%dma_wait3A_44 : memref<125x80xi32, #tpu.memory_space<hbm>>) dst(%arg4 : memref<125x80xi32, #tpu.memory_space<vmem>>)
      tpu.yield
    }) : () -> ()
    %scan3A_12 = arith.constant 0 : i32
    %scan3A_13 = arith.constant 0 : i32
    %scan3A_14 = arith.constant 80 : i32
    %scan3A_15 = arith.addi %scan3A_13, %scan3A_14 : i32
    %scan3A_16 = arith.constant 1 : i32
    scf.for %scan3A_31 = %scan3A_13 to %scan3A_15 step %scan3A_16  : i32 {
      %broadcast_in_dim3A = arith.constant 1.000000e+00 : f32
      %broadcast_in_dim3A_32 = vector.broadcast %broadcast_in_dim3A : f32 to vector<16xf32>
      %swap3A = arith.index_cast %scan3A_31 : i32 to index
      %swap3A_33 = arith.constant 0 : index
      %swap3A_34 = tpu.vector_load %arg5[%swap3A, %swap3A_33] {strides = array<i32>} : memref<80x128xf32, #tpu.memory_space<vmem>>, vector<1x16xf32>,
      %swap3A_35 = vector.shape_cast %swap3A_34 : vector<1x16xf32> to vector<16xf32>
      %swap3A_36 = vector.shape_cast %broadcast_in_dim3A_32 : vector<16xf32> to vector<1x16xf32>
      tpu.vector_store %arg5[%swap3A, %swap3A_33], %swap3A_36 {strides = array<i32>} : memref<80x128xf32, #tpu.memory_space<vmem>>, vector<1x16xf32>,
      %broadcast_in_dim3A_37 = arith.constant 1.000000e+00 : f32
      %broadcast_in_dim3A_38 = vector.broadcast %broadcast_in_dim3A_37 : f32 to vector<16xf32>
      %swap3A_39 = arith.index_cast %scan3A_31 : i32 to index
      %swap3A_40 = arith.constant 16 : index
      %swap3A_41 = tpu.vector_load %arg5[%swap3A_39, %swap3A_40] {strides = array<i32>} : memref<80x128xf32, #tpu.memory_space<vmem>>, vector<1x16xf32>,
      %swap3A_42 = vector.shape_cast %swap3A_41 : vector<1x16xf32> to vector<16xf32>
      %swap3A_43 = vector.shape_cast %broadcast_in_dim3A_38 : vector<16xf32> to vector<1x16xf32>
      tpu.vector_store %arg5[%swap3A_39, %swap3A_40], %swap3A_43 {strides = array<i32>} : memref<80x128xf32, #tpu.memory_space<vmem>>, vector<1x16xf32>,
      %broadcast_in_dim3A_44 = arith.constant 1.000000e+00 : f32
      %broadcast_in_dim3A_45 = vector.broadcast %broadcast_in_dim3A_44 : f32 to vector<16xf32>
      %swap3A_46 = arith.index_cast %scan3A_31 : i32 to index
      %swap3A_47 = arith.constant 32 : index
      %swap3A_48 = tpu.vector_load %arg5[%swap3A_46, %swap3A_47] {strides = array<i32>} : memref<80x128xf32, #tpu.memory_space<vmem>>, vector<1x16xf32>,
      %swap3A_49 = vector.shape_cast %swap3A_48 : vector<1x16xf32> to vector<16xf32>
      %swap3A_50 = vector.shape_cast %broadcast_in_dim3A_45 : vector<16xf32> to vector<1x16xf32>
      tpu.vector_store %arg5[%swap3A_46, %swap3A_47], %swap3A_50 {strides = array<i32>} : memref<80x128xf32, #tpu.memory_space<vmem>>, vector<1x16xf32>,
      %broadcast_in_dim3A_51 = arith.constant 1.000000e+00 : f32
      %broadcast_in_dim3A_52 = vector.broadcast %broadcast_in_dim3A_51 : f32 to vector<16xf32>
      %swap3A_53 = arith.index_cast %scan3A_31 : i32 to index
      %swap3A_54 = arith.constant 48 : index
      %swap3A_55 = tpu.vector_load %arg5[%swap3A_53, %swap3A_54] {strides = array<i32>} : memref<80x128xf32, #tpu.memory_space<vmem>>, vector<1x16xf32>,
      %swap3A_56 = vector.shape_cast %swap3A_55 : vector<1x16xf32> to vector<16xf32>
      %swap3A_57 = vector.shape_cast %broadcast_in_dim3A_52 : vector<16xf32> to vector<1x16xf32>
      tpu.vector_store %arg5[%swap3A_53, %swap3A_54], %swap3A_57 {strides = array<i32>} : memref<80x128xf32, #tpu.memory_space<vmem>>, vector<1x16xf32>,
      %broadcast_in_dim3A_58 = arith.constant 1.000000e+00 : f32
      %broadcast_in_dim3A_59 = vector.broadcast %broadcast_in_dim3A_58 : f32 to vector<16xf32>
      %swap3A_60 = arith.index_cast %scan3A_31 : i32 to index
      %swap3A_61 = arith.constant 64 : index
      %swap3A_62 = tpu.vector_load %arg5[%swap3A_60, %swap3A_61] {strides = array<i32>} : memref<80x128xf32, #tpu.memory_space<vmem>>, vector<1x16xf32>,
      %swap3A_63 = vector.shape_cast %swap3A_62 : vector<1x16xf32> to vector<16xf32>
      %swap3A_64 = vector.shape_cast %broadcast_in_dim3A_59 : vector<16xf32> to vector<1x16xf32>
      tpu.vector_store %arg5[%swap3A_60, %swap3A_61], %swap3A_64 {strides = array<i32>} : memref<80x128xf32, #tpu.memory_space<vmem>>, vector<1x16xf32>,
      %broadcast_in_dim3A_65 = arith.constant 1.000000e+00 : f32
      %broadcast_in_dim3A_66 = vector.broadcast %broadcast_in_dim3A_65 : f32 to vector<16xf32>
      %swap3A_67 = arith.index_cast %scan3A_31 : i32 to index
      %swap3A_68 = arith.constant 80 : index
      %swap3A_69 = tpu.vector_load %arg5[%swap3A_67, %swap3A_68] {strides = array<i32>} : memref<80x128xf32, #tpu.memory_space<vmem>>, vector<1x16xf32>,
      %swap3A_70 = vector.shape_cast %swap3A_69 : vector<1x16xf32> to vector<16xf32>
      %swap3A_71 = vector.shape_cast %broadcast_in_dim3A_66 : vector<16xf32> to vector<1x16xf32>
      tpu.vector_store %arg5[%swap3A_67, %swap3A_68], %swap3A_71 {strides = array<i32>} : memref<80x128xf32, #tpu.memory_space<vmem>>, vector<1x16xf32>,
      %broadcast_in_dim3A_72 = arith.constant 1.000000e+00 : f32
      %broadcast_in_dim3A_73 = vector.broadcast %broadcast_in_dim3A_72 : f32 to vector<16xf32>
      %swap3A_74 = arith.index_cast %scan3A_31 : i32 to index
      %swap3A_75 = arith.constant 96 : index
      %swap3A_76 = tpu.vector_load %arg5[%swap3A_74, %swap3A_75] {strides = array<i32>} : memref<80x128xf32, #tpu.memory_space<vmem>>, vector<1x16xf32>,
      %swap3A_77 = vector.shape_cast %swap3A_76 : vector<1x16xf32> to vector<16xf32>
      %swap3A_78 = vector.shape_cast %broadcast_in_dim3A_73 : vector<16xf32> to vector<1x16xf32>
      tpu.vector_store %arg5[%swap3A_74, %swap3A_75], %swap3A_78 {strides = array<i32>} : memref<80x128xf32, #tpu.memory_space<vmem>>, vector<1x16xf32>,
      %broadcast_in_dim3A_79 = arith.constant 1.000000e+00 : f32
      %broadcast_in_dim3A_80 = vector.broadcast %broadcast_in_dim3A_79 : f32 to vector<16xf32>
      %swap3A_81 = arith.index_cast %scan3A_31 : i32 to index
      %swap3A_82 = arith.constant 112 : index
      %swap3A_83 = tpu.vector_load %arg5[%swap3A_81, %swap3A_82] {strides = array<i32>} : memref<80x128xf32, #tpu.memory_space<vmem>>, vector<1x16xf32>,
      %swap3A_84 = vector.shape_cast %swap3A_83 : vector<1x16xf32> to vector<16xf32>
      %swap3A_85 = vector.shape_cast %broadcast_in_dim3A_80 : vector<16xf32> to vector<1x16xf32>
      tpu.vector_store %arg5[%swap3A_81, %swap3A_82], %swap3A_85 {strides = array<i32>} : memref<80x128xf32, #tpu.memory_space<vmem>>, vector<1x16xf32>,
    }
    %scan3A_17 = arith.constant 80 : i32
    %barrier3A = arith.constant 0 : index
    tpu.barrier barrier_id(%barrier3A)
    %scan3A_18 = arith.constant 0 : i32
    %scan3A_19 = arith.constant 0 : i32
    %scan3A_20 = arith.constant 125 : i32
    %scan3A_21 = arith.addi %scan3A_19, %scan3A_20 : i32
    %scan3A_22 = arith.constant 1 : i32
    scf.for %scan3A_31 = %scan3A_19 to %scan3A_21 step %scan3A_22  : i32 {
      "tpu.region"() ({
        %run_scoped3A = tpu.sem_alloc : memref<!tpu.dma_semaphore, #tpu.memory_space<semaphore_mem>>
        %dma_start3A = arith.constant 0 : i32
        %dma_start3A_32 = tpu.memref_slice %arg4[%scan3A_31, %dma_start3A] : memref<125x80xi32, #tpu.memory_space<vmem>> -> memref<1x80xi32, #tpu.memory_space<vmem>>
        %dma_start3A_33 = tpu.memref_squeeze %dma_start3A_32 : memref<1x80xi32, #tpu.memory_space<vmem>> -> memref<80xi32, #tpu.memory_space<vmem>>
        %dma_start3A_34 = arith.constant 0 : i32
        %dma_start3A_35 = arith.constant 0 : i32
        %dma_start3A_36 = tpu.memref_slice %arg6[%dma_start3A_34, %dma_start3A_35] : memref<10000x128xf32, #tpu.memory_space<vmem_shared>> -> memref<10000x128xf32, #tpu.memory_space<vmem_shared>>
        tpu.enqueue_indirect_dma source(%arg5 : memref<80x128xf32, #tpu.memory_space<vmem>>) target(%dma_start3A_36 : memref<10000x128xf32, #tpu.memory_space<vmem_shared>>) offsets(%dma_start3A_33 : memref<80xi32, #tpu.memory_space<vmem>>) semaphore(%run_scoped3A : memref<!tpu.dma_semaphore, #tpu.memory_space<semaphore_mem>>) {add = true}
        %dma_wait3A = arith.constant 0 : i32
        %dma_wait3A_37 = tpu.memref_slice %arg4[%scan3A_31, %dma_wait3A] : memref<125x80xi32, #tpu.memory_space<vmem>> -> memref<1x80xi32, #tpu.memory_space<vmem>>
        %dma_wait3A_38 = tpu.memref_squeeze %dma_wait3A_37 : memref<1x80xi32, #tpu.memory_space<vmem>> -> memref<80xi32, #tpu.memory_space<vmem>>
        %dma_wait3A_39 = arith.constant 0 : i32
        %dma_wait3A_40 = arith.constant 0 : i32
        %dma_wait3A_41 = tpu.memref_slice %arg6[%dma_wait3A_39, %dma_wait3A_40] : memref<10000x128xf32, #tpu.memory_space<vmem_shared>> -> memref<10000x128xf32, #tpu.memory_space<vmem_shared>>
        tpu.wait_indirect_dma semaphore(%run_scoped3A : memref<!tpu.dma_semaphore, #tpu.memory_space<semaphore_mem>>) src(%arg5 : memref<80x128xf32, #tpu.memory_space<vmem>>) dst(%dma_wait3A_41 : memref<10000x128xf32, #tpu.memory_space<vmem_shared>>)
        tpu.yield
      }) : () -> ()
    }
    %scan3A_23 = arith.constant 125 : i32
    %barrier3A_24 = arith.constant 0 : index
    tpu.barrier barrier_id(%barrier3A_24)
    %scan3A_25 = arith.constant 0 : i32
    %scan3A_26 = arith.constant 0 : i32
    %scan3A_27 = arith.constant 8 : i32
    %scan3A_28 = arith.addi %scan3A_26, %scan3A_27 : i32
    %scan3A_29 = arith.constant 1 : i32
    scf.for %scan3A_31 = %scan3A_26 to %scan3A_28 step %scan3A_29  : i32 {
      %mul3A_32 = arith.constant 16 : i32
      %mul3A_33 = arith.muli %scan3A_31, %mul3A_32 : i32
      %add3A_34 = arith.addi %arg1, %mul3A_33 : i32
      %lt3A = arith.constant 125 : i32
      %lt3A_35 = arith.cmpi slt, %add3A_34, %lt3A : i32
      %convert_element_type3A = arith.extui %lt3A_35 : i1 to i32
      %cond3A = arith.constant 0 : i32
      %cond3A_36 = arith.cmpi ne, %convert_element_type3A, %cond3A : i32
      scf.if %cond3A_36 {
        %mul3A_37 = arith.constant 80 : i32
        %mul3A_38 = arith.muli %add3A_34, %mul3A_37 : i32
        %mul3A_39 = arith.constant 80 : i32
        %mul3A_40 = arith.muli %add3A_34, %mul3A_39 : i32
        "tpu.region"() ({
          %run_scoped3A = tpu.sem_alloc : memref<!tpu.dma_semaphore, #tpu.memory_space<semaphore_mem>>
          %dma_start3A = arith.constant 0 : i32
          %dma_start3A_41 = tpu.memref_slice %arg3[%arg0, %mul3A_40, %dma_start3A] : memref<2x10000x128xf32, #tpu.memory_space<hbm>> -> memref<1x80x128xf32, #tpu.memory_space<hbm>>
          %dma_start3A_42 = tpu.memref_squeeze %dma_start3A_41 : memref<1x80x128xf32, #tpu.memory_space<hbm>> -> memref<80x128xf32, #tpu.memory_space<hbm>>
          %dma_start3A_43 = arith.constant 0 : i32
          %dma_start3A_44 = tpu.memref_slice %arg6[%mul3A_38, %dma_start3A_43] : memref<10000x128xf32, #tpu.memory_space<vmem_shared>> -> memref<80x128xf32, #tpu.memory_space<vmem_shared>>
          tpu.enqueue_dma source(%dma_start3A_44 : memref<80x128xf32, #tpu.memory_space<vmem_shared>>) target(%dma_start3A_42 : memref<80x128xf32, #tpu.memory_space<hbm>>) target_semaphore(%run_scoped3A : memref<!tpu.dma_semaphore, #tpu.memory_space<semaphore_mem>>)
          %dma_wait3A = arith.constant 0 : i32
          %dma_wait3A_45 = tpu.memref_slice %arg3[%arg0, %mul3A_40, %dma_wait3A] : memref<2x10000x128xf32, #tpu.memory_space<hbm>> -> memref<1x80x128xf32, #tpu.memory_space<hbm>>
          %dma_wait3A_46 = tpu.memref_squeeze %dma_wait3A_45 : memref<1x80x128xf32, #tpu.memory_space<hbm>> -> memref<80x128xf32, #tpu.memory_space<hbm>>
          %dma_wait3A_47 = arith.constant 0 : i32
          %dma_wait3A_48 = tpu.memref_slice %arg6[%mul3A_38, %dma_wait3A_47] : memref<10000x128xf32, #tpu.memory_space<vmem_shared>> -> memref<80x128xf32, #tpu.memory_space<vmem_shared>>
          tpu.wait_dma2 semaphore(%run_scoped3A : memref<!tpu.dma_semaphore, #tpu.memory_space<semaphore_mem>>) src(%dma_wait3A_48 : memref<80x128xf32, #tpu.memory_space<vmem_shared>>) dst(%dma_wait3A_46 : memref<80x128xf32, #tpu.memory_space<hbm>>)
          tpu.yield
        }) : () -> ()
      } else {
      }
    }
    %scan3A_30 = arith.constant 8 : i32
    return
  }
}

module attributes {stable_mosaic.version = 14 : i64} {
  func.func @body(%arg0: i32, %arg1: memref<1000x128xf32, #tpu.memory_space<vmem>>, %arg2: memref<128x128xf32, #tpu.memory_space<vmem>>, %arg3: memref<128x128xf32, #tpu.memory_space<vmem>>, %arg4: memref<1000x128xf32, #tpu.memory_space<vmem>>, %arg5: memref<1000x128xf32, #tpu.memory_space<vmem>>) attributes {dimension_semantics = [#tpu.dimension_semantics<arbitrary>], iteration_bounds = array<i64: 10>, scalar_prefetch = 0 : i64, scratch_operands = 0 : i64, tpu.core_type = #tpu.core_type<tc>, window_params = [{transform_indices = @transform_0, window_bounds = array<i64: 1000, 128>}, {pipeline_mode = #tpu.pipeline_mode<synchronous>, transform_indices = @transform_1, window_bounds = array<i64: 128, 128>}, {pipeline_mode = #tpu.pipeline_mode<synchronous>, transform_indices = @transform_2, window_bounds = array<i64: 128, 128>}, {transform_indices = @transform_3, window_bounds = array<i64: 1000, 128>}, {transform_indices = @transform_4, window_bounds = array<i64: 1000, 128>}]} {
    %get3A = arith.constant 0 : index
    %get3A_0 = arith.constant 0 : index
    %get3A_1 = vector.load %arg1[%get3A, %get3A_0] : memref<1000x128xf32, #tpu.memory_space<vmem>>, vector<1000x128xf32>
    %get3A_2 = arith.constant 0 : index
    %get3A_3 = arith.constant 0 : index
    %get3A_4 = vector.load %arg2[%get3A_2, %get3A_3] : memref<128x128xf32, #tpu.memory_space<vmem>>, vector<128x128xf32>
    %dot_general3A = arith.constant dense<0.000000e+00> : vector<1000x128xf32>
    %dot_general3A_5 = tpu.matmul %get3A_1, %get3A_4, %dot_general3A {dimension_numbers = #tpu.dot_dimension_numbers<[1], [0], [0], [1], [0, 0, 1, 1], [], []>, transpose_lhs_hint = false} : vector<1000x128xf32>, vector<128x128xf32>, vector<1000x128xf32> -> vector<1000x128xf32>
    %swap3A = arith.constant 0 : index
    %swap3A_6 = arith.constant 0 : index
    %swap3A_7 = vector.load %arg4[%swap3A, %swap3A_6] : memref<1000x128xf32, #tpu.memory_space<vmem>>, vector<1000x128xf32>
    tpu.vector_store %arg4[%swap3A, %swap3A_6], %dot_general3A_5 {strides = array<i32>} : memref<1000x128xf32, #tpu.memory_space<vmem>>, vector<1000x128xf32>,
    %get3A_8 = arith.constant 0 : index
    %get3A_9 = arith.constant 0 : index
    %get3A_10 = vector.load %arg3[%get3A_8, %get3A_9] : memref<128x128xf32, #tpu.memory_space<vmem>>, vector<128x128xf32>
    %dot_general3A_11 = arith.constant dense<0.000000e+00> : vector<1000x128xf32>
    %dot_general3A_12 = tpu.matmul %get3A_1, %get3A_10, %dot_general3A_11 {dimension_numbers = #tpu.dot_dimension_numbers<[1], [0], [0], [1], [0, 0, 1, 1], [], []>, transpose_lhs_hint = false} : vector<1000x128xf32>, vector<128x128xf32>, vector<1000x128xf32> -> vector<1000x128xf32>
    %swap3A_13 = arith.constant 0 : index
    %swap3A_14 = arith.constant 0 : index
    %swap3A_15 = vector.load %arg5[%swap3A_13, %swap3A_14] : memref<1000x128xf32, #tpu.memory_space<vmem>>, vector<1000x128xf32>
    tpu.vector_store %arg5[%swap3A_13, %swap3A_14], %dot_general3A_12 {strides = array<i32>} : memref<1000x128xf32, #tpu.memory_space<vmem>>, vector<1000x128xf32>,
    return
  }
  func.func @transform_0(%arg0: i32) -> (i32, i32) {
    %c0_i32 = arith.constant 0 : i32
    %c0_i32_0 = arith.constant 0 : i32
    return %arg0, %c0_i32 : i32, i32
  }
  func.func @transform_1(%arg0: i32) -> (i32, i32) {
    %c0_i32 = arith.constant 0 : i32
    %c0_i32_0 = arith.constant 0 : i32
    %c0_i32_1 = arith.constant 0 : i32
    return %c0_i32, %c0_i32_0 : i32, i32
  }
  func.func @transform_2(%arg0: i32) -> (i32, i32) {
    %c0_i32 = arith.constant 0 : i32
    %c0_i32_0 = arith.constant 0 : i32
    %c0_i32_1 = arith.constant 0 : i32
    return %c0_i32, %c0_i32_0 : i32, i32
  }
  func.func @transform_3(%arg0: i32) -> (i32, i32) {
    %c0_i32 = arith.constant 0 : i32
    %c0_i32_0 = arith.constant 0 : i32
    return %arg0, %c0_i32 : i32, i32
  }
  func.func @transform_4(%arg0: i32) -> (i32, i32) {
    %c0_i32 = arith.constant 0 : i32
    %c0_i32_0 = arith.constant 0 : i32
    return %arg0, %c0_i32 : i32, i32
  }
}

module attributes {stable_mosaic.version = 14 : i64} {
  func.func @body(%arg0: i32, %arg1: memref<2000x128xf32, #tpu.memory_space<vmem>>, %arg2: memref<2000x2xf32, #tpu.memory_space<vmem>>, %arg3: memref<2x128xf32, #tpu.memory_space<vmem>>, %arg4: memref<1x128xf32, #tpu.memory_space<vmem>>, %arg5: memref<128x128xf32, #tpu.memory_space<vmem>>, %arg6: memref<1x128xf32, #tpu.memory_space<vmem>>, %arg7: memref<1x128xf32, #tpu.memory_space<vmem>>, %arg8: memref<1x128xf32, #tpu.memory_space<vmem>>, %arg9: memref<2000x128xf32, #tpu.memory_space<vmem>>) attributes {dimension_semantics = [#tpu.dimension_semantics<arbitrary>], iteration_bounds = array<i64: 160>, scalar_prefetch = 0 : i64, scratch_operands = 0 : i64, tpu.core_type = #tpu.core_type<tc>, window_params = [{transform_indices = @transform_0, window_bounds = array<i64: 2000, 128>}, {transform_indices = @transform_1, window_bounds = array<i64: 2000, 2>}, {pipeline_mode = #tpu.pipeline_mode<synchronous>, transform_indices = @transform_2, window_bounds = array<i64: 2, 128>}, {pipeline_mode = #tpu.pipeline_mode<synchronous>, transform_indices = @transform_3, window_bounds = array<i64: 1, 128>}, {pipeline_mode = #tpu.pipeline_mode<synchronous>, transform_indices = @transform_4, window_bounds = array<i64: 128, 128>}, {pipeline_mode = #tpu.pipeline_mode<synchronous>, transform_indices = @transform_5, window_bounds = array<i64: 1, 128>}, {pipeline_mode = #tpu.pipeline_mode<synchronous>, transform_indices = @transform_6, window_bounds = array<i64: 1, 128>}, {pipeline_mode = #tpu.pipeline_mode<synchronous>, transform_indices = @transform_7, window_bounds = array<i64: 1, 128>}, {transform_indices = @transform_8, window_bounds = array<i64: 2000, 128>}]} {
    %get3A = arith.constant 0 : index
    %get3A_0 = arith.constant 0 : index
    %get3A_1 = vector.load %arg2[%get3A, %get3A_0] : memref<2000x2xf32, #tpu.memory_space<vmem>>, vector<2000x2xf32>
    %get3A_2 = arith.constant 0 : index
    %get3A_3 = arith.constant 0 : index
    %get3A_4 = vector.load %arg1[%get3A_2, %get3A_3] : memref<2000x128xf32, #tpu.memory_space<vmem>>, vector<2000x128xf32>
    %get3A_5 = arith.constant 0 : index
    %get3A_6 = arith.constant 0 : index
    %get3A_7 = vector.load %arg4[%get3A_5, %get3A_6] : memref<1x128xf32, #tpu.memory_space<vmem>>, vector<1x128xf32>
    %add3A = vector.broadcast %get3A_7 : vector<1x128xf32> to vector<2000x128xf32>
    %add3A_8 = arith.addf %get3A_4, %add3A : vector<2000x128xf32>
    %slice3A = vector.extract_strided_slice %get3A_1 {offsets = [0, 0], sizes = [2000, 1], strides = [1, 1]} : vector<2000x2xf32> to vector<2000x1xf32>
    %get3A_9 = arith.constant 0 : index
    %get3A_10 = arith.constant 0 : index
    %get3A_11 = vector.load %arg3[%get3A_9, %get3A_10] : memref<2x128xf32, #tpu.memory_space<vmem>>, vector<1x128xf32>
    %mul3A = vector.broadcast %slice3A : vector<2000x1xf32> to vector<2000x128xf32>
    %mul3A_12 = vector.broadcast %get3A_11 : vector<1x128xf32> to vector<2000x128xf32>
    %mul3A_13 = arith.mulf %mul3A, %mul3A_12 : vector<2000x128xf32>
    %add3A_14 = arith.addf %add3A_8, %mul3A_13 : vector<2000x128xf32>
    %slice3A_15 = vector.extract_strided_slice %get3A_1 {offsets = [0, 1], sizes = [2000, 1], strides = [1, 1]} : vector<2000x2xf32> to vector<2000x1xf32>
    %get3A_16 = arith.constant 1 : index
    %get3A_17 = arith.constant 0 : index
    %get3A_18 = vector.load %arg3[%get3A_16, %get3A_17] : memref<2x128xf32, #tpu.memory_space<vmem>>, vector<1x128xf32>
    %mul3A_19 = vector.broadcast %slice3A_15 : vector<2000x1xf32> to vector<2000x128xf32>
    %mul3A_20 = vector.broadcast %get3A_18 : vector<1x128xf32> to vector<2000x128xf32>
    %mul3A_21 = arith.mulf %mul3A_19, %mul3A_20 : vector<2000x128xf32>
    %add3A_22 = arith.addf %add3A_14, %mul3A_21 : vector<2000x128xf32>
    %logistic3A = arith.negf %add3A_22 : vector<2000x128xf32>
    %logistic3A_23 = math.exp %logistic3A : vector<2000x128xf32>
    %logistic3A_24 = arith.constant 1.000000e+00 : f32
    %logistic3A_25 = vector.broadcast %logistic3A_24 : f32 to vector<2000x128xf32>
    %logistic3A_26 = arith.addf %logistic3A_25, %logistic3A_23 : vector<2000x128xf32>
    %logistic3A_27 = arith.divf %logistic3A_25, %logistic3A_26 : vector<2000x128xf32>
    %mul3A_28 = arith.mulf %add3A_22, %logistic3A_27 : vector<2000x128xf32>
    %convert_element_type3A = arith.truncf %mul3A_28 : vector<2000x128xf32> to vector<2000x128xbf16>
    %get3A_29 = arith.constant 0 : index
    %get3A_30 = arith.constant 0 : index
    %get3A_31 = vector.load %arg5[%get3A_29, %get3A_30] : memref<128x128xf32, #tpu.memory_space<vmem>>, vector<128x128xf32>
    %convert_element_type3A_32 = arith.truncf %get3A_31 : vector<128x128xf32> to vector<128x128xbf16>
    %dot_general3A = arith.constant dense<0.000000e+00> : vector<2000x128xf32>
    %dot_general3A_33 = tpu.matmul %convert_element_type3A, %convert_element_type3A_32, %dot_general3A {dimension_numbers = #tpu.dot_dimension_numbers<[1], [0], [0], [1], [0, 0, 1, 1], [], []>, transpose_lhs_hint = false} : vector<2000x128xbf16>, vector<128x128xbf16>, vector<2000x128xf32> -> vector<2000x128xf32>
    %get3A_34 = arith.constant 0 : index
    %get3A_35 = arith.constant 0 : index
    %get3A_36 = vector.load %arg6[%get3A_34, %get3A_35] : memref<1x128xf32, #tpu.memory_space<vmem>>, vector<1x128xf32>
    %add3A_37 = vector.broadcast %get3A_36 : vector<1x128xf32> to vector<2000x128xf32>
    %add3A_38 = arith.addf %dot_general3A_33, %add3A_37 : vector<2000x128xf32>
    %logistic3A_39 = arith.negf %add3A_38 : vector<2000x128xf32>
    %logistic3A_40 = math.exp %logistic3A_39 : vector<2000x128xf32>
    %logistic3A_41 = arith.constant 1.000000e+00 : f32
    %logistic3A_42 = vector.broadcast %logistic3A_41 : f32 to vector<2000x128xf32>
    %logistic3A_43 = arith.addf %logistic3A_42, %logistic3A_40 : vector<2000x128xf32>
    %logistic3A_44 = arith.divf %logistic3A_42, %logistic3A_43 : vector<2000x128xf32>
    %mul3A_45 = arith.mulf %add3A_38, %logistic3A_44 : vector<2000x128xf32>
    %get3A_46 = arith.constant 0 : index
    %get3A_47 = arith.constant 0 : index
    %get3A_48 = vector.load %arg7[%get3A_46, %get3A_47] : memref<1x128xf32, #tpu.memory_space<vmem>>, vector<1x128xf32>
    %get3A_49 = arith.constant 0 : index
    %get3A_50 = arith.constant 0 : index
    %get3A_51 = vector.load %arg8[%get3A_49, %get3A_50] : memref<1x128xf32, #tpu.memory_space<vmem>>, vector<1x128xf32>
    %reduce_sum3A = arith.constant dense<0.000000e+00> : vector<2000xf32>
    %reduce_sum3A_52 = vector.multi_reduction <add>, %mul3A_45, %reduce_sum3A [1] : vector<2000x128xf32> to vector<2000xf32>
    %broadcast_in_dim3A = vector.shape_cast %reduce_sum3A_52 : vector<2000xf32> to vector<2000x1xf32>
    %div3A = arith.constant 1.280000e+02 : f32
    %div3A_53 = vector.broadcast %div3A : f32 to vector<2000x1xf32>
    %div3A_54 = arith.divf %broadcast_in_dim3A, %div3A_53 : vector<2000x1xf32>
    %jit3A = arith.constant 0 : i32
    %reduce_sum3A_55 = arith.constant dense<0.000000e+00> : vector<2000xf32>
    %reduce_sum3A_56 = vector.multi_reduction <add>, %mul3A_45, %reduce_sum3A_55 [1] : vector<2000x128xf32> to vector<2000xf32>
    %broadcast_in_dim3A_57 = vector.shape_cast %reduce_sum3A_56 : vector<2000xf32> to vector<2000x1xf32>
    %div3A_58 = arith.constant 1.280000e+02 : f32
    %div3A_59 = vector.broadcast %div3A_58 : f32 to vector<2000x1xf32>
    %div3A_60 = arith.divf %broadcast_in_dim3A_57, %div3A_59 : vector<2000x1xf32>
    %sub3A = vector.broadcast %div3A_60 : vector<2000x1xf32> to vector<2000x128xf32>
    %sub3A_61 = arith.subf %mul3A_45, %sub3A : vector<2000x128xf32>
    %square3A = arith.mulf %sub3A_61, %sub3A_61 : vector<2000x128xf32>
    %convert_element_type3A_62 = arith.sitofp %jit3A : i32 to f32
    %sub3A_63 = arith.constant 1.280000e+02 : f32
    %sub3A_64 = arith.subf %sub3A_63, %convert_element_type3A_62 : f32
    %reduce_sum3A_65 = arith.constant dense<0.000000e+00> : vector<2000xf32>
    %reduce_sum3A_66 = vector.multi_reduction <add>, %square3A, %reduce_sum3A_65 [1] : vector<2000x128xf32> to vector<2000xf32>
    %broadcast_in_dim3A_67 = vector.shape_cast %reduce_sum3A_66 : vector<2000xf32> to vector<2000x1xf32>
    %div3A_68 = vector.broadcast %sub3A_64 : f32 to vector<2000x1xf32>
    %div3A_69 = arith.divf %broadcast_in_dim3A_67, %div3A_68 : vector<2000x1xf32>
    %gt3A = arith.constant 0.000000e+00 : f32
    %gt3A_70 = arith.cmpf ogt, %sub3A_64, %gt3A : f32
    %jit3A_71 = arith.constant 0x7FC00000 : f32
    %broadcast_in_dim3A_72 = vector.broadcast %jit3A_71 : f32 to vector<2000x1xf32>
    %select_n3A = arith.select %gt3A_70, %div3A_69, %broadcast_in_dim3A_72 : vector<2000x1xf32>
    %sub3A_73 = vector.broadcast %div3A_54 : vector<2000x1xf32> to vector<2000x128xf32>
    %sub3A_74 = arith.subf %mul3A_45, %sub3A_73 : vector<2000x128xf32>
    %add3A_75 = arith.constant 9.99999974E-6 : f32
    %add3A_76 = vector.broadcast %add3A_75 : f32 to vector<2000x1xf32>
    %add3A_77 = arith.addf %select_n3A, %add3A_76 : vector<2000x1xf32>
    %sqrt3A = math.sqrt %add3A_77 : vector<2000x1xf32>
    %div3A_78 = vector.broadcast %sqrt3A : vector<2000x1xf32> to vector<2000x128xf32>
    %div3A_79 = arith.divf %sub3A_74, %div3A_78 : vector<2000x128xf32>
    %mul3A_80 = vector.broadcast %get3A_48 : vector<1x128xf32> to vector<2000x128xf32>
    %mul3A_81 = arith.mulf %div3A_79, %mul3A_80 : vector<2000x128xf32>
    %add3A_82 = vector.broadcast %get3A_51 : vector<1x128xf32> to vector<2000x128xf32>
    %add3A_83 = arith.addf %mul3A_81, %add3A_82 : vector<2000x128xf32>
    %swap3A = arith.constant 0 : index
    %swap3A_84 = arith.constant 0 : index
    %swap3A_85 = vector.load %arg9[%swap3A, %swap3A_84] : memref<2000x128xf32, #tpu.memory_space<vmem>>, vector<2000x128xf32>
    tpu.vector_store %arg9[%swap3A, %swap3A_84], %add3A_83 {strides = array<i32>} : memref<2000x128xf32, #tpu.memory_space<vmem>>, vector<2000x128xf32>,
    return
  }
  func.func @transform_0(%arg0: i32) -> (i32, i32) {
    %c0_i32 = arith.constant 0 : i32
    %c0_i32_0 = arith.constant 0 : i32
    return %arg0, %c0_i32 : i32, i32
  }
  func.func @transform_1(%arg0: i32) -> (i32, i32) {
    %c0_i32 = arith.constant 0 : i32
    %c0_i32_0 = arith.constant 0 : i32
    return %arg0, %c0_i32 : i32, i32
  }
  func.func @transform_2(%arg0: i32) -> (i32, i32) {
    %c0_i32 = arith.constant 0 : i32
    %c0_i32_0 = arith.constant 0 : i32
    %c0_i32_1 = arith.constant 0 : i32
    return %c0_i32, %c0_i32_0 : i32, i32
  }
  func.func @transform_3(%arg0: i32) -> (i32, i32) {
    %c0_i32 = arith.constant 0 : i32
    %c0_i32_0 = arith.constant 0 : i32
    %c0_i32_1 = arith.constant 0 : i32
    return %c0_i32, %c0_i32_0 : i32, i32
  }
  func.func @transform_4(%arg0: i32) -> (i32, i32) {
    %c0_i32 = arith.constant 0 : i32
    %c0_i32_0 = arith.constant 0 : i32
    %c0_i32_1 = arith.constant 0 : i32
    return %c0_i32, %c0_i32_0 : i32, i32
  }
  func.func @transform_5(%arg0: i32) -> (i32, i32) {
    %c0_i32 = arith.constant 0 : i32
    %c0_i32_0 = arith.constant 0 : i32
    %c0_i32_1 = arith.constant 0 : i32
    return %c0_i32, %c0_i32_0 : i32, i32
  }
  func.func @transform_6(%arg0: i32) -> (i32, i32) {
    %c0_i32 = arith.constant 0 : i32
    %c0_i32_0 = arith.constant 0 : i32
    %c0_i32_1 = arith.constant 0 : i32
    return %c0_i32, %c0_i32_0 : i32, i32
  }
  func.func @transform_7(%arg0: i32) -> (i32, i32) {
    %c0_i32 = arith.constant 0 : i32
    %c0_i32_0 = arith.constant 0 : i32
    %c0_i32_1 = arith.constant 0 : i32
    return %c0_i32, %c0_i32_0 : i32, i32
  }
  func.func @transform_8(%arg0: i32) -> (i32, i32) {
    %c0_i32 = arith.constant 0 : i32
    %c0_i32_0 = arith.constant 0 : i32
    return %arg0, %c0_i32 : i32, i32
  }
}

module attributes {stable_mosaic.version = 14 : i64} {
  func.func @body(%arg0: i32, %arg1: memref<2x1000x128xf32, #tpu.memory_space<vmem>>, %arg2: memref<2x1000x128xf32, #tpu.memory_space<vmem>>, %arg3: memref<1000x128xf32, #tpu.memory_space<vmem>>, %arg4: memref<1000x4xf32, #tpu.memory_space<vmem>>, %arg5: memref<128x128xf32, #tpu.memory_space<vmem>>, %arg6: memref<128x128xf32, #tpu.memory_space<vmem>>, %arg7: memref<4x128xf32, #tpu.memory_space<vmem>>, %arg8: memref<1x128xf32, #tpu.memory_space<vmem>>, %arg9: memref<128x128xf32, #tpu.memory_space<vmem>>, %arg10: memref<1x128xf32, #tpu.memory_space<vmem>>, %arg11: memref<1x128xf32, #tpu.memory_space<vmem>>, %arg12: memref<1x128xf32, #tpu.memory_space<vmem>>, %arg13: memref<1000x128xf32, #tpu.memory_space<vmem>>) attributes {dimension_semantics = [#tpu.dimension_semantics<arbitrary>], iteration_bounds = array<i64: 10>, scalar_prefetch = 0 : i64, scratch_operands = 0 : i64, tpu.core_type = #tpu.core_type<tc>, window_params = [{transform_indices = @transform_0, window_bounds = array<i64: 2, 1000, 128>}, {transform_indices = @transform_1, window_bounds = array<i64: 2, 1000, 128>}, {transform_indices = @transform_2, window_bounds = array<i64: 1000, 128>}, {transform_indices = @transform_3, window_bounds = array<i64: 1000, 4>}, {pipeline_mode = #tpu.pipeline_mode<synchronous>, transform_indices = @transform_4, window_bounds = array<i64: 128, 128>}, {pipeline_mode = #tpu.pipeline_mode<synchronous>, transform_indices = @transform_5, window_bounds = array<i64: 128, 128>}, {pipeline_mode = #tpu.pipeline_mode<synchronous>, transform_indices = @transform_6, window_bounds = array<i64: 4, 128>}, {pipeline_mode = #tpu.pipeline_mode<synchronous>, transform_indices = @transform_7, window_bounds = array<i64: 1, 128>}, {pipeline_mode = #tpu.pipeline_mode<synchronous>, transform_indices = @transform_8, window_bounds = array<i64: 128, 128>}, {pipeline_mode = #tpu.pipeline_mode<synchronous>, transform_indices = @transform_9, window_bounds = array<i64: 1, 128>}, {pipeline_mode = #tpu.pipeline_mode<synchronous>, transform_indices = @transform_10, window_bounds = array<i64: 1, 128>}, {pipeline_mode = #tpu.pipeline_mode<synchronous>, transform_indices = @transform_11, window_bounds = array<i64: 1, 128>}, {transform_indices = @transform_12, window_bounds = array<i64: 1000, 128>}]} {
    %get3A = arith.constant 0 : index
    %get3A_0 = arith.constant 0 : index
    %get3A_1 = arith.constant 0 : index
    %get3A_2 = vector.load %arg1[%get3A, %get3A_0, %get3A_1] : memref<2x1000x128xf32, #tpu.memory_space<vmem>>, vector<1x1000x128xf32>
    %get3A_3 = vector.shape_cast %get3A_2 : vector<1x1000x128xf32> to vector<1000x128xf32>
    %get3A_4 = arith.constant 1 : index
    %get3A_5 = arith.constant 0 : index
    %get3A_6 = arith.constant 0 : index
    %get3A_7 = vector.load %arg1[%get3A_4, %get3A_5, %get3A_6] : memref<2x1000x128xf32, #tpu.memory_space<vmem>>, vector<1x1000x128xf32>
    %get3A_8 = vector.shape_cast %get3A_7 : vector<1x1000x128xf32> to vector<1000x128xf32>
    %add3A = arith.addf %get3A_3, %get3A_8 : vector<1000x128xf32>
    %get3A_9 = arith.constant 0 : index
    %get3A_10 = arith.constant 0 : index
    %get3A_11 = arith.constant 0 : index
    %get3A_12 = vector.load %arg2[%get3A_9, %get3A_10, %get3A_11] : memref<2x1000x128xf32, #tpu.memory_space<vmem>>, vector<1x1000x1xf32>
    %get3A_13 = vector.shape_cast %get3A_12 : vector<1x1000x1xf32> to vector<1000x1xf32>
    %get3A_14 = arith.constant 1 : index
    %get3A_15 = arith.constant 0 : index
    %get3A_16 = arith.constant 0 : index
    %get3A_17 = vector.load %arg2[%get3A_14, %get3A_15, %get3A_16] : memref<2x1000x128xf32, #tpu.memory_space<vmem>>, vector<1x1000x1xf32>
    %get3A_18 = vector.shape_cast %get3A_17 : vector<1x1000x1xf32> to vector<1000x1xf32>
    %add3A_19 = arith.addf %get3A_13, %get3A_18 : vector<1000x1xf32>
    %max3A = arith.constant 1.000000e+00 : f32
    %max3A_20 = vector.broadcast %max3A : f32 to vector<1000x1xf32>
    %max3A_21 = arith.maximumf %add3A_19, %max3A_20 : vector<1000x1xf32>
    %div3A = vector.broadcast %max3A_21 : vector<1000x1xf32> to vector<1000x128xf32>
    %div3A_22 = arith.divf %add3A, %div3A : vector<1000x128xf32>
    %get3A_23 = arith.constant 0 : index
    %get3A_24 = arith.constant 0 : index
    %get3A_25 = vector.load %arg5[%get3A_23, %get3A_24] : memref<128x128xf32, #tpu.memory_space<vmem>>, vector<128x128xf32>
    %dot_general3A = arith.constant dense<0.000000e+00> : vector<1000x128xf32>
    %dot_general3A_26 = tpu.matmul %div3A_22, %get3A_25, %dot_general3A {dimension_numbers = #tpu.dot_dimension_numbers<[1], [0], [0], [1], [0, 0, 1, 1], [], []>, transpose_lhs_hint = false} : vector<1000x128xf32>, vector<128x128xf32>, vector<1000x128xf32> -> vector<1000x128xf32>
    %get3A_27 = arith.constant 0 : index
    %get3A_28 = arith.constant 0 : index
    %get3A_29 = vector.load %arg3[%get3A_27, %get3A_28] : memref<1000x128xf32, #tpu.memory_space<vmem>>, vector<1000x128xf32>
    %get3A_30 = arith.constant 0 : index
    %get3A_31 = arith.constant 0 : index
    %get3A_32 = vector.load %arg6[%get3A_30, %get3A_31] : memref<128x128xf32, #tpu.memory_space<vmem>>, vector<128x128xf32>
    %dot_general3A_33 = arith.constant dense<0.000000e+00> : vector<1000x128xf32>
    %dot_general3A_34 = tpu.matmul %get3A_29, %get3A_32, %dot_general3A_33 {dimension_numbers = #tpu.dot_dimension_numbers<[1], [0], [0], [1], [0, 0, 1, 1], [], []>, transpose_lhs_hint = false} : vector<1000x128xf32>, vector<128x128xf32>, vector<1000x128xf32> -> vector<1000x128xf32>
    %add3A_35 = arith.addf %dot_general3A_26, %dot_general3A_34 : vector<1000x128xf32>
    %get3A_36 = arith.constant 0 : index
    %get3A_37 = arith.constant 0 : index
    %get3A_38 = vector.load %arg4[%get3A_36, %get3A_37] : memref<1000x4xf32, #tpu.memory_space<vmem>>, vector<1000x4xf32>
    %slice3A = vector.extract_strided_slice %get3A_38 {offsets = [0, 0], sizes = [1000, 1], strides = [1, 1]} : vector<1000x4xf32> to vector<1000x1xf32>
    %get3A_39 = arith.constant 0 : index
    %get3A_40 = arith.constant 0 : index
    %get3A_41 = vector.load %arg7[%get3A_39, %get3A_40] : memref<4x128xf32, #tpu.memory_space<vmem>>, vector<1x128xf32>
    %mul3A = vector.broadcast %slice3A : vector<1000x1xf32> to vector<1000x128xf32>
    %mul3A_42 = vector.broadcast %get3A_41 : vector<1x128xf32> to vector<1000x128xf32>
    %mul3A_43 = arith.mulf %mul3A, %mul3A_42 : vector<1000x128xf32>
    %add3A_44 = arith.addf %add3A_35, %mul3A_43 : vector<1000x128xf32>
    %slice3A_45 = vector.extract_strided_slice %get3A_38 {offsets = [0, 1], sizes = [1000, 1], strides = [1, 1]} : vector<1000x4xf32> to vector<1000x1xf32>
    %get3A_46 = arith.constant 1 : index
    %get3A_47 = arith.constant 0 : index
    %get3A_48 = vector.load %arg7[%get3A_46, %get3A_47] : memref<4x128xf32, #tpu.memory_space<vmem>>, vector<1x128xf32>
    %mul3A_49 = vector.broadcast %slice3A_45 : vector<1000x1xf32> to vector<1000x128xf32>
    %mul3A_50 = vector.broadcast %get3A_48 : vector<1x128xf32> to vector<1000x128xf32>
    %mul3A_51 = arith.mulf %mul3A_49, %mul3A_50 : vector<1000x128xf32>
    %add3A_52 = arith.addf %add3A_44, %mul3A_51 : vector<1000x128xf32>
    %slice3A_53 = vector.extract_strided_slice %get3A_38 {offsets = [0, 2], sizes = [1000, 1], strides = [1, 1]} : vector<1000x4xf32> to vector<1000x1xf32>
    %get3A_54 = arith.constant 2 : index
    %get3A_55 = arith.constant 0 : index
    %get3A_56 = vector.load %arg7[%get3A_54, %get3A_55] : memref<4x128xf32, #tpu.memory_space<vmem>>, vector<1x128xf32>
    %mul3A_57 = vector.broadcast %slice3A_53 : vector<1000x1xf32> to vector<1000x128xf32>
    %mul3A_58 = vector.broadcast %get3A_56 : vector<1x128xf32> to vector<1000x128xf32>
    %mul3A_59 = arith.mulf %mul3A_57, %mul3A_58 : vector<1000x128xf32>
    %add3A_60 = arith.addf %add3A_52, %mul3A_59 : vector<1000x128xf32>
    %slice3A_61 = vector.extract_strided_slice %get3A_38 {offsets = [0, 3], sizes = [1000, 1], strides = [1, 1]} : vector<1000x4xf32> to vector<1000x1xf32>
    %get3A_62 = arith.constant 3 : index
    %get3A_63 = arith.constant 0 : index
    %get3A_64 = vector.load %arg7[%get3A_62, %get3A_63] : memref<4x128xf32, #tpu.memory_space<vmem>>, vector<1x128xf32>
    %mul3A_65 = vector.broadcast %slice3A_61 : vector<1000x1xf32> to vector<1000x128xf32>
    %mul3A_66 = vector.broadcast %get3A_64 : vector<1x128xf32> to vector<1000x128xf32>
    %mul3A_67 = arith.mulf %mul3A_65, %mul3A_66 : vector<1000x128xf32>
    %add3A_68 = arith.addf %add3A_60, %mul3A_67 : vector<1000x128xf32>
    %get3A_69 = arith.constant 0 : index
    %get3A_70 = arith.constant 0 : index
    %get3A_71 = vector.load %arg8[%get3A_69, %get3A_70] : memref<1x128xf32, #tpu.memory_space<vmem>>, vector<1x128xf32>
    %add3A_72 = vector.broadcast %get3A_71 : vector<1x128xf32> to vector<1000x128xf32>
    %add3A_73 = arith.addf %add3A_68, %add3A_72 : vector<1000x128xf32>
    %logistic3A = arith.negf %add3A_73 : vector<1000x128xf32>
    %logistic3A_74 = math.exp %logistic3A : vector<1000x128xf32>
    %logistic3A_75 = arith.constant 1.000000e+00 : f32
    %logistic3A_76 = vector.broadcast %logistic3A_75 : f32 to vector<1000x128xf32>
    %logistic3A_77 = arith.addf %logistic3A_76, %logistic3A_74 : vector<1000x128xf32>
    %logistic3A_78 = arith.divf %logistic3A_76, %logistic3A_77 : vector<1000x128xf32>
    %mul3A_79 = arith.mulf %add3A_73, %logistic3A_78 : vector<1000x128xf32>
    %get3A_80 = arith.constant 0 : index
    %get3A_81 = arith.constant 0 : index
    %get3A_82 = vector.load %arg9[%get3A_80, %get3A_81] : memref<128x128xf32, #tpu.memory_space<vmem>>, vector<128x128xf32>
    %dot_general3A_83 = arith.constant dense<0.000000e+00> : vector<1000x128xf32>
    %dot_general3A_84 = tpu.matmul %mul3A_79, %get3A_82, %dot_general3A_83 {dimension_numbers = #tpu.dot_dimension_numbers<[1], [0], [0], [1], [0, 0, 1, 1], [], []>, transpose_lhs_hint = false} : vector<1000x128xf32>, vector<128x128xf32>, vector<1000x128xf32> -> vector<1000x128xf32>
    %get3A_85 = arith.constant 0 : index
    %get3A_86 = arith.constant 0 : index
    %get3A_87 = vector.load %arg10[%get3A_85, %get3A_86] : memref<1x128xf32, #tpu.memory_space<vmem>>, vector<1x128xf32>
    %add3A_88 = vector.broadcast %get3A_87 : vector<1x128xf32> to vector<1000x128xf32>
    %add3A_89 = arith.addf %dot_general3A_84, %add3A_88 : vector<1000x128xf32>
    %logistic3A_90 = arith.negf %add3A_89 : vector<1000x128xf32>
    %logistic3A_91 = math.exp %logistic3A_90 : vector<1000x128xf32>
    %logistic3A_92 = arith.constant 1.000000e+00 : f32
    %logistic3A_93 = vector.broadcast %logistic3A_92 : f32 to vector<1000x128xf32>
    %logistic3A_94 = arith.addf %logistic3A_93, %logistic3A_91 : vector<1000x128xf32>
    %logistic3A_95 = arith.divf %logistic3A_93, %logistic3A_94 : vector<1000x128xf32>
    %mul3A_96 = arith.mulf %add3A_89, %logistic3A_95 : vector<1000x128xf32>
    %get3A_97 = arith.constant 0 : index
    %get3A_98 = arith.constant 0 : index
    %get3A_99 = vector.load %arg11[%get3A_97, %get3A_98] : memref<1x128xf32, #tpu.memory_space<vmem>>, vector<1x128xf32>
    %get3A_100 = arith.constant 0 : index
    %get3A_101 = arith.constant 0 : index
    %get3A_102 = vector.load %arg12[%get3A_100, %get3A_101] : memref<1x128xf32, #tpu.memory_space<vmem>>, vector<1x128xf32>
    %reduce_sum3A = arith.constant dense<0.000000e+00> : vector<1000xf32>
    %reduce_sum3A_103 = vector.multi_reduction <add>, %mul3A_96, %reduce_sum3A [1] : vector<1000x128xf32> to vector<1000xf32>
    %broadcast_in_dim3A = vector.shape_cast %reduce_sum3A_103 : vector<1000xf32> to vector<1000x1xf32>
    %div3A_104 = arith.constant 1.280000e+02 : f32
    %div3A_105 = vector.broadcast %div3A_104 : f32 to vector<1000x1xf32>
    %div3A_106 = arith.divf %broadcast_in_dim3A, %div3A_105 : vector<1000x1xf32>
    %jit3A = arith.constant 0 : i32
    %reduce_sum3A_107 = arith.constant dense<0.000000e+00> : vector<1000xf32>
    %reduce_sum3A_108 = vector.multi_reduction <add>, %mul3A_96, %reduce_sum3A_107 [1] : vector<1000x128xf32> to vector<1000xf32>
    %broadcast_in_dim3A_109 = vector.shape_cast %reduce_sum3A_108 : vector<1000xf32> to vector<1000x1xf32>
    %div3A_110 = arith.constant 1.280000e+02 : f32
    %div3A_111 = vector.broadcast %div3A_110 : f32 to vector<1000x1xf32>
    %div3A_112 = arith.divf %broadcast_in_dim3A_109, %div3A_111 : vector<1000x1xf32>
    %sub3A = vector.broadcast %div3A_112 : vector<1000x1xf32> to vector<1000x128xf32>
    %sub3A_113 = arith.subf %mul3A_96, %sub3A : vector<1000x128xf32>
    %square3A = arith.mulf %sub3A_113, %sub3A_113 : vector<1000x128xf32>
    %convert_element_type3A = arith.sitofp %jit3A : i32 to f32
    %sub3A_114 = arith.constant 1.280000e+02 : f32
    %sub3A_115 = arith.subf %sub3A_114, %convert_element_type3A : f32
    %reduce_sum3A_116 = arith.constant dense<0.000000e+00> : vector<1000xf32>
    %reduce_sum3A_117 = vector.multi_reduction <add>, %square3A, %reduce_sum3A_116 [1] : vector<1000x128xf32> to vector<1000xf32>
    %broadcast_in_dim3A_118 = vector.shape_cast %reduce_sum3A_117 : vector<1000xf32> to vector<1000x1xf32>
    %div3A_119 = vector.broadcast %sub3A_115 : f32 to vector<1000x1xf32>
    %div3A_120 = arith.divf %broadcast_in_dim3A_118, %div3A_119 : vector<1000x1xf32>
    %gt3A = arith.constant 0.000000e+00 : f32
    %gt3A_121 = arith.cmpf ogt, %sub3A_115, %gt3A : f32
    %jit3A_122 = arith.constant 0x7FC00000 : f32
    %broadcast_in_dim3A_123 = vector.broadcast %jit3A_122 : f32 to vector<1000x1xf32>
    %select_n3A = arith.select %gt3A_121, %div3A_120, %broadcast_in_dim3A_123 : vector<1000x1xf32>
    %sub3A_124 = vector.broadcast %div3A_106 : vector<1000x1xf32> to vector<1000x128xf32>
    %sub3A_125 = arith.subf %mul3A_96, %sub3A_124 : vector<1000x128xf32>
    %add3A_126 = arith.constant 9.99999974E-6 : f32
    %add3A_127 = vector.broadcast %add3A_126 : f32 to vector<1000x1xf32>
    %add3A_128 = arith.addf %select_n3A, %add3A_127 : vector<1000x1xf32>
    %sqrt3A = math.sqrt %add3A_128 : vector<1000x1xf32>
    %div3A_129 = vector.broadcast %sqrt3A : vector<1000x1xf32> to vector<1000x128xf32>
    %div3A_130 = arith.divf %sub3A_125, %div3A_129 : vector<1000x128xf32>
    %mul3A_131 = vector.broadcast %get3A_99 : vector<1x128xf32> to vector<1000x128xf32>
    %mul3A_132 = arith.mulf %div3A_130, %mul3A_131 : vector<1000x128xf32>
    %add3A_133 = vector.broadcast %get3A_102 : vector<1x128xf32> to vector<1000x128xf32>
    %add3A_134 = arith.addf %mul3A_132, %add3A_133 : vector<1000x128xf32>
    %swap3A = arith.constant 0 : index
    %swap3A_135 = arith.constant 0 : index
    %swap3A_136 = vector.load %arg13[%swap3A, %swap3A_135] : memref<1000x128xf32, #tpu.memory_space<vmem>>, vector<1000x128xf32>
    tpu.vector_store %arg13[%swap3A, %swap3A_135], %add3A_134 {strides = array<i32>} : memref<1000x128xf32, #tpu.memory_space<vmem>>, vector<1000x128xf32>,
    return
  }
  func.func @transform_0(%arg0: i32) -> (i32, i32, i32) {
    %c0_i32 = arith.constant 0 : i32
    %c0_i32_0 = arith.constant 0 : i32
    %c0_i32_1 = arith.constant 0 : i32
    return %c0_i32, %arg0, %c0_i32_0 : i32, i32, i32
  }
  func.func @transform_1(%arg0: i32) -> (i32, i32, i32) {
    %c0_i32 = arith.constant 0 : i32
    %c0_i32_0 = arith.constant 0 : i32
    %c0_i32_1 = arith.constant 0 : i32
    return %c0_i32, %arg0, %c0_i32_0 : i32, i32, i32
  }
  func.func @transform_2(%arg0: i32) -> (i32, i32) {
    %c0_i32 = arith.constant 0 : i32
    %c0_i32_0 = arith.constant 0 : i32
    return %arg0, %c0_i32 : i32, i32
  }
  func.func @transform_3(%arg0: i32) -> (i32, i32) {
    %c0_i32 = arith.constant 0 : i32
    %c0_i32_0 = arith.constant 0 : i32
    return %arg0, %c0_i32 : i32, i32
  }
  func.func @transform_4(%arg0: i32) -> (i32, i32) {
    %c0_i32 = arith.constant 0 : i32
    %c0_i32_0 = arith.constant 0 : i32
    %c0_i32_1 = arith.constant 0 : i32
    return %c0_i32, %c0_i32_0 : i32, i32
  }
  func.func @transform_5(%arg0: i32) -> (i32, i32) {
    %c0_i32 = arith.constant 0 : i32
    %c0_i32_0 = arith.constant 0 : i32
    %c0_i32_1 = arith.constant 0 : i32
    return %c0_i32, %c0_i32_0 : i32, i32
  }
  func.func @transform_6(%arg0: i32) -> (i32, i32) {
    %c0_i32 = arith.constant 0 : i32
    %c0_i32_0 = arith.constant 0 : i32
    %c0_i32_1 = arith.constant 0 : i32
    return %c0_i32, %c0_i32_0 : i32, i32
  }
  func.func @transform_7(%arg0: i32) -> (i32, i32) {
    %c0_i32 = arith.constant 0 : i32
    %c0_i32_0 = arith.constant 0 : i32
    %c0_i32_1 = arith.constant 0 : i32
    return %c0_i32, %c0_i32_0 : i32, i32
  }
  func.func @transform_8(%arg0: i32) -> (i32, i32) {
    %c0_i32 = arith.constant 0 : i32
    %c0_i32_0 = arith.constant 0 : i32
    %c0_i32_1 = arith.constant 0 : i32
    return %c0_i32, %c0_i32_0 : i32, i32
  }
  func.func @transform_9(%arg0: i32) -> (i32, i32) {
    %c0_i32 = arith.constant 0 : i32
    %c0_i32_0 = arith.constant 0 : i32
    %c0_i32_1 = arith.constant 0 : i32
    return %c0_i32, %c0_i32_0 : i32, i32
  }
  func.func @transform_10(%arg0: i32) -> (i32, i32) {
    %c0_i32 = arith.constant 0 : i32
    %c0_i32_0 = arith.constant 0 : i32
    %c0_i32_1 = arith.constant 0 : i32
    return %c0_i32, %c0_i32_0 : i32, i32
  }
  func.func @transform_11(%arg0: i32) -> (i32, i32) {
    %c0_i32 = arith.constant 0 : i32
    %c0_i32_0 = arith.constant 0 : i32
    %c0_i32_1 = arith.constant 0 : i32
    return %c0_i32, %c0_i32_0 : i32, i32
  }
  func.func @transform_12(%arg0: i32) -> (i32, i32) {
    %c0_i32 = arith.constant 0 : i32
    %c0_i32_0 = arith.constant 0 : i32
    return %arg0, %c0_i32 : i32, i32
  }
}

</mosaic_0001>

<sc_bundles>
// kernel: kernel.11.cloned.1.call-start
scs
__scs_entry_jumppad:
0x0: {  	(pc) =	sbr.rel $0x88, $3  }
0x1: {  	(tag) =	ssettag $0x0;
	lr =	simm.s32 $0x1  }
0x2: {  	[smem:$0x3F91] =	sst lr;
	_ =	strace $0xD0000000  }
0x3: {  	_ = 	snop  }
0x4: {  	_ = 	snop  }
0x5: {  	_ = 	snop  }
0x6: {  	_ = 	snop  }
0x7: {  	_ = 	snop  }
__scs_overlays_trampoline_lowered:
0x8: {  	[smem:$0x3FA0] =	sst s0  }
0x9: {  	[smem:$0x3FA1] =	sst s1  }
0xa: {  	[smem:$0x3FA2] =	sst s2  }
0xb: {  	[smem:$0x3FA3] =	sst s3  }
0xc: {  	[smem:$0x3FA4] =	sst s4  }
0xd: {  	[smem:$0x3FA5] =	sst s5  }
0xe: {  	[smem:$0x3FA6] =	sst s6  }
0xf: {  	[smem:$0x3FA7] =	sst s7  }
0x10: {  	[smem:$0x3FA8] =	sst s8  }
0x11: {  	[smem:$0x3FA9] =	sst s9;
	s0 =	simm.s32 @!p0 $0x0  }
0x12: {  	s1 =	sld [smem:$0x3F8F];
	s0 =	simm.s32 @p0 $0x1  }
0x13: {  	[smem:$0x3FAA] =	sst s0;
	s0 =	simm.s32 @!p1 $0x0  }
0x14: {  	s2 =	sld [smem:$0x3F8E];
	s0 =	simm.s32 @p1 $0x1  }
0x15: {  	[smem:$0x3FAB] =	sst s0;
	s0 =	simm.s32 @!p2 $0x0  }
0x16: {  	s3 =	sld [smem:$0x3FDB];
	s0 =	simm.s32 @p2 $0x1  }
0x17: {  	s4 =	simm.s32 $0x1BF5;
	[smem:$0x3FAD] =	sst s0  }
0x18: {  	s0 =	sld [smem:$0x3F90];
	_ =	swait.ge [sflag:s4], $0x0  }
0x19: {  	s7 =	sld [smem:$0x3F91]  }
0x1a: {  	s8 =	sadd.s32 $0xFFFFE003, lr  }
0x1b: {  	s9 =	sadd.s32 $0xFFFFFEF7, lr;
	s5 =	simm.s32 $0xFFFFFFFF;
	p2 =	slt.u32 s8, $0xFFFFF086  }
0x1c: {  	p1 =	slt.u32 s9, $0xF7A;
	s5 =	simm.s32 @!p2 $0x0  }
0x1d: {  	s5 =	simm.s32 @p1 $0x1;
	p0 =	seq.s32 s7, s2  }
0x1e: {  	s7 =	smul.u32 @!p0 $0xF7A, s2;
	p2 =	seq.s32 @!p0 s5, $0x0  }
0x1f: {  	s9 =	smul.u32 $0xF7A, s1;
	s8 =	simm.s32 @!p0 $0x1BF5;
	p2 =	por !p2, p0  }
0x20: {  	[sflag:s8] =	ssyncset.s32 @!p0 $0xFFFFF086;
	s6 =	sadd.s32 @!p0 s3, s7;
	s7 =	simm.s32 @!p0 $0x108  }
0x21: {  	s3 =	sadd.s32 s3, s9;
	s6 =	sadd.s32 @!p0 $0x88, s6;
	s7 =	simm.s32 @p2 $0x1082  }
0x22: {  	[simem:s7], [sflag:s8] =	dma.local @!p0 [hbm:s6], $0xF7A  }
0x23: {  	s9 =	sor.u32 $0xD0000000, s2;
	s6 =	simm.s32 $0x108;
	_ =	swait.ge @!p0 [sflag:s8], $0x0  }
0x24: {  	s3 =	sadd.s32 $0x88, s3;
	s6 =	simm.s32 @!p1 $0x1082;
	[sflag:s4] =	ssyncset.s32 $0xFFFFF086  }
0x25: {  	[simem:s6], [sflag:s4] =	dma.local [hbm:s3], $0xF7A  }
0x26: {  	[smem:$0x3F91] =	sst s1;
	(tag) =	ssettag s2;
	_ =	strace s9  }
0x27: {  	s1 =	sld [smem:$0x3FA1]  }
0x28: {  	s2 =	sld [smem:$0x3FA2]  }
0x29: {  	s4 =	sld [smem:$0x3FA4]  }
0x2a: {  	p0 =	seq.s32 s5, $0x0;
	s5 =	sld [smem:$0x3FA5]  }
0x2b: {  	s6 =	sld [smem:$0x3FA6]  }
0x2c: {  	s7 =	sld [smem:$0x3FA7]  }
0x2d: {  	s3 =	simm.s32 $0x108;
	s8 =	sld [smem:$0x3FA8]  }
0x2e: {  	s3 =	simm.s32 @!p0 $0x1082;
	s9 =	sld [smem:$0x3FA9]  }
0x2f: {  	lr =	sadd.s32 s0, s3;
	s0 =	sld [smem:$0x3FA0]  }
0x30: {  	s3 =	sld [smem:$0x3FA3]  }
0x31: {  	[smem:$0x3FAC] =	sst s10  }
0x32: {  	s10 =	sld [smem:$0x3FAA];
	_ =	sdelay $0x3  }
0x33: {  	p0 =	seq.s32 s10, $0x1;
	s10 =	sld [smem:$0x3FAC];
	_ =	sdelay $0x3  }
0x34: {  	[smem:$0x3FAC] =	sst s10  }
0x35: {  	s10 =	sld [smem:$0x3FAB];
	_ =	sdelay $0x3  }
0x36: {  	p1 =	seq.s32 s10, $0x1;
	s10 =	sld [smem:$0x3FAC];
	_ =	sdelay $0x3  }
0x37: {  	[smem:$0x3FAC] =	sst s10  }
0x38: {  	s10 =	sld [smem:$0x3FAD]  }
0x39: {  	_ = 	snop;
	(pc) =	sbr.ind lr, $3  }
0x3a: {  	_ = 	snop  }
0x3b: {  	_ = 	snop  }
0x3c: {  	p2 =	seq.s32 s10, $0x1;
	s10 =	sld [smem:$0x3FAC]  }
0x3d: {  	_ =	shalt  }
0x3e: {  	_ =	shalt  }
0x3f: {  	_ =	shalt  }
0x40: {  	_ =	shalt  }
0x41: {  	_ =	shalt  }
0x42: {  	_ =	shalt  }
0x43: {  	_ =	shalt  }
0x44: {  	_ =	shalt  }
0x45: {  	_ =	shalt  }
0x46: {  	_ =	shalt  }
0x47: {  	_ =	shalt  }
0x48: {  	_ =	shalt  }
0x49: {  	_ =	shalt  }
0x4a: {  	_ =	shalt  }
0x4b: {  	_ =	shalt  }
0x4c: {  	_ =	shalt  }
0x4d: {  	_ =	shalt  }
0x4e: {  	_ =	shalt  }
0x4f: {  	_ =	shalt  }
0x50: {  	_ =	shalt  }
0x51: {  	_ =	shalt  }
0x52: {  	_ =	shalt  }
0x53: {  	_ =	shalt  }
0x54: {  	_ =	shalt  }
0x55: {  	_ =	shalt  }
0x56: {  	_ =	shalt  }
0x57: {  	_ =	shalt  }
0x58: {  	_ =	shalt  }
0x59: {  	_ =	shalt  }
0x5a: {  	_ =	shalt  }
0x5b: {  	_ =	shalt  }
0x5c: {  	_ =	shalt  }
0x5d: {  	_ =	shalt  }
0x5e: {  	_ =	shalt  }
0x5f: {  	_ =	shalt  }
0x60: {  	_ =	shalt  }
0x61: {  	_ =	shalt  }
0x62: {  	_ =	shalt  }
0x63: {  	_ =	shalt  }
0x64: {  	_ =	shalt  }
0x65: {  	_ =	shalt  }
0x66: {  	_ =	shalt  }
0x67: {  	_ =	shalt  }
0x68: {  	_ =	shalt  }
0x69: {  	_ =	shalt  }
0x6a: {  	_ =	shalt  }
0x6b: {  	_ =	shalt  }
0x6c: {  	_ =	shalt  }
0x6d: {  	_ =	shalt  }
0x6e: {  	_ =	shalt  }
0x6f: {  	_ =	shalt  }
0x70: {  	_ =	shalt  }
0x71: {  	_ =	shalt  }
0x72: {  	_ =	shalt  }
0x73: {  	_ =	shalt  }
0x74: {  	_ =	shalt  }
0x75: {  	_ =	shalt  }
0x76: {  	_ =	shalt  }
0x77: {  	_ =	shalt  }
0x78: {  	_ =	shalt  }
0x79: {  	_ =	shalt  }
0x7a: {  	_ =	shalt  }
0x7b: {  	_ =	shalt  }
0x7c: {  	_ =	shalt  }
0x7d: {  	_ =	shalt  }
0x7e: {  	_ =	shalt  }
0x7f: {  	_ =	shalt  }
0x80: {  	_ =	shalt  }
0x81: {  	_ =	shalt  }
0x82: {  	_ =	shalt  }
0x83: {  	_ =	shalt  }
0x84: {  	_ =	shalt  }
0x85: {  	_ =	shalt  }
0x86: {  	_ =	shalt  }
0x87: {  	_ =	shalt  }
.Lfunc_end0:
.L_simem_size_0:
called_computation.1_lowered:
.L_overlay_start_0:
0x88: {  	s2 =	sld [smem:$0x3FD9]  }
0x89: {  	s3 =	sld [smem:$0x3FFE];
	_ =	sdelay $0x1  }
0x8a: {  	s1 =	srdreg.scid  }
0x8b: {  	s0 =	sand.u32 $0x1, s1  }
0x8c: {  	s17 =	sshll.u32 s0, $0xA;
	s2 =	sadd.s32 s3, s2  }
0x8d: {  	s2 =	sadd.s32 s2, s17  }
0x8e: {  	[smem:$0x3FB8] =	sst s2  }
0x8f: {  	_ = 	snop  }
0x90: {  	(tm) =	ssettm $0x1  }
0x91: {  	s18 =	sld [smem:$0x3FFB];
	_ =	sdelay $0x3  }
0x92: {  	_ =	strace s18  }
0x93: {  	s2 =	sld [smem:$0x3FFC];
	_ =	sdelay $0x3  }
0x94: {  	_ =	strace s2  }
0x95: {  	s2 =	sld [smem:$0x3FFD];
	_ =	sdelay $0x3  }
0x96: {  	_ =	strace s2  }
0x97: {  	_ =	strace $0x8FFFFFFF  }
0x98: {  	s19 =	sld [smem:$0x3FDB];
	_ =	sdelay $0x1  }
0x99: {  	s20 =	simm.s32 $_scs_section_size  }
0x9a: {  	s4 =	simm.s32 $_size__tile_overlayer_lowered;
	s5 =	simm.s32 $_tile_overlayer_lowered  }
0x9b: {  	s6 =	simm.s32 $0x1BFF;
	s21 =	sshll.u32 s5, $0x1;
	s3 =	sadd.s32 s20, s19  }
0x9c: {  	s22 =	simm.s32 $0x0;
	s4 =	sshll.u32 s4, $0x1;
	s5 =	sadd.s32 s21, s3  }
0x9d: {  	[timem:s22], [sflag:s6] =	dma.local [hbm:s5], s4  }
0x9e: {  	_ =	swait.ge [sflag:s6], s4  }
0x9f: {  	s4 =	ssub.s32 $0x0, s4;
	[sflag:s6] =	ssyncset.done $0x0  }
0xa0: {  	[sflag:s6] =	ssyncadd.s32 s4;
	_ =	sdelay $0x1  }
0xa1: {  	s23 =	simm.s32 $0x1B8B  }
0xa2: {  	_ =	swait.ge [sflag:s23], $0x1  }
0xa3: {  	[sflag:s23] =	ssyncset.done $0x0  }
0xa4: {  	[sflag:s23] =	ssyncadd.s32 $0xFFFFFFFF  }
0xa5: {  	s4 =	sld [smem:$0x0]  }
0xa6: {  	s5 =	sand.u32 $0xFFFFFFFE, s1  }
0xa7: {  	p0 =	sne.s32 s1, s5  }
0xa8: {  	s5 =	sshll.u32 @p0 s5, $0xE  }
0xa9: {  	s5 =	sadd.s32 @p0 $0x11B8D, s5;
	s6 =	sshll.u32 @p0 s4, $0x11  }
0xaa: {  	s5 =	sor.u32 @p0 s6, s5  }
0xab: {  	[sflag:s5] =	ssyncadd.remote.s32 @p0 $0x1;
	_ =	sdelay $0x1  }
0xac: {  	s5 =	simm.s32 @p0 $0x1B8D  }
0xad: {  	_ =	swait.eq @p0 [sflag:s5], $0x1  }
0xae: {  	[sflag:s5] =	ssyncadd.s32 @p0 $0xFFFFFFFF  }
0xaf: {  	s6 =	sshll.u32 @!p0 s1, $0xE  }
0xb0: {  	s6 =	sor.u32 @!p0 $0x4000, s6;
	s5 =	simm.s32 @!p0 $0x1B8D  }
0xb1: {  	s4 =	sshll.u32 @!p0 s4, $0x11;
	s6 =	sadd.s32 @!p0 $0x11B8D, s6;
	_ =	swait.eq @!p0 [sflag:s5], $0x1  }
0xb2: {  	s4 =	sor.u32 @!p0 s4, s6;
	[sflag:s5] =	ssyncadd.s32 @!p0 $0xFFFFFFFF  }
0xb3: {  	s25 =	simm.s32 $0x1B8E;
	s24 =	sld [smem:$0x3FFE];
	[sflag:s4] =	ssyncadd.remote.s32 @!p0 $0x1  }
0xb4: {  	s26 =	simm.s32 $execute0_lowered;
	[smem:$0x3FD2] =	sst s25  }
0xb5: {  	s5 =	sshll.u32 s26, $0x1;
	_ =	strace $0x80000049;
	[dreg:$0x1] =	wrdreg $0xFFFFFFFF  }
0xb6: {  	s28 =	simm.s32 $_size_execute0_lowered;
	s3 =	sadd.s32 s3, s5;
	[dreg:$0x0] =	wrdreg $0x0  }
0xb7: {  	s5 =	sshll.u32 s28, $0x1;
	[dreg:$0x2] =	wrdreg s3  }
0xb8: {  	[dreg:$0x3] =	wrdreg s5  }
0xb9: {  	[dreg:$0x4] =	wrdreg $0xC0  }
0xba: {  	_ =	task [dreg:s22], $0x5FFFF  }
0xbb: {  	[dreg:$0x1] =	wrdreg $0xFFFFFFFF  }
0xbc: {  	[dreg:$0x0] =	wrdreg $0x60  }
0xbd: {  	[dreg:$0x2] =	wrdreg s24  }
0xbe: {  	[dreg:$0x3] =	wrdreg $0x68000  }
0xbf: {  	[dreg:$0x4] =	wrdreg $0x9  }
0xc0: {  	_ =	task.clear_ibuf [dreg:s22], $0x5FFFF;
	_ =	strace $0x90000049  }
0xc1: {  	s29 =	simm.s32 $0x9;
	_ =	strace $0x8000004B  }
0xc2: {  	_ =	swait.ge [sflag:s29], $0x1  }
0xc3: {  	[sflag:s29] =	ssyncadd.s32 $0xFFFFFFFF  }
0xc4: {  	_ =	strace $0x9000004B  }
0xc5: {  	_ =	sfence  }
0xc6: {  	s30 =	sld [smem:$0x0];
	_ =	sdelay $0x2  }
0xc7: {  	s31 =	sshll.u32 s1, $0xD;
	s1 =	sshrl.u32 s1, $0x2  }
0xc8: {  	s4 =	sand.u32 $0x4000, s31;
	s1 =	sadd.s32 s1, s30  }
0xc9: {  	s0 =	sor.u32 s4, s0;
	s1 =	sshll.u32 s1, $0x11  }
0xca: {  	s0 =	sor.u32 s1, s0  }
0xcb: {  	s0 =	sadd.s32 $0x8F2B, s0  }
0xcc: {  	[sflag:s0] =	ssyncadd.remote.s32 $0x1  }
0xcd: {  	_ =	sfence.sel $0xFFFF  }
0xce: {  	[dreg:$0x0] =	wrdreg $0xFFFFFFFF;
	(pc) =	sbr.abs _section_cstart, $3  }
0xcf: {  	[dreg:$0x1] =	wrdreg $0xFFFFFFFF  }
0xd0: {  	_ =	task.clear_ibuf [dreg:s22], $0x2FFFF;
	_ =	strace $0x9FFFFFFF  }
0xd1: {  	(tm) =	ssettm $0x7FFFFFFF  }
tec
execute0_lowered:
.L_overlay_start_1:
0x0: {  	(tag) =	ssettag $0x1  }
0x1: {  	s4 =	rddreg [dreg:$0x0];
	s3 =	srdreg.scid  }
0x2: {  	s1 =	rddreg [dreg:$0x1];
	s5 =	sand.u32 $0x1, s3  }
0x3: {  	s0 =	rddreg [dreg:$0x2];
	s2 =	simm.s32 $0x0;
	s3 =	sshll.u32 s5, $0xB  }
0x4: {  	s19 =	smul.u32 $0x138800, s5;
	s6 =	sadd.s32 s3, s4;
	s3 =	stileid.u32  }
0x5: {  	s7 =	ssub.s32 $0x2, s5;
	s16 =	smul.u32 $0xA000, s3;
	s12 =	sor.u32 $0x10, s3  }
0x6: {  	s15 =	sshrl.u32 s7, $0x1;
	s13 =	sor.u32 $0x20, s3;
	s17 =	smul.u32 $0xA000, s12  }
0x7: {  	s7 =	ssub.s32 s7, s15;
	s15 =	sor.u32 $0x30, s3;
	s9 =	smul.u32 $0xA000, s13  }
0x8: {  	[smem:$0x7FF] =	sst s2;
	s23 =	smul.u32 $0xA000, s15  }
0x9: {  	s21 =	sadd.s32 $0x504C00, s4;
	s8 =	sshll.u32 s3, $0xC;
	s24 =	smul.u32 $0x2800, s12  }
0xa: {  	_ =	strace $0x8000004A;
	s6 =	sadd.s32 s8, s6;
	s25 =	smul.u32 $0x2800, s13  }
0xb: {  	s5 =	smax.u32 s7, $0x1;
	s28 =	smul.u32 $0x2800, s15;
	s4 =	sadd.s32 $0x2C00, s6  }
0xc: {  	s18 =	sshrl.u32 s16, $0x2;
	s16 =	sor.u32 $0x40, s3;
	s20 =	sshrl.u32 s17, $0x2  }
0xd: {  	s6 =	sadd.s32 s18, s1;
	s22 =	sshrl.u32 s9, $0x2;
	s10 =	smul.u32 $0xA000, s16  }
0xe: {  	s17 =	sor.u32 $0x50, s3;
	s9 =	sshrl.u32 s23, $0x2;
	s31 =	smul.u32 $0x2800, s16  }
0xf: {  	s18 =	sor.u32 $0x60, s3;
	s24 =	sadd.s32 s19, s24;
	s11 =	smul.u32 $0xA000, s17  }
0x10: {  	s26 =	sadd.s32 s19, s25;
	s7 =	sadd.s32 s20, s1;
	s14 =	smul.u32 $0xA000, s18  }
0x11: {  	s8 =	sadd.s32 s22, s1;
	s9 =	sadd.s32 s9, s1;
	s20 =	smul.u32 $0x2800, s3  }
0x12: {  	s22 =	sor.u32 $0x70, s3;
	s29 =	sshrl.u32 s24, $0x3;
	s25 =	smul.u32 $0x2800, s17  }
0x13: {  	s30 =	sshrl.u32 s26, $0x3;
	s26 =	sadd.s32 s19, s28;
	s28 =	smul.u32 $0x2800, s18  }
0x14: {  	s10 =	sshrl.u32 s10, $0x2;
	s23 =	smul.u32 $0xA000, s22;
	s15 =	sadd.s32 s21, s29  }
0x15: {  	s16 =	sadd.s32 s21, s30;
	s17 =	sshrl.u32 s26, $0x3;
	s30 =	smul.u32 $0x2800, s22  }
0x16: {  	p0 =	sgt.u32 s22, $0x7C;
	s22 =	simm.s32 $0x4000;
	s11 =	sshrl.u32 s11, $0x2  }
0x17: {  	s10 =	sadd.s32 s10, s1;
	s14 =	sshrl.u32 s14, $0x2;
	s20 =	sadd.s32 s19, s20  }
0x18: {  	s17 =	sadd.s32 s21, s17;
	s24 =	sadd.s32 s19, s28;
	s11 =	sadd.s32 s11, s1  }
0x19: {  	s23 =	sshrl.u32 s23, $0x2;
	s20 =	sshrl.u32 s20, $0x3;
	s12 =	sadd.s32 s14, s1  }
0x1a: {  	s13 =	sadd.s32 s23, s1;
	s14 =	sadd.s32 s21, s20;
	s23 =	sadd.s32 s19, s31  }
0x1b: {  	s20 =	sadd.s32 s19, s25;
	s31 =	sshrl.u32 s24, $0x3;
	s24 =	simm.s32 $0x50  }
0x1c: {  	s29 =	sshrl.u32 s23, $0x3;
	s20 =	sshrl.u32 s20, $0x3;
	s23 =	sadd.s32 s19, s30  }
0x1d: {  	s18 =	sadd.s32 s21, s29;
	s19 =	sadd.s32 s21, s20;
	s23 =	sshrl.u32 s23, $0x3  }
0x1e: {  	v0 =	vimm.f32 $0.0e+00;
	v1 =	vimm.f32 $1.000000000e+00;
	s20 =	sadd.s32 s21, s31;
	s21 =	sadd.s32 s21, s23;
	s23 =	simm.s32 $0x1  }
.LBB2_1:
0x1f: {  	s25 =	simm.s32 $0x0;
	s26 =	simm.s32 $0x200  }
.LBB2_2:
0x20: {  	p1 =	sne.s32 s26, $0x9E00;
	[tilespmem:s25+$0x4070] =	vst v0  }
0x21: {  	[tilespmem:s25+$0x4000] =	vst v0  }
0x22: {  	[tilespmem:s25+$0x4010] =	vst v0  }
.Ltmp0:
0x23: {  	[tilespmem:s25+$0x4020] =	vst v0;
	(pc) =	sbr.rel @p1 .LBB2_2-.Ltmp0, $4  }
0x24: {  	[tilespmem:s25+$0x4030] =	vst v0  }
0x25: {  	[tilespmem:s25+$0x4040] =	vst v0  }
0x26: {  	[tilespmem:s25+$0x4050] =	vst v0  }
0x27: {  	[tilespmem:s25+$0x4060] =	vst v0;
	s25 =	sshra.s32 s26, $0x2;
	s26 =	sadd.s32 $0x200, s26  }
0x28: {  	[tilespmem:s25+$0x4070] =	vst v0  }
0x29: {  	[tilespmem:s25+$0x4000] =	vst v0  }
0x2a: {  	[tilespmem:s25+$0x4010] =	vst v0  }
0x2b: {  	[tilespmem:s25+$0x4020] =	vst v0  }
0x2c: {  	[tilespmem:s25+$0x4030] =	vst v0  }
0x2d: {  	[tilespmem:s25+$0x4040] =	vst v0  }
0x2e: {  	[tilespmem:s25+$0x4050] =	vst v0  }
0x2f: {  	[tilespmem:s25+$0x4060] =	vst v0  }
0x30: {  	[spmem:s6] =	stream.linear.scatter [tilespmem:s22], [sflag:$0x1], $0x2800, $0x38;
	[tilespmem:$0x1A080] =	vst v63  }
0x31: {  	_ =	swait.ge [sflag:s23], $0x2800  }
0x32: {  	[sflag:s23] =	ssyncset.done $0x0  }
0x33: {  	[sflag:s23] =	ssyncadd.s32 $0xFFFFD800  }
0x34: {  	[spmem:s7] =	stream.linear.scatter [tilespmem:s22], [sflag:$0x1], $0x2800, $0x38;
	[tilespmem:$0x1A080] =	vst v63  }
0x35: {  	_ =	swait.ge [sflag:s23], $0x2800  }
0x36: {  	[sflag:s23] =	ssyncset.done $0x0  }
0x37: {  	[sflag:s23] =	ssyncadd.s32 $0xFFFFD800  }
0x38: {  	[spmem:s8] =	stream.linear.scatter [tilespmem:s22], [sflag:$0x1], $0x2800, $0x38;
	[tilespmem:$0x1A080] =	vst v63  }
0x39: {  	_ =	swait.ge [sflag:s23], $0x2800  }
0x3a: {  	[sflag:s23] =	ssyncset.done $0x0  }
0x3b: {  	[sflag:s23] =	ssyncadd.s32 $0xFFFFD800  }
0x3c: {  	[spmem:s9] =	stream.linear.scatter [tilespmem:s22], [sflag:$0x1], $0x2800, $0x38;
	[tilespmem:$0x1A080] =	vst v63  }
0x3d: {  	_ =	swait.ge [sflag:s23], $0x2800  }
0x3e: {  	[sflag:s23] =	ssyncset.done $0x0  }
0x3f: {  	[sflag:s23] =	ssyncadd.s32 $0xFFFFD800  }
0x40: {  	[spmem:s10] =	stream.linear.scatter [tilespmem:s22], [sflag:$0x1], $0x2800, $0x38;
	[tilespmem:$0x1A080] =	vst v63  }
0x41: {  	_ =	swait.ge [sflag:s23], $0x2800  }
0x42: {  	[sflag:s23] =	ssyncset.done $0x0  }
0x43: {  	[sflag:s23] =	ssyncadd.s32 $0xFFFFD800  }
0x44: {  	[spmem:s11] =	stream.linear.scatter [tilespmem:s22], [sflag:$0x1], $0x2800, $0x38;
	[tilespmem:$0x1A080] =	vst v63  }
0x45: {  	_ =	swait.ge [sflag:s23], $0x2800  }
0x46: {  	[sflag:s23] =	ssyncset.done $0x0  }
0x47: {  	[sflag:s23] =	ssyncadd.s32 $0xFFFFD800  }
0x48: {  	[spmem:s12] =	stream.linear.scatter [tilespmem:s22], [sflag:$0x1], $0x2800, $0x38;
	[tilespmem:$0x1A080] =	vst v63  }
0x49: {  	_ =	swait.ge [sflag:s23], $0x2800  }
0x4a: {  	[sflag:s23] =	ssyncset.done $0x0  }
0x4b: {  	s25 =	simm.s32 @!p0 $0x4000;
	[sflag:s23] =	ssyncadd.s32 $0xFFFFD800  }
0x4c: {  	[spmem:s13] =	stream.linear.scatter @!p0 [tilespmem:s25], [sflag:$0x1], $0x2800, $0x38;
	[tilespmem:$0x1A080] =	vst v63  }
0x4d: {  	s25 =	simm.s32 @!p0 $0x1  }
0x4e: {  	_ =	swait.ge @!p0 [sflag:s25], $0x2800  }
0x4f: {  	[sflag:s25] =	ssyncset.done @!p0 $0x0  }
0x50: {  	s31 =	simm.s32 $0x0;
	[sflag:s25] =	ssyncadd.s32 @!p0 $0xFFFFD800  }
0x51: {  	[tilespmem:s31], [sflag:$0x1] =	stream.linear.gather [hbm4b:s4+s31], $0x3E80, $0x38;
	[tilespmem:$0x1A080] =	vst v63  }
0x52: {  	_ =	swait.ge [sflag:s23], $0x3E80  }
0x53: {  	[sflag:s23] =	ssyncset.done $0x0  }
0x54: {  	s26 =	simm.s32 $0x200;
	s25 =	simm.s32 $0x0;
	[sflag:s23] =	ssyncadd.s32 $0xFFFFC180  }
.LBB2_4:
0x55: {  	p1 =	sne.s32 s26, $0x9E00;
	[tilespmem:s25+$0x4070] =	vst v1  }
0x56: {  	[tilespmem:s25+$0x4000] =	vst v1  }
0x57: {  	[tilespmem:s25+$0x4010] =	vst v1  }
.Ltmp1:
0x58: {  	[tilespmem:s25+$0x4020] =	vst v1;
	(pc) =	sbr.rel @p1 .LBB2_4-.Ltmp1, $4  }
0x59: {  	[tilespmem:s25+$0x4030] =	vst v1  }
0x5a: {  	[tilespmem:s25+$0x4040] =	vst v1  }
0x5b: {  	[tilespmem:s25+$0x4050] =	vst v1  }
0x5c: {  	[tilespmem:s25+$0x4060] =	vst v1;
	s25 =	sshra.s32 s26, $0x2;
	s26 =	sadd.s32 $0x200, s26  }
0x5d: {  	[tilespmem:s25+$0x4070] =	vst v1  }
0x5e: {  	[tilespmem:s25+$0x4000] =	vst v1  }
0x5f: {  	[tilespmem:s25+$0x4010] =	vst v1  }
0x60: {  	[tilespmem:s25+$0x4020] =	vst v1  }
0x61: {  	[tilespmem:s25+$0x4030] =	vst v1  }
0x62: {  	[tilespmem:s25+$0x4040] =	vst v1  }
0x63: {  	[tilespmem:s25+$0x4050] =	vst v1  }
0x64: {  	[tilespmem:s25+$0x4060] =	vst v1  }
0x65: {  	s31 =	simm.s32 $0x0;
	[bflag:$0x0] =	sbarrier.arrive $0xFFFF  }
0x66: {  	[spmem:s1] =	stream.indirect.scatter.add.f32 [tilespmem:s22], [sflag:$0x1], $0x80, s31, s24, $0xb8;
	[tilespmem:$0x1A080] =	vst v63  }
0x67: {  	_ =	swait.ge [sflag:s23], $0x2800  }
0x68: {  	s25 =	simm.s32 $0x200;
	[sflag:s23] =	ssyncset.done $0x0  }
.LBB2_6:
0x69: {  	s26 =	sshra.s32 s25, $0x2;
	[sflag:s23] =	ssyncadd.s32 $0xFFFFD800;
	p1 =	sne.s32 s25, $0xF800  }
0x6a: {  	[spmem:s1] =	stream.indirect.scatter.add.f32 [tilespmem:s22], [sflag:$0x1], $0x80, s26, s24, $0xb8;
	[tilespmem:$0x1A080] =	vst v63  }
.Ltmp2:
0x6b: {  	_ = 	snop;
	(pc) =	sbr.rel @p1 .LBB2_6-.Ltmp2, $4  }
0x6c: {  	_ = 	snop  }
0x6d: {  	s25 =	sadd.s32 $0x200, s25  }
0x6e: {  	_ =	swait.ge [sflag:s23], $0x2800  }
0x6f: {  	[sflag:s23] =	ssyncset.done $0x0  }
0x70: {  	[sflag:s23] =	ssyncadd.s32 $0xFFFFD800;
	s25 =	sshll.u32 s3, $0x6  }
0x71: {  	s26 =	sshrl.u32 s6, $0x3;
	[bflag:$0x0] =	sbarrier.arrive $0xFFFF;
	s25 =	sor.u32 $0x1C01, s25  }
0x72: {  	[hbm:s14], [sflag:s25] =	dma.local [spmem:s26], $0x500  }
0x73: {  	_ =	swait.ge [sflag:s23], $0x500  }
0x74: {  	[sflag:s23] =	ssyncset.done $0x0  }
0x75: {  	s30 =	sshrl.u32 s7, $0x3;
	[sflag:s23] =	ssyncadd.s32 $0xFFFFFB00  }
0x76: {  	[hbm:s15], [sflag:s25] =	dma.local [spmem:s30], $0x500  }
0x77: {  	_ =	swait.ge [sflag:s23], $0x500  }
0x78: {  	[sflag:s23] =	ssyncset.done $0x0  }
0x79: {  	s31 =	sshrl.u32 s8, $0x3;
	[sflag:s23] =	ssyncadd.s32 $0xFFFFFB00  }
0x7a: {  	[hbm:s16], [sflag:s25] =	dma.local [spmem:s31], $0x500  }
0x7b: {  	_ =	swait.ge [sflag:s23], $0x500  }
0x7c: {  	[sflag:s23] =	ssyncset.done $0x0  }
0x7d: {  	s28 =	sshrl.u32 s9, $0x3;
	[sflag:s23] =	ssyncadd.s32 $0xFFFFFB00  }
0x7e: {  	[hbm:s17], [sflag:s25] =	dma.local [spmem:s28], $0x500  }
0x7f: {  	_ =	swait.ge [sflag:s23], $0x500  }
0x80: {  	[sflag:s23] =	ssyncset.done $0x0  }
0x81: {  	s29 =	sshrl.u32 s10, $0x3;
	[sflag:s23] =	ssyncadd.s32 $0xFFFFFB00  }
0x82: {  	[hbm:s18], [sflag:s25] =	dma.local [spmem:s29], $0x500  }
0x83: {  	_ =	swait.ge [sflag:s23], $0x500  }
0x84: {  	[sflag:s23] =	ssyncset.done $0x0  }
0x85: {  	s30 =	sshrl.u32 s11, $0x3;
	[sflag:s23] =	ssyncadd.s32 $0xFFFFFB00  }
0x86: {  	[hbm:s19], [sflag:s25] =	dma.local [spmem:s30], $0x500  }
0x87: {  	_ =	swait.ge [sflag:s23], $0x500  }
0x88: {  	[sflag:s23] =	ssyncset.done $0x0  }
0x89: {  	s31 =	sshrl.u32 s12, $0x3;
	[sflag:s23] =	ssyncadd.s32 $0xFFFFFB00  }
0x8a: {  	[hbm:s20], [sflag:s25] =	dma.local [spmem:s31], $0x500  }
0x8b: {  	_ =	swait.ge [sflag:s23], $0x500  }
0x8c: {  	s2 =	sadd.s32 $0x1, s2;
	[sflag:s23] =	ssyncset.done $0x0  }
0x8d: {  	p1 =	sne.s32 s2, s5;
	s26 =	sshrl.u32 @!p0 s13, $0x3;
	[sflag:s23] =	ssyncadd.s32 $0xFFFFFB00  }
0x8e: {  	[hbm:s21], [sflag:s25] =	dma.local @!p0 [spmem:s26], $0x500  }
.Ltmp3:
0x8f: {  	_ = 	snop;
	(pc) =	sbr.rel @p1 .LBB2_1-.Ltmp3, $4  }
0x90: {  	s25 =	simm.s32 @!p0 $0x1  }
0x91: {  	_ =	swait.ge @!p0 [sflag:s25], $0x500  }
0x92: {  	[sflag:s25] =	ssyncset.done @!p0 $0x0  }
0x93: {  	[sflag:s25] =	ssyncadd.s32 @!p0 $0xFFFFFB00  }
0x94: {  	_ =	sfence.sel $0x180000  }
0x95: {  	[bflag:$0x0] =	sbarrier.arrive $0xFFFF  }
0x96: {  	p0 =	sne.s32 s3, $0x0;
	_ =	strace $0x9000004A  }
0x97: {  	s0 =	sadd.s32 @!p0 $0x100000, s0;
	[bflag:$0x2] =	sbarrier.arrive $0xFFFF  }
0x98: {  	[sflag:s0] =	ssyncadd.tile.s32 @!p0 $0x1;
	_ =	shalt  }
.Lfunc_end2:
_tile_overlayer_lowered:
.L_overlay_start_2:
0x99: {  	(tag) =	ssettag $0x2  }
0x9a: {  	s0 =	rddreg [dreg:$0x0];
	s2 =	stileid.u32  }
0x9b: {  	s1 =	rddreg [dreg:$0x1];
	p0 =	sne.s32 s2, $0x0  }
0x9c: {  	s3 =	rddreg [dreg:$0x2];
	[bflag:$0x3] =	sbarrier.arrive $0xFFFF;
	s2 =	simm.s32 @!p0 $0x1C01  }
0x9d: {  	[timem:s3], [sflag:s2] =	dma.local @!p0 [hbm:s0], s1  }
0x9e: {  	s0 =	simm.s32 @!p0 $0x1  }
0x9f: {  	_ =	swait.ge @!p0 [sflag:s0], s1  }
0xa0: {  	s1 =	ssub.s32 @!p0 $0x0, s1;
	[sflag:s0] =	ssyncset.done @!p0 $0x0  }
0xa1: {  	[sflag:s0] =	ssyncadd.s32 @!p0 s1  }
0xa2: {  	[bflag:$0x3] =	sbarrier.arrive $0xFFFF  }
0xa3: {  	_ =	shalt  }

// kernel: kernel.14.cloned.1.call-start
scs
__scs_entry_jumppad:
0x0: {  	(pc) =	sbr.rel $0x88, $3  }
0x1: {  	(tag) =	ssettag $0x0;
	lr =	simm.s32 $0x1  }
0x2: {  	[smem:$0x3F91] =	sst lr;
	_ =	strace $0xD0000000  }
0x3: {  	_ = 	snop  }
0x4: {  	_ = 	snop  }
0x5: {  	_ = 	snop  }
0x6: {  	_ = 	snop  }
0x7: {  	_ = 	snop  }
__scs_overlays_trampoline_lowered:
0x8: {  	[smem:$0x3FA0] =	sst s0  }
0x9: {  	[smem:$0x3FA1] =	sst s1  }
0xa: {  	[smem:$0x3FA2] =	sst s2  }
0xb: {  	[smem:$0x3FA3] =	sst s3  }
0xc: {  	[smem:$0x3FA4] =	sst s4  }
0xd: {  	[smem:$0x3FA5] =	sst s5  }
0xe: {  	[smem:$0x3FA6] =	sst s6  }
0xf: {  	[smem:$0x3FA7] =	sst s7  }
0x10: {  	[smem:$0x3FA8] =	sst s8  }
0x11: {  	[smem:$0x3FA9] =	sst s9;
	s0 =	simm.s32 @!p0 $0x0  }
0x12: {  	s1 =	sld [smem:$0x3F8F];
	s0 =	simm.s32 @p0 $0x1  }
0x13: {  	[smem:$0x3FAA] =	sst s0;
	s0 =	simm.s32 @!p1 $0x0  }
0x14: {  	s2 =	sld [smem:$0x3F8E];
	s0 =	simm.s32 @p1 $0x1  }
0x15: {  	[smem:$0x3FAB] =	sst s0;
	s0 =	simm.s32 @!p2 $0x0  }
0x16: {  	s3 =	sld [smem:$0x3FDB];
	s0 =	simm.s32 @p2 $0x1  }
0x17: {  	s4 =	simm.s32 $0x1BF5;
	[smem:$0x3FAD] =	sst s0  }
0x18: {  	s0 =	sld [smem:$0x3F90];
	_ =	swait.ge [sflag:s4], $0x0  }
0x19: {  	s7 =	sld [smem:$0x3F91]  }
0x1a: {  	s8 =	sadd.s32 $0xFFFFE003, lr  }
0x1b: {  	s9 =	sadd.s32 $0xFFFFFEF7, lr;
	s5 =	simm.s32 $0xFFFFFFFF;
	p2 =	slt.u32 s8, $0xFFFFF086  }
0x1c: {  	p1 =	slt.u32 s9, $0xF7A;
	s5 =	simm.s32 @!p2 $0x0  }
0x1d: {  	s5 =	simm.s32 @p1 $0x1;
	p0 =	seq.s32 s7, s2  }
0x1e: {  	s7 =	smul.u32 @!p0 $0xF7A, s2;
	p2 =	seq.s32 @!p0 s5, $0x0  }
0x1f: {  	s9 =	smul.u32 $0xF7A, s1;
	s8 =	simm.s32 @!p0 $0x1BF5;
	p2 =	por !p2, p0  }
0x20: {  	[sflag:s8] =	ssyncset.s32 @!p0 $0xFFFFF086;
	s6 =	sadd.s32 @!p0 s3, s7;
	s7 =	simm.s32 @!p0 $0x108  }
0x21: {  	s3 =	sadd.s32 s3, s9;
	s6 =	sadd.s32 @!p0 $0x88, s6;
	s7 =	simm.s32 @p2 $0x1082  }
0x22: {  	[simem:s7], [sflag:s8] =	dma.local @!p0 [hbm:s6], $0xF7A  }
0x23: {  	s9 =	sor.u32 $0xD0000000, s2;
	s6 =	simm.s32 $0x108;
	_ =	swait.ge @!p0 [sflag:s8], $0x0  }
0x24: {  	s3 =	sadd.s32 $0x88, s3;
	s6 =	simm.s32 @!p1 $0x1082;
	[sflag:s4] =	ssyncset.s32 $0xFFFFF086  }
0x25: {  	[simem:s6], [sflag:s4] =	dma.local [hbm:s3], $0xF7A  }
0x26: {  	[smem:$0x3F91] =	sst s1;
	(tag) =	ssettag s2;
	_ =	strace s9  }
0x27: {  	s1 =	sld [smem:$0x3FA1]  }
0x28: {  	s2 =	sld [smem:$0x3FA2]  }
0x29: {  	s4 =	sld [smem:$0x3FA4]  }
0x2a: {  	p0 =	seq.s32 s5, $0x0;
	s5 =	sld [smem:$0x3FA5]  }
0x2b: {  	s6 =	sld [smem:$0x3FA6]  }
0x2c: {  	s7 =	sld [smem:$0x3FA7]  }
0x2d: {  	s3 =	simm.s32 $0x108;
	s8 =	sld [smem:$0x3FA8]  }
0x2e: {  	s3 =	simm.s32 @!p0 $0x1082;
	s9 =	sld [smem:$0x3FA9]  }
0x2f: {  	lr =	sadd.s32 s0, s3;
	s0 =	sld [smem:$0x3FA0]  }
0x30: {  	s3 =	sld [smem:$0x3FA3]  }
0x31: {  	[smem:$0x3FAC] =	sst s10  }
0x32: {  	s10 =	sld [smem:$0x3FAA];
	_ =	sdelay $0x3  }
0x33: {  	p0 =	seq.s32 s10, $0x1;
	s10 =	sld [smem:$0x3FAC];
	_ =	sdelay $0x3  }
0x34: {  	[smem:$0x3FAC] =	sst s10  }
0x35: {  	s10 =	sld [smem:$0x3FAB];
	_ =	sdelay $0x3  }
0x36: {  	p1 =	seq.s32 s10, $0x1;
	s10 =	sld [smem:$0x3FAC];
	_ =	sdelay $0x3  }
0x37: {  	[smem:$0x3FAC] =	sst s10  }
0x38: {  	s10 =	sld [smem:$0x3FAD]  }
0x39: {  	_ = 	snop;
	(pc) =	sbr.ind lr, $3  }
0x3a: {  	_ = 	snop  }
0x3b: {  	_ = 	snop  }
0x3c: {  	p2 =	seq.s32 s10, $0x1;
	s10 =	sld [smem:$0x3FAC]  }
0x3d: {  	_ =	shalt  }
0x3e: {  	_ =	shalt  }
0x3f: {  	_ =	shalt  }
0x40: {  	_ =	shalt  }
0x41: {  	_ =	shalt  }
0x42: {  	_ =	shalt  }
0x43: {  	_ =	shalt  }
0x44: {  	_ =	shalt  }
0x45: {  	_ =	shalt  }
0x46: {  	_ =	shalt  }
0x47: {  	_ =	shalt  }
0x48: {  	_ =	shalt  }
0x49: {  	_ =	shalt  }
0x4a: {  	_ =	shalt  }
0x4b: {  	_ =	shalt  }
0x4c: {  	_ =	shalt  }
0x4d: {  	_ =	shalt  }
0x4e: {  	_ =	shalt  }
0x4f: {  	_ =	shalt  }
0x50: {  	_ =	shalt  }
0x51: {  	_ =	shalt  }
0x52: {  	_ =	shalt  }
0x53: {  	_ =	shalt  }
0x54: {  	_ =	shalt  }
0x55: {  	_ =	shalt  }
0x56: {  	_ =	shalt  }
0x57: {  	_ =	shalt  }
0x58: {  	_ =	shalt  }
0x59: {  	_ =	shalt  }
0x5a: {  	_ =	shalt  }
0x5b: {  	_ =	shalt  }
0x5c: {  	_ =	shalt  }
0x5d: {  	_ =	shalt  }
0x5e: {  	_ =	shalt  }
0x5f: {  	_ =	shalt  }
0x60: {  	_ =	shalt  }
0x61: {  	_ =	shalt  }
0x62: {  	_ =	shalt  }
0x63: {  	_ =	shalt  }
0x64: {  	_ =	shalt  }
0x65: {  	_ =	shalt  }
0x66: {  	_ =	shalt  }
0x67: {  	_ =	shalt  }
0x68: {  	_ =	shalt  }
0x69: {  	_ =	shalt  }
0x6a: {  	_ =	shalt  }
0x6b: {  	_ =	shalt  }
0x6c: {  	_ =	shalt  }
0x6d: {  	_ =	shalt  }
0x6e: {  	_ =	shalt  }
0x6f: {  	_ =	shalt  }
0x70: {  	_ =	shalt  }
0x71: {  	_ =	shalt  }
0x72: {  	_ =	shalt  }
0x73: {  	_ =	shalt  }
0x74: {  	_ =	shalt  }
0x75: {  	_ =	shalt  }
0x76: {  	_ =	shalt  }
0x77: {  	_ =	shalt  }
0x78: {  	_ =	shalt  }
0x79: {  	_ =	shalt  }
0x7a: {  	_ =	shalt  }
0x7b: {  	_ =	shalt  }
0x7c: {  	_ =	shalt  }
0x7d: {  	_ =	shalt  }
0x7e: {  	_ =	shalt  }
0x7f: {  	_ =	shalt  }
0x80: {  	_ =	shalt  }
0x81: {  	_ =	shalt  }
0x82: {  	_ =	shalt  }
0x83: {  	_ =	shalt  }
0x84: {  	_ =	shalt  }
0x85: {  	_ =	shalt  }
0x86: {  	_ =	shalt  }
0x87: {  	_ =	shalt  }
.Lfunc_end0:
.L_simem_size_0:
called_computation.2_lowered:
.L_overlay_start_0:
0x88: {  	s2 =	sld [smem:$0x3FD9]  }
0x89: {  	s3 =	sld [smem:$0x3FFE];
	_ =	sdelay $0x1  }
0x8a: {  	s1 =	srdreg.scid  }
0x8b: {  	s0 =	sand.u32 $0x1, s1  }
0x8c: {  	s15 =	sshll.u32 s0, $0xA;
	s2 =	sadd.s32 s3, s2  }
0x8d: {  	s2 =	sadd.s32 s2, s15  }
0x8e: {  	[smem:$0x3FB8] =	sst s2  }
0x8f: {  	_ = 	snop  }
0x90: {  	s2 =	sld [smem:$0x3FD0];
	_ =	sdelay $0x2  }
0x91: {  	s16 =	simm.s32 $0xB;
	s4 =	simm.s32 $0x10  }
0x92: {  	[smem:s4], [sflag:s16] =	dma.local [hbm:s2], $0x1  }
0x93: {  	_ =	swait.eq [sflag:s16], $0x1  }
0x94: {  	[sflag:s16] =	ssyncset.done $0x0  }
0x95: {  	[sflag:s16] =	ssyncadd.s32 $0xFFFFFFFF  }
0x96: {  	s17 =	sld [smem:$0x11];
	(tm) =	ssettm $0x1  }
0x97: {  	s18 =	sld [smem:$0x3FFB];
	_ =	sdelay $0x3  }
0x98: {  	_ =	strace s18  }
0x99: {  	s2 =	sld [smem:$0x3FFC];
	_ =	sdelay $0x3  }
0x9a: {  	_ =	strace s2  }
0x9b: {  	s2 =	sld [smem:$0x3FFD];
	_ =	sdelay $0x3  }
0x9c: {  	_ =	strace s2  }
0x9d: {  	_ =	strace $0x8FFFFFFF  }
0x9e: {  	s19 =	sld [smem:$0x3FDB];
	_ =	sdelay $0x1  }
0x9f: {  	s20 =	simm.s32 $_scs_section_size  }
0xa0: {  	s5 =	simm.s32 $_size__tile_overlayer_lowered;
	s6 =	simm.s32 $_tile_overlayer_lowered  }
0xa1: {  	s7 =	simm.s32 $0x1BFF;
	s21 =	sshll.u32 s6, $0x1;
	s4 =	sadd.s32 s20, s19  }
0xa2: {  	s22 =	simm.s32 $0x0;
	s5 =	sshll.u32 s5, $0x1;
	s6 =	sadd.s32 s21, s4  }
0xa3: {  	[timem:s22], [sflag:s7] =	dma.local [hbm:s6], s5  }
0xa4: {  	_ =	swait.ge [sflag:s7], s5  }
0xa5: {  	s5 =	ssub.s32 $0x0, s5;
	[sflag:s7] =	ssyncset.done $0x0  }
0xa6: {  	[sflag:s7] =	ssyncadd.s32 s5;
	_ =	sdelay $0x1  }
0xa7: {  	s23 =	simm.s32 $0x1B8B  }
0xa8: {  	_ =	swait.ge [sflag:s23], $0x1  }
0xa9: {  	[sflag:s23] =	ssyncset.done $0x0  }
0xaa: {  	[sflag:s23] =	ssyncadd.s32 $0xFFFFFFFF  }
0xab: {  	s5 =	sld [smem:$0x0]  }
0xac: {  	s6 =	sand.u32 $0xFFFFFFFE, s1  }
0xad: {  	p0 =	sne.s32 s1, s6  }
0xae: {  	s6 =	sshll.u32 @p0 s6, $0xE  }
0xaf: {  	s6 =	sadd.s32 @p0 $0x11B8D, s6;
	s7 =	sshll.u32 @p0 s5, $0x11  }
0xb0: {  	s6 =	sor.u32 @p0 s7, s6  }
0xb1: {  	[sflag:s6] =	ssyncadd.remote.s32 @p0 $0x1;
	_ =	sdelay $0x1  }
0xb2: {  	s6 =	simm.s32 @p0 $0x1B8D  }
0xb3: {  	_ =	swait.eq @p0 [sflag:s6], $0x1  }
0xb4: {  	[sflag:s6] =	ssyncadd.s32 @p0 $0xFFFFFFFF  }
0xb5: {  	s7 =	sshll.u32 @!p0 s1, $0xE  }
0xb6: {  	s7 =	sor.u32 @!p0 $0x4000, s7;
	s6 =	simm.s32 @!p0 $0x1B8D  }
0xb7: {  	s5 =	sshll.u32 @!p0 s5, $0x11;
	s7 =	sadd.s32 @!p0 $0x11B8D, s7;
	_ =	swait.eq @!p0 [sflag:s6], $0x1  }
0xb8: {  	s5 =	sor.u32 @!p0 s5, s7;
	[sflag:s6] =	ssyncadd.s32 @!p0 $0xFFFFFFFF  }
0xb9: {  	s25 =	simm.s32 $0x1B8E;
	s24 =	sld [smem:$0x3FFE];
	[sflag:s5] =	ssyncadd.remote.s32 @!p0 $0x1  }
0xba: {  	s26 =	simm.s32 $execute0_lowered;
	[smem:$0x3FD2] =	sst s25  }
0xbb: {  	s6 =	sshll.u32 s26, $0x1;
	_ =	strace $0x8000004C;
	[dreg:$0x1] =	wrdreg $0xFFFFFFFF  }
0xbc: {  	s28 =	simm.s32 $_size_execute0_lowered;
	s4 =	sadd.s32 s4, s6;
	[dreg:$0x0] =	wrdreg $0x0  }
0xbd: {  	s6 =	sshll.u32 s28, $0x1;
	[dreg:$0x2] =	wrdreg s4  }
0xbe: {  	[dreg:$0x3] =	wrdreg s6  }
0xbf: {  	[dreg:$0x4] =	wrdreg $0xC0  }
0xc0: {  	_ =	task [dreg:s22], $0x5FFFF  }
0xc1: {  	[dreg:$0x1] =	wrdreg $0xFFFFFFFF  }
0xc2: {  	[dreg:$0x0] =	wrdreg $0x60  }
0xc3: {  	[dreg:$0x2] =	wrdreg s17  }
0xc4: {  	[dreg:$0x3] =	wrdreg s24  }
0xc5: {  	[dreg:$0x4] =	wrdreg $0x90000  }
0xc6: {  	[dreg:$0x5] =	wrdreg $0xA  }
0xc7: {  	_ =	task.clear_ibuf [dreg:s22], $0x6FFFF;
	_ =	strace $0x9000004C  }
0xc8: {  	s29 =	simm.s32 $0xA;
	_ =	strace $0x8000004E  }
0xc9: {  	_ =	swait.ge [sflag:s29], $0x1  }
0xca: {  	[sflag:s29] =	ssyncadd.s32 $0xFFFFFFFF  }
0xcb: {  	_ =	strace $0x9000004E  }
0xcc: {  	_ =	sfence  }
0xcd: {  	s30 =	sld [smem:$0x0];
	_ =	sdelay $0x2  }
0xce: {  	s31 =	sshll.u32 s1, $0xD;
	s1 =	sshrl.u32 s1, $0x2  }
0xcf: {  	s4 =	sand.u32 $0x4000, s31;
	s1 =	sadd.s32 s1, s30  }
0xd0: {  	s0 =	sor.u32 s4, s0;
	s1 =	sshll.u32 s1, $0x11  }
0xd1: {  	s0 =	sor.u32 s1, s0  }
0xd2: {  	s0 =	sadd.s32 $0x8F2B, s0  }
0xd3: {  	[sflag:s0] =	ssyncadd.remote.s32 $0x1  }
0xd4: {  	_ =	sfence.sel $0xFFFF  }
0xd5: {  	[dreg:$0x0] =	wrdreg $0xFFFFFFFF;
	(pc) =	sbr.abs _section_cstart, $3  }
0xd6: {  	[dreg:$0x1] =	wrdreg $0xFFFFFFFF  }
0xd7: {  	_ =	task.clear_ibuf [dreg:s22], $0x2FFFF;
	_ =	strace $0x9FFFFFFF  }
0xd8: {  	(tm) =	ssettm $0x7FFFFFFF  }
0xd9: {  	_ =	shalt  }
tec
execute0_lowered:
.L_overlay_start_1:
0x0: {  	(tag) =	ssettag $0x1  }
0x1: {  	s13 =	rddreg [dreg:$0x0]  }
0x2: {  	s4 =	rddreg [dreg:$0x1]  }
0x3: {  	s2 =	rddreg [dreg:$0x2]  }
0x4: {  	s0 =	srdreg.scid;
	s26 =	stileid.u32;
	s3 =	simm.s32 $0x0  }
0x5: {  	s28 =	simm.s32 $0x3;
	s0 =	sand.u32 $0x1, s0;
	s9 =	smul.u32 $0x2800, s26  }
0x6: {  	s29 =	simm.s32 $0x6800;
	s8 =	sor.u32 $0x10, s26;
	s6 =	smul.u32 $0x138800, s0  }
0x7: {  	s30 =	simm.s32 $0x1;
	s14 =	sor.u32 $0x20, s26;
	s10 =	smul.u32 $0x2800, s8  }
0x8: {  	s31 =	simm.s32 $0x50;
	s15 =	sor.u32 $0x30, s26;
	s12 =	smul.u32 $0x2800, s14  }
0x9: {  	s1 =	sshll.u32 s26, $0x1;
	s17 =	sor.u32 $0x40, s26;
	s25 =	smul.u32 $0x2800, s15  }
0xa: {  	s18 =	sor.u32 $0x50, s26;
	s19 =	sor.u32 $0x60, s26;
	s20 =	smul.u32 $0x2800, s17  }
0xb: {  	[smem:$0x7FF] =	sst s3;
	s5 =	sor.u32 s0, s1;
	s21 =	smul.u32 $0x2800, s18  }
0xc: {  	s24 =	ssub.s32 $0x2, s0;
	s1 =	sor.u32 $0x70, s26;
	s22 =	smul.u32 $0x2800, s19  }
0xd: {  	s0 =	smul.u32 $0x27100, s0;
	s7 =	sshll.u32 s5, $0xB;
	s11 =	sshrl.u32 s24, $0x1  }
0xe: {  	s23 =	smul.u32 $0x2800, s1;
	p0 =	sgt.u32 s1, $0x7C;
	s16 =	ssub.s32 s24, s11  }
0xf: {  	s9 =	sadd.s32 s6, s9;
	s10 =	sadd.s32 s6, s10;
	s24 =	smul.u32 $0x138800, s5  }
0x10: {  	s12 =	sadd.s32 s6, s12;
	s11 =	sadd.s32 s6, s25;
	s5 =	smul.u32 $0x27100, s5  }
0x11: {  	s20 =	sadd.s32 s6, s20;
	s21 =	sadd.s32 s6, s21;
	s25 =	smul.u32 $0xA000, s8  }
0x12: {  	s22 =	sadd.s32 s6, s22;
	s8 =	smul.u32 $0x4E200, s26;
	s6 =	sadd.s32 s6, s23  }
0x13: {  	s23 =	sadd.s32 s7, s4;
	s4 =	sadd.s32 $0x12C00, s4;
	s9 =	sshrl.u32 s9, $0x3  }
0x14: {  	s10 =	sshrl.u32 s10, $0x3;
	s11 =	sshrl.u32 s11, $0x3;
	s21 =	sshrl.u32 s21, $0x3  }
0x15: {  	s24 =	sshrl.u32 s24, $0x3;
	s7 =	sadd.s32 s4, s9;
	s9 =	sadd.s32 s4, s10  }
0x16: {  	s10 =	sshrl.u32 s12, $0x3;
	s12 =	sshrl.u32 s20, $0x3;
	[dreg:$0x4] =	wrdreg s7  }
0x17: {  	s6 =	sshrl.u32 s6, $0x3;
	s25 =	sshrl.u32 s25, $0x2;
	[dreg:$0x5] =	wrdreg s9  }
0x18: {  	s7 =	sadd.s32 s4, s10;
	s20 =	sadd.s32 s4, s12;
	s9 =	sadd.s32 s4, s21  }
0x19: {  	s12 =	sadd.s32 s13, s5;
	s21 =	smul.u32 $0xA000, s26;
	[dreg:$0x6] =	wrdreg s7  }
0x1a: {  	s26 =	smul.u32 $0xA000, s18;
	s7 =	sadd.s32 s4, s11;
	[dreg:$0x8] =	wrdreg s20  }
0x1b: {  	s11 =	sadd.s32 s4, s6;
	s20 =	sadd.s32 s13, s24;
	s24 =	smul.u32 $0xA000, s17  }
0x1c: {  	s17 =	sadd.s32 s25, s2;
	[dreg:$0x7] =	wrdreg s7;
	s7 =	sshrl.u32 s22, $0x3  }
0x1d: {  	s22 =	smul.u32 $0xA000, s14;
	s14 =	sadd.s32 $0x500, s20;
	s6 =	sshrl.u32 s21, $0x2  }
0x1e: {  	s25 =	sshrl.u32 s26, $0x2;
	s10 =	sadd.s32 s4, s7;
	s4 =	sadd.s32 s8, s13  }
0x1f: {  	_ =	strace $0x8000004D;
	s13 =	sadd.s32 $0x2C00, s23;
	s23 =	smul.u32 $0xA000, s15  }
0x20: {  	s15 =	smax.u32 s16, $0x1;
	s16 =	sadd.s32 s6, s2;
	s8 =	smul.u32 $0xA000, s19  }
0x21: {  	s21 =	sadd.s32 s25, s2;
	s7 =	sshrl.u32 s22, $0x2;
	s0 =	sadd.s32 s0, s4  }
0x22: {  	s18 =	sadd.s32 s7, s2;
	s5 =	sshrl.u32 s23, $0x2;
	s23 =	sshrl.u32 s24, $0x2  }
0x23: {  	s24 =	smul.u32 $0xA000, s1;
	s26 =	sshrl.u32 s8, $0x2;
	s6 =	sadd.s32 $0xF00, s0  }
0x24: {  	s0 =	simm.s32 $0x2;
	s1 =	simm.s32 $0x0;
	s19 =	sadd.s32 s5, s2  }
0x25: {  	s20 =	sadd.s32 s23, s2;
	s22 =	sadd.s32 s26, s2;
	s4 =	sshrl.u32 s24, $0x2  }
0x26: {  	v0 =	vimm.f32 $0.0e+00;
	s26 =	simm.s32 $0x4000;
	s24 =	sadd.s32 $0x26C00, s12;
	s23 =	sadd.s32 s4, s2  }
.LBB2_1:
0x27: {  	s4 =	simm.s32 $0x0;
	s5 =	simm.s32 $0x200  }
.LBB2_2:
0x28: {  	p1 =	sne.s32 s5, $0x9E00;
	[tilespmem:s4+$0x4070] =	vst v0  }
0x29: {  	[tilespmem:s4+$0x4000] =	vst v0  }
0x2a: {  	[tilespmem:s4+$0x4010] =	vst v0  }
.Ltmp0:
0x2b: {  	[tilespmem:s4+$0x4020] =	vst v0;
	(pc) =	sbr.rel @p1 .LBB2_2-.Ltmp0, $4  }
0x2c: {  	[tilespmem:s4+$0x4030] =	vst v0  }
0x2d: {  	[tilespmem:s4+$0x4040] =	vst v0  }
0x2e: {  	[tilespmem:s4+$0x4050] =	vst v0  }
0x2f: {  	[tilespmem:s4+$0x4060] =	vst v0;
	s4 =	sshra.s32 s5, $0x2;
	s5 =	sadd.s32 $0x200, s5  }
0x30: {  	[tilespmem:s4+$0x4070] =	vst v0  }
0x31: {  	[tilespmem:s4+$0x4000] =	vst v0  }
0x32: {  	[tilespmem:s4+$0x4010] =	vst v0  }
0x33: {  	[tilespmem:s4+$0x4020] =	vst v0  }
0x34: {  	[tilespmem:s4+$0x4030] =	vst v0  }
0x35: {  	[tilespmem:s4+$0x4040] =	vst v0  }
0x36: {  	[tilespmem:s4+$0x4050] =	vst v0  }
0x37: {  	[tilespmem:s4+$0x4060] =	vst v0  }
0x38: {  	[spmem:s16] =	stream.linear.scatter [tilespmem:s26], [sflag:$0x3], $0x2800, $0x38;
	[tilespmem:$0x1C880] =	vst v63  }
0x39: {  	_ =	swait.ge [sflag:s28], $0x2800  }
0x3a: {  	[sflag:s28] =	ssyncset.done $0x0  }
0x3b: {  	[sflag:s28] =	ssyncadd.s32 $0xFFFFD800  }
0x3c: {  	[spmem:s17] =	stream.linear.scatter [tilespmem:s26], [sflag:$0x3], $0x2800, $0x38;
	[tilespmem:$0x1C880] =	vst v63  }
0x3d: {  	_ =	swait.ge [sflag:s28], $0x2800  }
0x3e: {  	[sflag:s28] =	ssyncset.done $0x0  }
0x3f: {  	[sflag:s28] =	ssyncadd.s32 $0xFFFFD800  }
0x40: {  	[spmem:s18] =	stream.linear.scatter [tilespmem:s26], [sflag:$0x3], $0x2800, $0x38;
	[tilespmem:$0x1C880] =	vst v63  }
0x41: {  	_ =	swait.ge [sflag:s28], $0x2800  }
0x42: {  	[sflag:s28] =	ssyncset.done $0x0  }
0x43: {  	[sflag:s28] =	ssyncadd.s32 $0xFFFFD800  }
0x44: {  	[spmem:s19] =	stream.linear.scatter [tilespmem:s26], [sflag:$0x3], $0x2800, $0x38;
	[tilespmem:$0x1C880] =	vst v63  }
0x45: {  	_ =	swait.ge [sflag:s28], $0x2800  }
0x46: {  	[sflag:s28] =	ssyncset.done $0x0  }
0x47: {  	[sflag:s28] =	ssyncadd.s32 $0xFFFFD800  }
0x48: {  	[spmem:s20] =	stream.linear.scatter [tilespmem:s26], [sflag:$0x3], $0x2800, $0x38;
	[tilespmem:$0x1C880] =	vst v63  }
0x49: {  	_ =	swait.ge [sflag:s28], $0x2800  }
0x4a: {  	[sflag:s28] =	ssyncset.done $0x0  }
0x4b: {  	[sflag:s28] =	ssyncadd.s32 $0xFFFFD800  }
0x4c: {  	[spmem:s21] =	stream.linear.scatter [tilespmem:s26], [sflag:$0x3], $0x2800, $0x38;
	[tilespmem:$0x1C880] =	vst v63  }
0x4d: {  	_ =	swait.ge [sflag:s28], $0x2800  }
0x4e: {  	[sflag:s28] =	ssyncset.done $0x0  }
0x4f: {  	[sflag:s28] =	ssyncadd.s32 $0xFFFFD800  }
0x50: {  	[spmem:s22] =	stream.linear.scatter [tilespmem:s26], [sflag:$0x3], $0x2800, $0x38;
	[tilespmem:$0x1C880] =	vst v63  }
0x51: {  	_ =	swait.ge [sflag:s28], $0x2800  }
0x52: {  	[sflag:s28] =	ssyncset.done $0x0  }
0x53: {  	s4 =	simm.s32 @!p0 $0x4000;
	[sflag:s28] =	ssyncadd.s32 $0xFFFFD800  }
0x54: {  	[spmem:s23] =	stream.linear.scatter @!p0 [tilespmem:s4], [sflag:$0x3], $0x2800, $0x38;
	[tilespmem:$0x1C880] =	vst v63  }
0x55: {  	s4 =	simm.s32 @!p0 $0x3  }
0x56: {  	_ =	swait.ge @!p0 [sflag:s4], $0x2800  }
0x57: {  	[sflag:s4] =	ssyncset.done @!p0 $0x0  }
0x58: {  	s5 =	simm.s32 $0x0;
	[sflag:s4] =	ssyncadd.s32 @!p0 $0xFFFFD800  }
0x59: {  	[tilespmem:s5], [sflag:$0x3] =	stream.linear.gather [hbm4b:s13+s5], $0x3E80, $0x38;
	[tilespmem:$0x1C880] =	vst v63  }
0x5a: {  	_ =	swait.ge [sflag:s28], $0x3E80  }
0x5b: {  	[sflag:s28] =	ssyncset.done $0x0  }
0x5c: {  	[sflag:s28] =	ssyncadd.s32 $0xFFFFC180  }
0x5d: {  	[bflag:$0x0] =	sbarrier.arrive $0xFFFF  }
0x5e: {  	[tilespmem:s26], [sflag:$0x1] =	stream.linear.gather [hbm4b:s12+s5], $0x2800, $0x38;
	[tilespmem:$0x1C880] =	vst v63  }
0x5f: {  	_ = 	snop  }
0x60: {  	[tilespmem:s29], [sflag:$0x2] =	stream.linear.gather [hbm4b:s14+s5], $0x2800, $0x38;
	[tilespmem:$0x1C880] =	vst v63  }
0x61: {  	_ =	swait.ge [sflag:s30], $0x2800  }
0x62: {  	[sflag:s30] =	ssyncset.done $0x0  }
0x63: {  	s7 =	simm.s32 $0x0;
	[sflag:s30] =	ssyncadd.s32 $0xFFFFD800  }
0x64: {  	[spmem:s2] =	stream.indirect.scatter.add.f32 [tilespmem:s26], [sflag:$0x3], $0x80, s7, s31, $0xb8;
	[tilespmem:$0x1C880] =	vst v63  }
0x65: {  	_ =	swait.ge [sflag:s28], $0x2800  }
0x66: {  	[sflag:s28] =	ssyncset.done $0x0  }
0x67: {  	s8 =	sadd.s32 $0xFFFFFB00, s6;
	[sflag:s28] =	ssyncadd.s32 $0xFFFFD800  }
0x68: {  	[tilespmem:s26], [sflag:$0x1] =	stream.linear.gather [hbm4b:s8+s3], $0x2800, $0x38;
	[tilespmem:$0x1C880] =	vst v63  }
0x69: {  	_ =	swait.ge [sflag:s0], $0x2800  }
0x6a: {  	[sflag:s0] =	ssyncset.done $0x0  }
0x6b: {  	s25 =	simm.s32 $0x80;
	[sflag:s0] =	ssyncadd.s32 $0xFFFFD800  }
0x6c: {  	[spmem:s2] =	stream.indirect.scatter.add.f32 [tilespmem:s29], [sflag:$0x3], $0x80, s25, s31, $0xb8;
	[tilespmem:$0x1C880] =	vst v63  }
0x6d: {  	_ =	swait.ge [sflag:s28], $0x2800  }
0x6e: {  	s4 =	simm.s32 $0x400;
	[sflag:s28] =	ssyncset.done $0x0  }
0x6f: {  	s5 =	sadd.s32 $0xA00, s6;
	s25 =	smov.u32 s6;
	[sflag:s28] =	ssyncadd.s32 $0xFFFFD800  }
.LBB2_4:
0x70: {  	[tilespmem:s29], [sflag:$0x2] =	stream.linear.gather [hbm4b:s25+s3], $0x2800, $0x38;
	[tilespmem:$0x1C880] =	vst v63  }
0x71: {  	s7 =	smov.u32 s4;
	s25 =	smov.u32 s5  }
0x72: {  	p1 =	sne.s32 s4, $0xF000;
	s4 =	sadd.s32 $0x400, s4;
	_ =	swait.ge [sflag:s30], $0x2800  }
0x73: {  	[sflag:s30] =	ssyncset.done $0x0  }
0x74: {  	s7 =	sshra.s32 s7, $0x2;
	[sflag:s30] =	ssyncadd.s32 $0xFFFFD800  }
0x75: {  	[spmem:s2] =	stream.indirect.scatter.add.f32 [tilespmem:s26], [sflag:$0x3], $0x80, s7, s31, $0xb8;
	[tilespmem:$0x1C880] =	vst v63  }
0x76: {  	_ =	swait.ge [sflag:s28], $0x2800  }
0x77: {  	[sflag:s28] =	ssyncset.done $0x0  }
0x78: {  	s8 =	sadd.s32 $0xFFFFFB00, s5;
	[sflag:s28] =	ssyncadd.s32 $0xFFFFD800  }
0x79: {  	[tilespmem:s26], [sflag:$0x1] =	stream.linear.gather [hbm4b:s8+s3], $0x2800, $0x38;
	[tilespmem:$0x1C880] =	vst v63  }
0x7a: {  	_ =	swait.ge [sflag:s0], $0x2800  }
0x7b: {  	[sflag:s0] =	ssyncset.done $0x0  }
.Ltmp1:
0x7c: {  	s7 =	sadd.s32 $0x80, s7;
	[sflag:s0] =	ssyncadd.s32 $0xFFFFD800;
	(pc) =	sbr.rel @p1 .LBB2_4-.Ltmp1, $4  }
0x7d: {  	[spmem:s2] =	stream.indirect.scatter.add.f32 [tilespmem:s29], [sflag:$0x3], $0x80, s7, s31, $0xb8;
	[tilespmem:$0x1C880] =	vst v63  }
0x7e: {  	_ =	swait.ge [sflag:s28], $0x2800  }
0x7f: {  	[sflag:s28] =	ssyncset.done $0x0  }
0x80: {  	s5 =	sadd.s32 $0xA00, s5;
	[sflag:s28] =	ssyncadd.s32 $0xFFFFD800  }
0x81: {  	[tilespmem:s29], [sflag:$0x2] =	stream.linear.gather [hbm4b:s25+s3], $0x2800, $0x38;
	[tilespmem:$0x1C880] =	vst v63  }
0x82: {  	_ =	swait.ge [sflag:s30], $0x2800  }
0x83: {  	[sflag:s30] =	ssyncset.done $0x0  }
0x84: {  	s4 =	simm.s32 $0x3D00;
	[sflag:s30] =	ssyncadd.s32 $0xFFFFD800  }
0x85: {  	[spmem:s2] =	stream.indirect.scatter.add.f32 [tilespmem:s26], [sflag:$0x3], $0x80, s4, s31, $0xb8;
	[tilespmem:$0x1C880] =	vst v63  }
0x86: {  	_ =	swait.ge [sflag:s28], $0x2800  }
0x87: {  	[sflag:s28] =	ssyncset.done $0x0  }
0x88: {  	[sflag:s28] =	ssyncadd.s32 $0xFFFFD800  }
0x89: {  	[tilespmem:s26], [sflag:$0x1] =	stream.linear.gather [hbm4b:s24+s3], $0x2800, $0x38;
	[tilespmem:$0x1C880] =	vst v63  }
0x8a: {  	_ =	swait.ge [sflag:s0], $0x2800  }
0x8b: {  	[sflag:s0] =	ssyncset.done $0x0  }
0x8c: {  	s25 =	simm.s32 $0x3D80;
	[sflag:s0] =	ssyncadd.s32 $0xFFFFD800  }
0x8d: {  	[spmem:s2] =	stream.indirect.scatter.add.f32 [tilespmem:s29], [sflag:$0x3], $0x80, s25, s31, $0xb8;
	[tilespmem:$0x1C880] =	vst v63  }
0x8e: {  	_ =	swait.ge [sflag:s28], $0x2800  }
0x8f: {  	[sflag:s28] =	ssyncset.done $0x0  }
0x90: {  	[sflag:s28] =	ssyncadd.s32 $0xFFFFD800  }
0x91: {  	_ =	swait.ge [sflag:s30], $0x2800  }
0x92: {  	[sflag:s30] =	ssyncset.done $0x0  }
0x93: {  	s5 =	simm.s32 $0x3E00;
	[sflag:s30] =	ssyncadd.s32 $0xFFFFD800  }
0x94: {  	[spmem:s2] =	stream.indirect.scatter.add.f32 [tilespmem:s26], [sflag:$0x3], $0x80, s5, s31, $0xb8;
	[tilespmem:$0x1C880] =	vst v63  }
0x95: {  	_ =	swait.ge [sflag:s28], $0x2800  }
0x96: {  	[sflag:s28] =	ssyncset.done $0x0  }
0x97: {  	s7 =	stileid.u32;
	[sflag:s28] =	ssyncadd.s32 $0xFFFFD800  }
0x98: {  	s4 =	sshll.u32 s7, $0x6;
	[bflag:$0x0] =	sbarrier.arrive $0xFFFF  }
0x99: {  	s4 =	sor.u32 $0x1C03, s4;
	s5 =	sshrl.u32 s16, $0x3;
	s7 =	rddreg [dreg:$0x4]  }
0x9a: {  	[hbm:s7], [sflag:s4] =	dma.local [spmem:s5], $0x500  }
0x9b: {  	_ =	swait.ge [sflag:s28], $0x500  }
0x9c: {  	[sflag:s28] =	ssyncset.done $0x0  }
0x9d: {  	s8 =	sshrl.u32 s17, $0x3;
	s25 =	rddreg [dreg:$0x5];
	[sflag:s28] =	ssyncadd.s32 $0xFFFFFB00  }
0x9e: {  	[hbm:s25], [sflag:s4] =	dma.local [spmem:s8], $0x500  }
0x9f: {  	_ =	swait.ge [sflag:s28], $0x500  }
0xa0: {  	[sflag:s28] =	ssyncset.done $0x0  }
0xa1: {  	s8 =	sshrl.u32 s18, $0x3;
	s25 =	rddreg [dreg:$0x6];
	[sflag:s28] =	ssyncadd.s32 $0xFFFFFB00  }
0xa2: {  	[hbm:s25], [sflag:s4] =	dma.local [spmem:s8], $0x500  }
0xa3: {  	_ =	swait.ge [sflag:s28], $0x500  }
0xa4: {  	[sflag:s28] =	ssyncset.done $0x0  }
0xa5: {  	s8 =	sshrl.u32 s19, $0x3;
	s25 =	rddreg [dreg:$0x7];
	[sflag:s28] =	ssyncadd.s32 $0xFFFFFB00  }
0xa6: {  	[hbm:s25], [sflag:s4] =	dma.local [spmem:s8], $0x500  }
0xa7: {  	_ =	swait.ge [sflag:s28], $0x500  }
0xa8: {  	[sflag:s28] =	ssyncset.done $0x0  }
0xa9: {  	s8 =	sshrl.u32 s20, $0x3;
	s25 =	rddreg [dreg:$0x8];
	[sflag:s28] =	ssyncadd.s32 $0xFFFFFB00  }
0xaa: {  	[hbm:s25], [sflag:s4] =	dma.local [spmem:s8], $0x500  }
0xab: {  	_ =	swait.ge [sflag:s28], $0x500  }
0xac: {  	[sflag:s28] =	ssyncset.done $0x0  }
0xad: {  	s8 =	sshrl.u32 s21, $0x3;
	[sflag:s28] =	ssyncadd.s32 $0xFFFFFB00  }
0xae: {  	[hbm:s9], [sflag:s4] =	dma.local [spmem:s8], $0x500  }
0xaf: {  	_ =	swait.ge [sflag:s28], $0x500  }
0xb0: {  	[sflag:s28] =	ssyncset.done $0x0  }
0xb1: {  	s25 =	sshrl.u32 s22, $0x3;
	[sflag:s28] =	ssyncadd.s32 $0xFFFFFB00  }
0xb2: {  	[hbm:s10], [sflag:s4] =	dma.local [spmem:s25], $0x500  }
0xb3: {  	_ =	swait.ge [sflag:s28], $0x500  }
0xb4: {  	s1 =	sadd.s32 $0x1, s1;
	[sflag:s28] =	ssyncset.done $0x0  }
0xb5: {  	p1 =	sne.s32 s1, s15;
	s5 =	sshrl.u32 @!p0 s23, $0x3;
	[sflag:s28] =	ssyncadd.s32 $0xFFFFFB00  }
0xb6: {  	[hbm:s11], [sflag:s4] =	dma.local @!p0 [spmem:s5], $0x500  }
.Ltmp2:
0xb7: {  	_ = 	snop;
	(pc) =	sbr.rel @p1 .LBB2_1-.Ltmp2, $4  }
0xb8: {  	s4 =	simm.s32 @!p0 $0x3  }
0xb9: {  	_ =	swait.ge @!p0 [sflag:s4], $0x500  }
0xba: {  	[sflag:s4] =	ssyncset.done @!p0 $0x0  }
0xbb: {  	[sflag:s4] =	ssyncadd.s32 @!p0 $0xFFFFFB00  }
0xbc: {  	_ =	sfence.sel $0x180000  }
0xbd: {  	[bflag:$0x0] =	sbarrier.arrive $0xFFFF  }
0xbe: {  	_ =	strace $0x9000004D  }
0xbf: {  	s0 =	stileid.u32;
	[bflag:$0x2] =	sbarrier.arrive $0xFFFF  }
0xc0: {  	p0 =	sne.s32 s0, $0x0;
	s0 =	rddreg [dreg:$0x3]  }
0xc1: {  	s0 =	sadd.s32 @!p0 $0x100000, s0  }
0xc2: {  	[sflag:s0] =	ssyncadd.tile.s32 @!p0 $0x1;
	_ =	shalt  }
.Lfunc_end2:
_tile_overlayer_lowered:
.L_overlay_start_2:
0xc3: {  	(tag) =	ssettag $0x2  }
0xc4: {  	s0 =	rddreg [dreg:$0x0];
	s2 =	stileid.u32  }
0xc5: {  	s1 =	rddreg [dreg:$0x1];
	p0 =	sne.s32 s2, $0x0  }
0xc6: {  	s3 =	rddreg [dreg:$0x2];
	[bflag:$0x3] =	sbarrier.arrive $0xFFFF;
	s2 =	simm.s32 @!p0 $0x1C03  }
0xc7: {  	[timem:s3], [sflag:s2] =	dma.local @!p0 [hbm:s0], s1  }
0xc8: {  	s0 =	simm.s32 @!p0 $0x3  }
0xc9: {  	_ =	swait.ge @!p0 [sflag:s0], s1  }
0xca: {  	s1 =	ssub.s32 @!p0 $0x0, s1;
	[sflag:s0] =	ssyncset.done @!p0 $0x0  }
0xcb: {  	[sflag:s0] =	ssyncadd.s32 @!p0 s1  }
0xcc: {  	[bflag:$0x3] =	sbarrier.arrive $0xFFFF  }
0xcd: {  	_ =	shalt  }

// kernel: kernel.8.cloned.1.call-start
scs
__scs_entry_jumppad:
0x0: {  	(pc) =	sbr.rel $0x88, $3  }
0x1: {  	(tag) =	ssettag $0x0;
	lr =	simm.s32 $0x1  }
0x2: {  	[smem:$0x3F91] =	sst lr;
	_ =	strace $0xD0000000  }
0x3: {  	_ = 	snop  }
0x4: {  	_ = 	snop  }
0x5: {  	_ = 	snop  }
0x6: {  	_ = 	snop  }
0x7: {  	_ = 	snop  }
__scs_overlays_trampoline_lowered:
0x8: {  	[smem:$0x3FA0] =	sst s0  }
0x9: {  	[smem:$0x3FA1] =	sst s1  }
0xa: {  	[smem:$0x3FA2] =	sst s2  }
0xb: {  	[smem:$0x3FA3] =	sst s3  }
0xc: {  	[smem:$0x3FA4] =	sst s4  }
0xd: {  	[smem:$0x3FA5] =	sst s5  }
0xe: {  	[smem:$0x3FA6] =	sst s6  }
0xf: {  	[smem:$0x3FA7] =	sst s7  }
0x10: {  	[smem:$0x3FA8] =	sst s8  }
0x11: {  	[smem:$0x3FA9] =	sst s9;
	s0 =	simm.s32 @!p0 $0x0  }
0x12: {  	s1 =	sld [smem:$0x3F8F];
	s0 =	simm.s32 @p0 $0x1  }
0x13: {  	[smem:$0x3FAA] =	sst s0;
	s0 =	simm.s32 @!p1 $0x0  }
0x14: {  	s2 =	sld [smem:$0x3F8E];
	s0 =	simm.s32 @p1 $0x1  }
0x15: {  	[smem:$0x3FAB] =	sst s0;
	s0 =	simm.s32 @!p2 $0x0  }
0x16: {  	s3 =	sld [smem:$0x3FDB];
	s0 =	simm.s32 @p2 $0x1  }
0x17: {  	s4 =	simm.s32 $0x1BF5;
	[smem:$0x3FAD] =	sst s0  }
0x18: {  	s0 =	sld [smem:$0x3F90];
	_ =	swait.ge [sflag:s4], $0x0  }
0x19: {  	s7 =	sld [smem:$0x3F91]  }
0x1a: {  	s8 =	sadd.s32 $0xFFFFE003, lr  }
0x1b: {  	s9 =	sadd.s32 $0xFFFFFEF7, lr;
	s5 =	simm.s32 $0xFFFFFFFF;
	p2 =	slt.u32 s8, $0xFFFFF086  }
0x1c: {  	p1 =	slt.u32 s9, $0xF7A;
	s5 =	simm.s32 @!p2 $0x0  }
0x1d: {  	s5 =	simm.s32 @p1 $0x1;
	p0 =	seq.s32 s7, s2  }
0x1e: {  	s7 =	smul.u32 @!p0 $0xF7A, s2;
	p2 =	seq.s32 @!p0 s5, $0x0  }
0x1f: {  	s9 =	smul.u32 $0xF7A, s1;
	s8 =	simm.s32 @!p0 $0x1BF5;
	p2 =	por !p2, p0  }
0x20: {  	[sflag:s8] =	ssyncset.s32 @!p0 $0xFFFFF086;
	s6 =	sadd.s32 @!p0 s3, s7;
	s7 =	simm.s32 @!p0 $0x108  }
0x21: {  	s3 =	sadd.s32 s3, s9;
	s6 =	sadd.s32 @!p0 $0x88, s6;
	s7 =	simm.s32 @p2 $0x1082  }
0x22: {  	[simem:s7], [sflag:s8] =	dma.local @!p0 [hbm:s6], $0xF7A  }
0x23: {  	s9 =	sor.u32 $0xD0000000, s2;
	s6 =	simm.s32 $0x108;
	_ =	swait.ge @!p0 [sflag:s8], $0x0  }
0x24: {  	s3 =	sadd.s32 $0x88, s3;
	s6 =	simm.s32 @!p1 $0x1082;
	[sflag:s4] =	ssyncset.s32 $0xFFFFF086  }
0x25: {  	[simem:s6], [sflag:s4] =	dma.local [hbm:s3], $0xF7A  }
0x26: {  	[smem:$0x3F91] =	sst s1;
	(tag) =	ssettag s2;
	_ =	strace s9  }
0x27: {  	s1 =	sld [smem:$0x3FA1]  }
0x28: {  	s2 =	sld [smem:$0x3FA2]  }
0x29: {  	s4 =	sld [smem:$0x3FA4]  }
0x2a: {  	p0 =	seq.s32 s5, $0x0;
	s5 =	sld [smem:$0x3FA5]  }
0x2b: {  	s6 =	sld [smem:$0x3FA6]  }
0x2c: {  	s7 =	sld [smem:$0x3FA7]  }
0x2d: {  	s3 =	simm.s32 $0x108;
	s8 =	sld [smem:$0x3FA8]  }
0x2e: {  	s3 =	simm.s32 @!p0 $0x1082;
	s9 =	sld [smem:$0x3FA9]  }
0x2f: {  	lr =	sadd.s32 s0, s3;
	s0 =	sld [smem:$0x3FA0]  }
0x30: {  	s3 =	sld [smem:$0x3FA3]  }
0x31: {  	[smem:$0x3FAC] =	sst s10  }
0x32: {  	s10 =	sld [smem:$0x3FAA];
	_ =	sdelay $0x3  }
0x33: {  	p0 =	seq.s32 s10, $0x1;
	s10 =	sld [smem:$0x3FAC];
	_ =	sdelay $0x3  }
0x34: {  	[smem:$0x3FAC] =	sst s10  }
0x35: {  	s10 =	sld [smem:$0x3FAB];
	_ =	sdelay $0x3  }
0x36: {  	p1 =	seq.s32 s10, $0x1;
	s10 =	sld [smem:$0x3FAC];
	_ =	sdelay $0x3  }
0x37: {  	[smem:$0x3FAC] =	sst s10  }
0x38: {  	s10 =	sld [smem:$0x3FAD]  }
0x39: {  	_ = 	snop;
	(pc) =	sbr.ind lr, $3  }
0x3a: {  	_ = 	snop  }
0x3b: {  	_ = 	snop  }
0x3c: {  	p2 =	seq.s32 s10, $0x1;
	s10 =	sld [smem:$0x3FAC]  }
0x3d: {  	_ =	shalt  }
0x3e: {  	_ =	shalt  }
0x3f: {  	_ =	shalt  }
0x40: {  	_ =	shalt  }
0x41: {  	_ =	shalt  }
0x42: {  	_ =	shalt  }
0x43: {  	_ =	shalt  }
0x44: {  	_ =	shalt  }
0x45: {  	_ =	shalt  }
0x46: {  	_ =	shalt  }
0x47: {  	_ =	shalt  }
0x48: {  	_ =	shalt  }
0x49: {  	_ =	shalt  }
0x4a: {  	_ =	shalt  }
0x4b: {  	_ =	shalt  }
0x4c: {  	_ =	shalt  }
0x4d: {  	_ =	shalt  }
0x4e: {  	_ =	shalt  }
0x4f: {  	_ =	shalt  }
0x50: {  	_ =	shalt  }
0x51: {  	_ =	shalt  }
0x52: {  	_ =	shalt  }
0x53: {  	_ =	shalt  }
0x54: {  	_ =	shalt  }
0x55: {  	_ =	shalt  }
0x56: {  	_ =	shalt  }
0x57: {  	_ =	shalt  }
0x58: {  	_ =	shalt  }
0x59: {  	_ =	shalt  }
0x5a: {  	_ =	shalt  }
0x5b: {  	_ =	shalt  }
0x5c: {  	_ =	shalt  }
0x5d: {  	_ =	shalt  }
0x5e: {  	_ =	shalt  }
0x5f: {  	_ =	shalt  }
0x60: {  	_ =	shalt  }
0x61: {  	_ =	shalt  }
0x62: {  	_ =	shalt  }
0x63: {  	_ =	shalt  }
0x64: {  	_ =	shalt  }
0x65: {  	_ =	shalt  }
0x66: {  	_ =	shalt  }
0x67: {  	_ =	shalt  }
0x68: {  	_ =	shalt  }
0x69: {  	_ =	shalt  }
0x6a: {  	_ =	shalt  }
0x6b: {  	_ =	shalt  }
0x6c: {  	_ =	shalt  }
0x6d: {  	_ =	shalt  }
0x6e: {  	_ =	shalt  }
0x6f: {  	_ =	shalt  }
0x70: {  	_ =	shalt  }
0x71: {  	_ =	shalt  }
0x72: {  	_ =	shalt  }
0x73: {  	_ =	shalt  }
0x74: {  	_ =	shalt  }
0x75: {  	_ =	shalt  }
0x76: {  	_ =	shalt  }
0x77: {  	_ =	shalt  }
0x78: {  	_ =	shalt  }
0x79: {  	_ =	shalt  }
0x7a: {  	_ =	shalt  }
0x7b: {  	_ =	shalt  }
0x7c: {  	_ =	shalt  }
0x7d: {  	_ =	shalt  }
0x7e: {  	_ =	shalt  }
0x7f: {  	_ =	shalt  }
0x80: {  	_ =	shalt  }
0x81: {  	_ =	shalt  }
0x82: {  	_ =	shalt  }
0x83: {  	_ =	shalt  }
0x84: {  	_ =	shalt  }
0x85: {  	_ =	shalt  }
0x86: {  	_ =	shalt  }
0x87: {  	_ =	shalt  }
.Lfunc_end0:
.L_simem_size_0:
called_computation_lowered:
.L_overlay_start_0:
0x88: {  	s2 =	sld [smem:$0x3FD9]  }
0x89: {  	s3 =	sld [smem:$0x3FFE];
	_ =	sdelay $0x1  }
0x8a: {  	s1 =	srdreg.scid  }
0x8b: {  	s0 =	sand.u32 $0x1, s1  }
0x8c: {  	s14 =	sshll.u32 s0, $0xA;
	s2 =	sadd.s32 s3, s2  }
0x8d: {  	s2 =	sadd.s32 s2, s14  }
0x8e: {  	[smem:$0x3FB8] =	sst s2  }
0x8f: {  	_ = 	snop  }
0x90: {  	s2 =	sld [smem:$0x3FD0];
	_ =	sdelay $0x2  }
0x91: {  	s15 =	simm.s32 $0xB;
	s4 =	simm.s32 $0x10  }
0x92: {  	[smem:s4], [sflag:s15] =	dma.local [hbm:s2], $0x1  }
0x93: {  	_ =	swait.eq [sflag:s15], $0x1  }
0x94: {  	[sflag:s15] =	ssyncset.done $0x0  }
0x95: {  	s16 =	sld [smem:$0x10];
	[sflag:s15] =	ssyncadd.s32 $0xFFFFFFFF  }
0x96: {  	s17 =	sld [smem:$0x11];
	(tm) =	ssettm $0x1  }
0x97: {  	s18 =	sld [smem:$0x3FFB];
	_ =	sdelay $0x3  }
0x98: {  	_ =	strace s18  }
0x99: {  	s4 =	sld [smem:$0x3FFC];
	_ =	sdelay $0x3  }
0x9a: {  	_ =	strace s4  }
0x9b: {  	s4 =	sld [smem:$0x3FFD];
	_ =	sdelay $0x3  }
0x9c: {  	_ =	strace s4  }
0x9d: {  	_ =	strace $0x8FFFFFFF  }
0x9e: {  	s19 =	sld [smem:$0x3FDB];
	_ =	sdelay $0x1  }
0x9f: {  	s5 =	simm.s32 $_scs_section_size  }
0xa0: {  	s6 =	simm.s32 $_size__tile_overlayer_lowered;
	s7 =	simm.s32 $_tile_overlayer_lowered  }
0xa1: {  	s22 =	simm.s32 $0x1BFF;
	s21 =	sshll.u32 s7, $0x1;
	s4 =	sadd.s32 s5, s19  }
0xa2: {  	s8 =	simm.s32 $0x0;
	s20 =	sshll.u32 s6, $0x1;
	s6 =	sadd.s32 s21, s4  }
0xa3: {  	[timem:s8], [sflag:s22] =	dma.local [hbm:s6], s20  }
0xa4: {  	_ =	swait.ge [sflag:s22], s20  }
0xa5: {  	s5 =	ssub.s32 $0x0, s20;
	[sflag:s22] =	ssyncset.done $0x0  }
0xa6: {  	[sflag:s22] =	ssyncadd.s32 s5;
	_ =	sdelay $0x1  }
0xa7: {  	s23 =	simm.s32 $0x1B8B  }
0xa8: {  	_ =	swait.ge [sflag:s23], $0x1  }
0xa9: {  	[sflag:s23] =	ssyncset.done $0x0  }
0xaa: {  	s25 =	simm.s32 $0x1B8E;
	s24 =	sld [smem:$0x3FFE];
	[sflag:s23] =	ssyncadd.s32 $0xFFFFFFFF  }
0xab: {  	s26 =	simm.s32 $execute0_lowered;
	[smem:$0x3FD2] =	sst s25  }
0xac: {  	s6 =	sshll.u32 s26, $0x1;
	_ =	strace $0x80000046;
	[dreg:$0x1] =	wrdreg $0xFFFFFFFF  }
0xad: {  	s28 =	simm.s32 $_size_execute0_lowered;
	s4 =	sadd.s32 s4, s6;
	[dreg:$0x0] =	wrdreg $0x0  }
0xae: {  	s6 =	sshll.u32 s28, $0x1;
	[dreg:$0x2] =	wrdreg s4  }
0xaf: {  	[dreg:$0x3] =	wrdreg s6  }
0xb0: {  	[dreg:$0x4] =	wrdreg $0xC0  }
0xb1: {  	_ =	task [dreg:s8], $0x5FFFF  }
0xb2: {  	[dreg:$0x1] =	wrdreg $0xFFFFFFFF  }
0xb3: {  	[dreg:$0x0] =	wrdreg $0x60  }
0xb4: {  	[dreg:$0x2] =	wrdreg s16  }
0xb5: {  	[dreg:$0x3] =	wrdreg s17  }
0xb6: {  	[dreg:$0x4] =	wrdreg s24  }
0xb7: {  	[dreg:$0x5] =	wrdreg $0xA  }
0xb8: {  	_ =	task.clear_ibuf [dreg:s8], $0x6FFFF;
	_ =	strace $0x90000046  }
0xb9: {  	s29 =	simm.s32 $0xA;
	_ =	strace $0x80000048  }
0xba: {  	_ =	swait.ge [sflag:s29], $0x1  }
0xbb: {  	[sflag:s29] =	ssyncadd.s32 $0xFFFFFFFF  }
0xbc: {  	_ =	strace $0x90000048  }
0xbd: {  	_ =	sfence  }
0xbe: {  	s30 =	sld [smem:$0x0];
	_ =	sdelay $0x2  }
0xbf: {  	s31 =	sshll.u32 s1, $0xD;
	s1 =	sshrl.u32 s1, $0x2  }
0xc0: {  	s3 =	sand.u32 $0x4000, s31;
	s1 =	sadd.s32 s1, s30  }
0xc1: {  	s0 =	sor.u32 s3, s0;
	s1 =	sshll.u32 s1, $0x11  }
0xc2: {  	s0 =	sor.u32 s1, s0  }
0xc3: {  	s0 =	sadd.s32 $0x8F2B, s0  }
0xc4: {  	[sflag:s0] =	ssyncadd.remote.s32 $0x1  }
0xc5: {  	_ =	sfence.sel $0xFFFF  }
0xc6: {  	[dreg:$0x0] =	wrdreg $0xFFFFFFFF;
	(pc) =	sbr.abs _section_cstart, $3  }
0xc7: {  	[dreg:$0x1] =	wrdreg $0xFFFFFFFF  }
0xc8: {  	_ =	task.clear_ibuf [dreg:s8], $0x2FFFF;
	_ =	strace $0x9FFFFFFF  }
0xc9: {  	(tm) =	ssettm $0x7FFFFFFF  }
tec
execute0_lowered:
.L_overlay_start_1:
0x0: {  	(tag) =	ssettag $0x1  }
0x1: {  	s1 =	rddreg [dreg:$0x0]  }
0x2: {  	s3 =	rddreg [dreg:$0x1]  }
0x3: {  	s0 =	rddreg [dreg:$0x2]  }
0x4: {  	s5 =	srdreg.scid;
	s2 =	stileid.u32  }
0x5: {  	s4 =	simm.s32 $0x0;
	s10 =	simm.s32 $0x5;
	s11 =	simm.s32 $0x4000  }
0x6: {  	s12 =	simm.s32 $0x50;
	s13 =	simm.s32 $0x8000;
	s14 =	simm.s32 $0xD000  }
0x7: {  	s15 =	simm.s32 $0x80;
	s16 =	simm.s32 $0xA800;
	s17 =	simm.s32 $0x4080  }
0x8: {  	s18 =	simm.s32 $0xF800;
	s19 =	simm.s32 $0x1;
	s20 =	simm.s32 $0x12000  }
0x9: {  	s21 =	simm.s32 $0x4;
	s22 =	simm.s32 $0x3;
	s23 =	simm.s32 $0x2  }
0xa: {  	s24 =	simm.s32 $0x14800;
	s25 =	simm.s32 $0x0;
	s5 =	sand.u32 $0x1, s5  }
.Ltmp0:
0xb: {  	s6 =	sshll.u32 s2, $0x1;
	[smem:$0x7FF] =	sst s4;
	(pc) =	sbr.rel .LBB2_1-.Ltmp0, $4  }
0xc: {  	s6 =	sor.u32 s5, s6;
	_ =	strace $0x80000047;
	s8 =	ssub.s32 $0x2, s5  }
0xd: {  	s5 =	sadd.s32 $0x22C00, s0;
	s7 =	sshll.u32 s6, $0xB;
	s31 =	sshrl.u32 s8, $0x1  }
0xe: {  	s6 =	smul.u32 $0x2710, s6;
	s9 =	sadd.s32 s7, s0;
	s0 =	ssub.s32 s8, s31  }
0xf: {  	s7 =	sadd.s32 $0x12C00, s9;
	s8 =	sadd.s32 $0x2C00, s9;
	s9 =	smax.u32 s0, $0x1  }
.LBB2_10:
0x10: {  	s25 =	sadd.s32 $0x1, s25  }
0x11: {  	_ =	swait.ge [sflag:s21], $0x2800;
	p0 =	sne.s32 s25, s9  }
.Ltmp1:
0x12: {  	[sflag:s21] =	ssyncset.done $0x0;
	(pc) =	sbr.rel @!p0 .LBB2_11-.Ltmp1, $4  }
0x13: {  	[sflag:s21] =	ssyncadd.s32 $0xFFFFD800  }
0x14: {  	_ =	swait.ge [sflag:s22], $0x2800  }
0x15: {  	[sflag:s22] =	ssyncset.done $0x0  }
0x16: {  	[sflag:s22] =	ssyncadd.s32 $0xFFFFD800  }
.LBB2_1:
0x17: {  	[tilespmem:s4], [sflag:$0x5] =	stream.linear.gather [hbm4b:s7+s4], $0x3E80, $0x38;
	[tilespmem:$0x17000] =	vst v63  }
0x18: {  	_ =	swait.ge [sflag:s10], $0x3E80  }
0x19: {  	[sflag:s10] =	ssyncset.done $0x0  }
0x1a: {  	[sflag:s10] =	ssyncadd.s32 $0xFFFFC180  }
0x1b: {  	[tilespmem:s11], [sflag:$0x5] =	stream.linear.gather [hbm4b:s8+s4], $0x3E80, $0x38;
	[tilespmem:$0x17000] =	vst v63  }
0x1c: {  	_ =	swait.ge [sflag:s10], $0x3E80  }
0x1d: {  	[sflag:s10] =	ssyncset.done $0x0  }
0x1e: {  	[sflag:s10] =	ssyncadd.s32 $0xFFFFC180  }
0x1f: {  	[tilespmem:s13], [sflag:$0x1] =	stream.indirect.gather [hbm4b:s1+s12], $0x80, s4, s12, $0xb8;
	[tilespmem:$0x17000] =	vst v63  }
0x20: {  	_ = 	snop  }
0x21: {  	[tilespmem:s14], [sflag:$0x1] =	stream.indirect.gather [hbm4b:s3+s12], $0x80, s11, s12, $0xb8;
	[tilespmem:$0x17000] =	vst v63  }
.Ltmp2:
0x22: {  	_ = 	snop;
	(pc) =	sbr.rel .LBB2_2-.Ltmp2, $4  }
0x23: {  	_ = 	snop  }
0x24: {  	[tilespmem:s16], [sflag:$0x2] =	stream.indirect.gather [hbm4b:s1+s12], $0x80, s15, s12, $0xb8;
	[tilespmem:$0x17000] =	vst v63  }
0x25: {  	s26 =	simm.s32 $0x0  }
0x26: {  	[tilespmem:s18], [sflag:$0x2] =	stream.indirect.gather [hbm4b:s3+s12], $0x80, s17, s12, $0xb8;
	[tilespmem:$0x17000] =	vst v63  }
.LBB2_9:
0x27: {  	s26 =	sadd.s32 $0x1, s26  }
0x28: {  	p0 =	sne.s32 s26, $0x3F  }
.Ltmp3:
0x29: {  	_ = 	snop;
	(pc) =	sbr.rel @!p0 .LBB2_10-.Ltmp3, $1  }
0x2a: {  	_ =	sdelay $0x3  }
.LBB2_2:
0x2b: {  	_ =	swait.ge [sflag:s19], $0x2800  }
0x2c: {  	[sflag:s19] =	ssyncset.done $0x0  }
0x2d: {  	[sflag:s19] =	ssyncadd.s32 $0xFFFFD800  }
0x2e: {  	_ =	swait.ge [sflag:s19], $0x2800  }
0x2f: {  	p0 =	seq.s32 s26, $0x0;
	[sflag:s19] =	ssyncset.done $0x0  }
0x30: {  	s0 =	simm.s32 @!p0 $0x3;
	[sflag:s19] =	ssyncadd.s32 $0xFFFFD800  }
0x31: {  	_ =	swait.ge @!p0 [sflag:s0], $0x2800  }
0x32: {  	[sflag:s0] =	ssyncset.done @!p0 $0x0  }
0x33: {  	s28 =	simm.s32 $0x0;
	[sflag:s0] =	ssyncadd.s32 @!p0 $0xFFFFD800  }
0x34: {  	v0 =	vld [tilespmem:s28+$0x8070]  }
0x35: {  	v1 =	vld [tilespmem:s28+$0xD070]  }
0x36: {  	v2 =	vld [tilespmem:s28+$0x8000]  }
0x37: {  	v3 =	vld [tilespmem:s28+$0xD000]  }
0x38: {  	v4 =	vld [tilespmem:s28+$0x8010]  }
0x39: {  	v5 =	vld [tilespmem:s28+$0xD010]  }
0x3a: {  	v6 =	vld [tilespmem:s28+$0x8020]  }
0x3b: {  	v7 =	vld [tilespmem:s28+$0x8030]  }
0x3c: {  	v0 =	vadd.f32 v1, v0;
	v1 =	vld [tilespmem:s28+$0xD020]  }
0x3d: {  	v8 =	vld [tilespmem:s28+$0xD030]  }
0x3e: {  	v9 =	vld [tilespmem:s28+$0xD040];
	v2 =	vadd.f32 v3, v2  }
0x3f: {  	[tilespmem:s28+$0x12070] =	vst v0;
	v0 =	vadd.f32 v5, v4;
	v5 =	vld [tilespmem:s28+$0x8040]  }
0x40: {  	v3 =	vld [tilespmem:s28+$0xD050];
	[tilespmem:s28+$0x12000] =	vst v2  }
0x41: {  	v2 =	vld [tilespmem:s28+$0x8050];
	[tilespmem:s28+$0x12010] =	vst v0;
	v0 =	vadd.f32 v1, v6  }
0x42: {  	v4 =	vld [tilespmem:s28+$0xD060];
	v6 =	vadd.f32 v8, v7  }
0x43: {  	s30 =	simm.s32 $0x80;
	[tilespmem:s28+$0x12020] =	vst v0;
	v0 =	vld [tilespmem:s28+$0x8060]  }
0x44: {  	s29 =	sshll.u32 s26, $0x1;
	s31 =	simm.s32 $0x400;
	v5 =	vadd.f32 v9, v5;
	v1 =	vld [tilespmem:s30+$0x8070];
	[tilespmem:s28+$0x12030] =	vst v6  }
.LBB2_3:
0x45: {  	p1 =	sne.s32 s31, $0x9E00;
	v6 =	vld [tilespmem:s30+$0xD070]  }
0x46: {  	v7 =	vld [tilespmem:s30+$0x8000];
	[tilespmem:s28+$0x12040] =	vst v5;
	v2 =	vadd.f32 v3, v2  }
0x47: {  	v3 =	vld [tilespmem:s30+$0xD000]  }
0x48: {  	v5 =	vld [tilespmem:s30+$0x8010];
	[tilespmem:s28+$0x12050] =	vst v2;
	v0 =	vadd.f32 v4, v0  }
0x49: {  	v2 =	vld [tilespmem:s30+$0xD010]  }
0x4a: {  	v4 =	vld [tilespmem:s30+$0x8020];
	v1 =	vadd.f32 v6, v1;
	[tilespmem:s28+$0x12060] =	vst v0;
	s28 =	smov.u32 s30  }
0x4b: {  	v0 =	vld [tilespmem:s28+$0xD020]  }
0x4c: {  	v3 =	vadd.f32 v3, v7;
	v6 =	vld [tilespmem:s28+$0x8030];
	[tilespmem:s28+$0x12070] =	vst v1  }
0x4d: {  	v1 =	vld [tilespmem:s28+$0xD030]  }
0x4e: {  	[tilespmem:s28+$0x12000] =	vst v3;
	v2 =	vadd.f32 v2, v5;
	v5 =	vld [tilespmem:s28+$0x8040]  }
0x4f: {  	v7 =	vld [tilespmem:s28+$0xD040]  }
.Ltmp4:
0x50: {  	[tilespmem:s28+$0x12010] =	vst v2;
	v0 =	vadd.f32 v0, v4;
	v2 =	vld [tilespmem:s28+$0x8050];
	(pc) =	sbr.rel @p1 .LBB2_3-.Ltmp4, $4  }
0x51: {  	v3 =	vld [tilespmem:s28+$0xD050]  }
0x52: {  	[tilespmem:s28+$0x12020] =	vst v0;
	v6 =	vadd.f32 v1, v6;
	v0 =	vld [tilespmem:s28+$0x8060]  }
0x53: {  	s30 =	sshra.s32 s31, $0x2;
	v4 =	vld [tilespmem:s28+$0xD060]  }
0x54: {  	s31 =	sadd.s32 $0x200, s31;
	v1 =	vld [tilespmem:s30+$0x8070];
	[tilespmem:s28+$0x12030] =	vst v6;
	v5 =	vadd.f32 v7, v5  }
0x55: {  	v6 =	vld [tilespmem:s30+$0xD070]  }
0x56: {  	v7 =	vld [tilespmem:s30+$0x8000];
	[tilespmem:s28+$0x12040] =	vst v5;
	v2 =	vadd.f32 v3, v2  }
0x57: {  	v51 =	vld [tilespmem:s30+$0xD000]  }
0x58: {  	v5 =	vld [tilespmem:s30+$0x8010];
	[tilespmem:s28+$0x12050] =	vst v2;
	v0 =	vadd.f32 v4, v0  }
0x59: {  	v2 =	vld [tilespmem:s30+$0xD010]  }
0x5a: {  	v52 =	vld [tilespmem:s30+$0x8020];
	[tilespmem:s28+$0x12060] =	vst v0  }
0x5b: {  	v54 =	vld [tilespmem:s30+$0xD020]  }
0x5c: {  	v55 =	vld [tilespmem:s30+$0x8030]  }
0x5d: {  	v56 =	vld [tilespmem:s30+$0xD030]  }
0x5e: {  	v57 =	vld [tilespmem:s30+$0x8040]  }
0x5f: {  	v58 =	vld [tilespmem:s30+$0xD040]  }
0x60: {  	v59 =	vld [tilespmem:s30+$0x8050]  }
0x61: {  	v53 =	vadd.f32 v6, v1;
	v60 =	vld [tilespmem:s30+$0xD050]  }
0x62: {  	v61 =	vld [tilespmem:s30+$0x8060];
	v3 =	vadd.f32 v51, v7  }
0x63: {  	v62 =	vld [tilespmem:s30+$0xD060];
	[tilespmem:s30+$0x12070] =	vst v53;
	v2 =	vadd.f32 v2, v5  }
0x64: {  	[tilespmem:s30+$0x12000] =	vst v3;
	v1 =	vadd.f32 v54, v52  }
0x65: {  	[tilespmem:s30+$0x12010] =	vst v2;
	v0 =	vadd.f32 v56, v55  }
0x66: {  	s0 =	smul.u32 $0xA0, s26;
	p1 =	seq.s32 s26, $0x3E;
	v3 =	vadd.f32 v58, v57;
	[tilespmem:s30+$0x12020] =	vst v1  }
.Ltmp5:
0x67: {  	v63 =	vadd.f32 v60, v59;
	[tilespmem:s30+$0x12030] =	vst v0;
	(pc) =	sbr.rel @p1 .LBB2_10-.Ltmp5, $4  }
0x68: {  	s0 =	sadd.s32 s6, s0;
	[tilespmem:s30+$0x12040] =	vst v3;
	v1 =	vadd.f32 v62, v61  }
0x69: {  	s0 =	sshll.u32 s0, $0x4;
	[tilespmem:s30+$0x12050] =	vst v63  }
0x6a: {  	s0 =	sadd.s32 s5, s0;
	[tilespmem:s30+$0x12060] =	vst v1  }
0x6b: {  	[hbm4b:s0+s4] =	stream.linear.scatter [tilespmem:s20], [sflag:$0x3], $0x2800, $0x38;
	[tilespmem:$0x17000] =	vst v63  }
0x6c: {  	s29 =	sor.u32 $0x1, s29  }
0x6d: {  	p1 =	sgt.u32 s29, $0x7C  }
.Ltmp6:
0x6e: {  	s28 =	sshll.u32 s26, $0x8;
	(pc) =	sbr.rel @p1 .LBB2_9-.Ltmp6, $4  }
0x6f: {  	s0 =	sadd.s32 $0x100, s28  }
0x70: {  	[tilespmem:s13], [sflag:$0x1] =	stream.indirect.gather [hbm4b:s1+s12], $0x80, s0, s12, $0xb8;
	[tilespmem:$0x17000] =	vst v63  }
0x71: {  	s31 =	sadd.s32 $0x4100, s28  }
0x72: {  	[tilespmem:s14], [sflag:$0x1] =	stream.indirect.gather [hbm4b:s3+s12], $0x80, s31, s12, $0xb8;
	[tilespmem:$0x17000] =	vst v63  }
0x73: {  	_ =	swait.ge [sflag:s23], $0x2800  }
0x74: {  	[sflag:s23] =	ssyncset.done $0x0  }
0x75: {  	[sflag:s23] =	ssyncadd.s32 $0xFFFFD800  }
0x76: {  	_ =	swait.ge [sflag:s23], $0x2800  }
0x77: {  	[sflag:s23] =	ssyncset.done $0x0  }
0x78: {  	s0 =	simm.s32 @!p0 $0x4;
	[sflag:s23] =	ssyncadd.s32 $0xFFFFD800  }
0x79: {  	_ =	swait.ge @!p0 [sflag:s0], $0x2800  }
0x7a: {  	[sflag:s0] =	ssyncset.done @!p0 $0x0  }
0x7b: {  	s30 =	simm.s32 $0x0;
	[sflag:s0] =	ssyncadd.s32 @!p0 $0xFFFFD800  }
0x7c: {  	v0 =	vld [tilespmem:s30+$0xA870]  }
0x7d: {  	v1 =	vld [tilespmem:s30+$0xF870]  }
0x7e: {  	v2 =	vld [tilespmem:s30+$0xA800]  }
0x7f: {  	v3 =	vld [tilespmem:s30+$0xF800]  }
0x80: {  	v4 =	vld [tilespmem:s30+$0xA810]  }
0x81: {  	v5 =	vld [tilespmem:s30+$0xF810]  }
0x82: {  	v6 =	vld [tilespmem:s30+$0xA820]  }
0x83: {  	v7 =	vld [tilespmem:s30+$0xA830]  }
0x84: {  	v0 =	vadd.f32 v1, v0;
	v1 =	vld [tilespmem:s30+$0xF820]  }
0x85: {  	v8 =	vld [tilespmem:s30+$0xF830]  }
0x86: {  	v9 =	vld [tilespmem:s30+$0xF840];
	v2 =	vadd.f32 v3, v2  }
0x87: {  	[tilespmem:s30+$0x14870] =	vst v0;
	v0 =	vadd.f32 v5, v4;
	v5 =	vld [tilespmem:s30+$0xA840]  }
0x88: {  	v3 =	vld [tilespmem:s30+$0xF850];
	[tilespmem:s30+$0x14800] =	vst v2  }
0x89: {  	v2 =	vld [tilespmem:s30+$0xA850];
	[tilespmem:s30+$0x14810] =	vst v0;
	v0 =	vadd.f32 v1, v6  }
0x8a: {  	v4 =	vld [tilespmem:s30+$0xF860];
	v6 =	vadd.f32 v8, v7  }
0x8b: {  	s31 =	simm.s32 $0x80;
	[tilespmem:s30+$0x14820] =	vst v0;
	v0 =	vld [tilespmem:s30+$0xA860]  }
0x8c: {  	s0 =	simm.s32 $0x400;
	v5 =	vadd.f32 v9, v5;
	v1 =	vld [tilespmem:s31+$0xA870];
	[tilespmem:s30+$0x14830] =	vst v6  }
.LBB2_7:
0x8d: {  	p0 =	sne.s32 s0, $0x9E00;
	v6 =	vld [tilespmem:s31+$0xF870]  }
0x8e: {  	v7 =	vld [tilespmem:s31+$0xA800];
	[tilespmem:s30+$0x14840] =	vst v5;
	v2 =	vadd.f32 v3, v2  }
0x8f: {  	v3 =	vld [tilespmem:s31+$0xF800]  }
0x90: {  	v5 =	vld [tilespmem:s31+$0xA810];
	[tilespmem:s30+$0x14850] =	vst v2;
	v0 =	vadd.f32 v4, v0  }
0x91: {  	v2 =	vld [tilespmem:s31+$0xF810]  }
0x92: {  	v4 =	vld [tilespmem:s31+$0xA820];
	v1 =	vadd.f32 v6, v1;
	[tilespmem:s30+$0x14860] =	vst v0;
	s30 =	smov.u32 s31  }
0x93: {  	v0 =	vld [tilespmem:s30+$0xF820]  }
0x94: {  	v3 =	vadd.f32 v3, v7;
	v6 =	vld [tilespmem:s30+$0xA830];
	[tilespmem:s30+$0x14870] =	vst v1  }
0x95: {  	v1 =	vld [tilespmem:s30+$0xF830]  }
0x96: {  	[tilespmem:s30+$0x14800] =	vst v3;
	v2 =	vadd.f32 v2, v5;
	v5 =	vld [tilespmem:s30+$0xA840]  }
0x97: {  	v7 =	vld [tilespmem:s30+$0xF840]  }
.Ltmp7:
0x98: {  	[tilespmem:s30+$0x14810] =	vst v2;
	v0 =	vadd.f32 v0, v4;
	v2 =	vld [tilespmem:s30+$0xA850];
	(pc) =	sbr.rel @p0 .LBB2_7-.Ltmp7, $4  }
0x99: {  	v3 =	vld [tilespmem:s30+$0xF850]  }
0x9a: {  	[tilespmem:s30+$0x14820] =	vst v0;
	v6 =	vadd.f32 v1, v6;
	v0 =	vld [tilespmem:s30+$0xA860]  }
0x9b: {  	s31 =	sshra.s32 s0, $0x2;
	v4 =	vld [tilespmem:s30+$0xF860]  }
0x9c: {  	s0 =	sadd.s32 $0x200, s0;
	v1 =	vld [tilespmem:s31+$0xA870];
	[tilespmem:s30+$0x14830] =	vst v6;
	v5 =	vadd.f32 v7, v5  }
0x9d: {  	v6 =	vld [tilespmem:s31+$0xF870]  }
0x9e: {  	v7 =	vld [tilespmem:s31+$0xA800];
	[tilespmem:s30+$0x14840] =	vst v5;
	v2 =	vadd.f32 v3, v2  }
0x9f: {  	v51 =	vld [tilespmem:s31+$0xF800]  }
0xa0: {  	v5 =	vld [tilespmem:s31+$0xA810];
	[tilespmem:s30+$0x14850] =	vst v2;
	v0 =	vadd.f32 v4, v0  }
0xa1: {  	v2 =	vld [tilespmem:s31+$0xF810]  }
0xa2: {  	v52 =	vld [tilespmem:s31+$0xA820];
	[tilespmem:s30+$0x14860] =	vst v0  }
0xa3: {  	v54 =	vld [tilespmem:s31+$0xF820]  }
0xa4: {  	v55 =	vld [tilespmem:s31+$0xA830]  }
0xa5: {  	v56 =	vld [tilespmem:s31+$0xF830]  }
0xa6: {  	v57 =	vld [tilespmem:s31+$0xA840]  }
0xa7: {  	v58 =	vld [tilespmem:s31+$0xF840]  }
0xa8: {  	v59 =	vld [tilespmem:s31+$0xA850]  }
0xa9: {  	v53 =	vadd.f32 v6, v1;
	v60 =	vld [tilespmem:s31+$0xF850]  }
0xaa: {  	v61 =	vld [tilespmem:s31+$0xA860];
	v3 =	vadd.f32 v51, v7  }
0xab: {  	v62 =	vld [tilespmem:s31+$0xF860];
	[tilespmem:s31+$0x14870] =	vst v53;
	v2 =	vadd.f32 v2, v5  }
0xac: {  	[tilespmem:s31+$0x14800] =	vst v3;
	v1 =	vadd.f32 v54, v52  }
0xad: {  	[tilespmem:s31+$0x14810] =	vst v2;
	v0 =	vadd.f32 v56, v55  }
0xae: {  	s0 =	smul.u32 $0x50, s29;
	v3 =	vadd.f32 v58, v57;
	[tilespmem:s31+$0x14820] =	vst v1  }
0xaf: {  	v63 =	vadd.f32 v60, v59;
	[tilespmem:s31+$0x14830] =	vst v0  }
0xb0: {  	s0 =	sadd.s32 s6, s0;
	[tilespmem:s31+$0x14840] =	vst v3;
	v1 =	vadd.f32 v62, v61  }
0xb1: {  	s0 =	sshll.u32 s0, $0x4;
	[tilespmem:s31+$0x14850] =	vst v63  }
0xb2: {  	s0 =	sadd.s32 s5, s0;
	[tilespmem:s31+$0x14860] =	vst v1  }
0xb3: {  	[hbm4b:s0+s4] =	stream.linear.scatter [tilespmem:s24], [sflag:$0x4], $0x2800, $0x38;
	[tilespmem:$0x17000] =	vst v63  }
.Ltmp8:
0xb4: {  	p0 =	sgt.u32 s26, $0x3C;
	(pc) =	sbr.rel .LBB2_9-.Ltmp8, $4  }
0xb5: {  	s29 =	simm.s32 @!p0 $0x50;
	s30 =	simm.s32 @!p0 $0xA800;
	s0 =	sadd.s32 @!p0 $0x180, s28  }
0xb6: {  	[tilespmem:s30], [sflag:$0x2] =	stream.indirect.gather @!p0 [hbm4b:s1+s29], $0x80, s0, s29, $0xb8;
	[tilespmem:$0x17000] =	vst v63  }
0xb7: {  	s0 =	sadd.s32 @!p0 $0x4180, s28;
	s28 =	simm.s32 @!p0 $0xF800  }
0xb8: {  	[tilespmem:s28], [sflag:$0x2] =	stream.indirect.gather @!p0 [hbm4b:s3+s29], $0x80, s0, s29, $0xb8;
	[tilespmem:$0x17000] =	vst v63  }
.LBB2_11:
0xb9: {  	_ =	sfence.sel $0x180000  }
0xba: {  	[bflag:$0x0] =	sbarrier.arrive $0xFFFF  }
0xbb: {  	_ =	strace $0x90000047  }
0xbc: {  	[bflag:$0x2] =	sbarrier.arrive $0xFFFF  }
0xbd: {  	p0 =	sne.s32 s2, $0x0;
	s0 =	rddreg [dreg:$0x3]  }
0xbe: {  	s0 =	sadd.s32 @!p0 $0x100000, s0  }
0xbf: {  	[sflag:s0] =	ssyncadd.tile.s32 @!p0 $0x1;
	_ =	shalt  }
.Lfunc_end2:
_tile_overlayer_lowered:
.L_overlay_start_2:
0xc0: {  	(tag) =	ssettag $0x2  }
0xc1: {  	s0 =	rddreg [dreg:$0x0];
	s2 =	stileid.u32  }
0xc2: {  	s1 =	rddreg [dreg:$0x1];
	p0 =	sne.s32 s2, $0x0  }
0xc3: {  	s3 =	rddreg [dreg:$0x2];
	[bflag:$0x3] =	sbarrier.arrive $0xFFFF;
	s2 =	simm.s32 @!p0 $0x1C05  }
0xc4: {  	[timem:s3], [sflag:s2] =	dma.local @!p0 [hbm:s0], s1  }
0xc5: {  	s0 =	simm.s32 @!p0 $0x5  }
0xc6: {  	_ =	swait.ge @!p0 [sflag:s0], s1  }
0xc7: {  	s1 =	ssub.s32 @!p0 $0x0, s1;
	[sflag:s0] =	ssyncset.done @!p0 $0x0  }
0xc8: {  	[sflag:s0] =	ssyncadd.s32 @!p0 s1  }
0xc9: {  	[bflag:$0x3] =	sbarrier.arrive $0xFFFF  }
0xca: {  	_ =	shalt  }

</sc_bundles>
